<compile_context>
chip_gen: v7x
topology: tpu7x:2x2x1
jax: 0.10.2.dev20260603
libtpu: 0.0.44.dev20260713+nightly
codegen_flags: <defaults>
</compile_context>

<pallas_src>
import functools

import jax
import jax.numpy as jnp
import numpy as np
from jax import lax
from jax.experimental import pallas as pl
from jax.experimental.pallas import tpu as pltpu
from jax.experimental.pallas import tpu_sc as plsc

BINS = 50
LO, HI = -1.0, 1.0
EPS = 1e-6
W = 128
R = 2048
NBP = 64
BR = 32
BPAD = 144
PCOLS = NBP * NBP
GROUP = 16

_NC, _NS = 2, 16
ROWS_PER_WORKER = R // (_NC * _NS)
NGROUPS = ROWS_PER_WORKER // GROUP


def _sc_body(x_hbm, bext_hbm, pzero_hbm, bins_hbm, p_hbm,
             x_v, bins_v, p_v, bext_v, mnmx_v):
    wid = lax.axis_index("s") * _NC + lax.axis_index("c")
    base = wid * ROWS_PER_WORKER

    pltpu.sync_copy(bext_hbm, bext_v)
    pltpu.sync_copy(x_hbm.at[pl.ds(base, ROWS_PER_WORKER)], x_v)
    pltpu.sync_copy(pzero_hbm, p_v)

    lanes = lax.broadcasted_iota(jnp.int32, (16,), 0)
    tail_mask = lanes < 15

    def row_pass(r, i):
        chunks = [x_v[r, pl.ds(16 * j, 16)] for j in range(8)]
        mn, mx = chunks[0], chunks[0]
        for c in chunks[1:]:
            mn = jnp.minimum(mn, c)
            mx = jnp.maximum(mx, c)
        for k in (8, 4, 2, 1):
            mnmx_v[pl.ds(0, 16)] = mn
            mnmx_v[pl.ds(16, 16)] = mx
            perm = lanes ^ k
            mn = jnp.minimum(mn, plsc.load_gather(mnmx_v, [perm]))
            mx = jnp.maximum(mx, plsc.load_gather(mnmx_v, [perm + 16]))
        rmin = mn
        rmax = mx
        d = rmax - rmin + EPS
        for j in range(8):
            xs = ((chunks[j] - rmin) / d) * (HI - LO) + LO
            e = jnp.clip(((xs - LO) * (BINS / (HI - LO))).astype(jnp.int32),
                         0, BINS - 1)
            blo = plsc.load_gather(bext_v, [e])
            bhi = plsc.load_gather(bext_v, [e + 1])
            e = (e + (bhi < xs).astype(jnp.int32)
                 - (blo >= xs).astype(jnp.int32))
            bins_v[r, pl.ds(16 * j, 16)] = e
        rowvec = jnp.full((16,), i, dtype=jnp.int32)
        for j in range(8):
            cur = bins_v[r, pl.ds(16 * j, 16)]
            nxt = bins_v[r, pl.ds(16 * j + 1, 16)]
            idx = cur * NBP + nxt
            valid = None if j < 7 else tail_mask
            cnt, last = plsc.scan_count(idx, valid)
            plsc.addupdate_scatter(p_v, [rowvec, idx],
                                   cnt.astype(jnp.float32), mask=last)

    def row_zero(r, i):
        rowvec = jnp.full((16,), i, dtype=jnp.int32)
        zeros = jnp.zeros((16,), dtype=jnp.float32)
        for j in range(8):
            cur = bins_v[r, pl.ds(16 * j, 16)]
            nxt = bins_v[r, pl.ds(16 * j + 1, 16)]
            idx = cur * NBP + nxt
            valid = None if j < 7 else tail_mask
            plsc.store_scatter(p_v, [rowvec, idx], zeros, mask=valid)

    def group_body(g, carry):
        def fill(i, carry):
            row_pass(g * GROUP + i, i)
            return carry
        lax.fori_loop(0, GROUP, fill, 0)
        pltpu.sync_copy(p_v, p_hbm.at[pl.ds(base + g * GROUP, GROUP)])

        def zero(i, carry):
            row_zero(g * GROUP + i, i)
            return carry
        lax.fori_loop(0, GROUP, zero, 0)
        return carry

    lax.fori_loop(0, NGROUPS, group_body, 0)
    pltpu.sync_copy(bins_v, bins_hbm.at[pl.ds(base, ROWS_PER_WORKER)])


def _expand_block(bins_row_ref, p_ref, out_ref):
    row_iota = lax.broadcasted_iota(jnp.int32, (NBP, W), 0)
    for r in range(BR):
        brow = bins_row_ref[r : r + 1, :]
        gt = (row_iota == brow).astype(jnp.bfloat16)
        p = p_ref[r].astype(jnp.bfloat16)
        m = jax.lax.dot_general(
            gt, p, (((0,), (0,)), ((), ())),
            preferred_element_type=jnp.float32)
        mbf = m.astype(jnp.bfloat16)
        s = jnp.sum(m, axis=1, keepdims=True)
        recip = 1.0 / jnp.where(s == 0.0, 1.0, s)
        out = jax.lax.dot_general(
            mbf, gt, (((1,), (0,)), ((), ())),
            preferred_element_type=jnp.float32)
        out_ref[r, :, :] = out * recip


@jax.jit
def kernel(X):
    lead = X.shape[:-1]
    Xf = X.reshape(R, W)

    boundaries = jnp.linspace(LO, HI, BINS + 1, dtype=X.dtype)[1:-1]
    bext = jnp.concatenate([
        jnp.array([-1e30], dtype=jnp.float32),
        boundaries.astype(jnp.float32),
        jnp.full((NBP - BINS,), 1e30, dtype=jnp.float32),
    ])
    pzero = jnp.zeros((GROUP, PCOLS), dtype=jnp.float32)

    sc = pl.kernel(
        _sc_body,
        out_type=[
            jax.ShapeDtypeStruct((R, BPAD), jnp.int32),
            jax.ShapeDtypeStruct((R, PCOLS), jnp.float32),
        ],
        mesh=plsc.VectorSubcoreMesh(core_axis_name="c", subcore_axis_name="s"),
        compiler_params=pltpu.CompilerParams(needs_layout_passes=False),
        scratch_types=[
            pltpu.VMEM((ROWS_PER_WORKER, W), jnp.float32),
            pltpu.VMEM((ROWS_PER_WORKER, BPAD), jnp.int32),
            pltpu.VMEM((GROUP, PCOLS), jnp.float32),
            pltpu.VMEM((NBP,), jnp.float32),
            pltpu.VMEM((32,), jnp.float32),
        ],
    )
    bins_pad, p_flat = sc(Xf, bext, pzero)
    bins = bins_pad[:, :W]
    p3 = p_flat.reshape(R, NBP, NBP)

    out = pl.pallas_call(
        _expand_block,
        grid=(R // BR,),
        in_specs=[
            pl.BlockSpec((BR, W), lambda i: (i, 0)),
            pl.BlockSpec((BR, NBP, NBP), lambda i: (i, 0, 0)),
        ],
        out_specs=pl.BlockSpec((BR, W, W), lambda i: (i, 0, 0)),
        out_shape=jax.ShapeDtypeStruct((R, W, W), jnp.float32),
    )(bins, p3)
    return out.reshape(lead + (W, W))

# --- scband reference (transcript-rebuilt; emitter-appended) ---
"""Pipeline reference for scband-mtflayer-81655918232152 (READ-ONLY COPY).

The authoritative reference and input builder live on the scoring server;
editing this copy changes nothing except your own understanding.
"""

import jax, jax.numpy as jnp
import numpy as np

BINS = 50
SCALING = (-1.0, 1.0)
EPS = 1e-6


def setup_inputs(seed: int = 0) -> dict:
    key = jax.random.key(seed)
    X = jax.random.normal(key, (256, 8, 128), dtype=jnp.float32)
    return {"X": X}


def reference(X):
    lo, hi = SCALING
    # minmax_scaler over last dim
    X_min = jnp.min(X, axis=-1, keepdims=True)
    X_max = jnp.max(X, axis=-1, keepdims=True)
    X_std = (X - X_min) / (X_max - X_min + EPS)
    X_scaled = X_std * (hi - lo) + lo

    wsize = X.shape[-1]
    boundaries = jnp.linspace(lo, hi, BINS + 1, dtype=X.dtype)[1:-1]
    # torch.bucketize(right=False): boundaries[i-1] < x <= boundaries[i] -> searchsorted side='left'
    X_binned = jnp.searchsorted(boundaries, X_scaled, side='left')
    n_bins = boundaries.shape[0] + 1

    lead_shape = X_binned.shape[:-1]
    R = int(np.prod(lead_shape))

    # Markov transition matrix via per-row scatter-add
    cur = X_binned[..., :-1].reshape(R, wsize - 1)
    nxt = X_binned[..., 1:].reshape(R, wsize - 1)
    idx = cur * n_bins + nxt
    row = jnp.arange(R)[:, None]
    mtm_flat = jnp.zeros((R, n_bins * n_bins), dtype=X.dtype).at[row, idx].add(1.0)
    X_mtm = mtm_flat.reshape(lead_shape + (n_bins, n_bins))
    sum_mtm = jnp.sum(X_mtm, axis=-1)
    denom = jnp.where(sum_mtm[..., None] == 0, jnp.ones_like(sum_mtm[..., None]), sum_mtm[..., None])
    X_mtm = X_mtm / denom

    # Markov transition field via gather
    Xb_flat = X_binned.reshape(R, wsize)
    indices = n_bins * Xb_flat[:, :, None] + Xb_flat[:, None, :]
    X_mtf_flat = X_mtm.reshape(R, n_bins * n_bins)
    X_mtf = jnp.take_along_axis(X_mtf_flat, indices.reshape(R, -1), axis=1)
    return X_mtf.reshape(X.shape + (wsize,))

if __name__ == "__main__":
    import jax
    _d = setup_inputs()
    print(jax.jit(kernel)(*tuple(_d.values())))

</pallas_src>

<mosaic_0001>
#map = affine_map<(d0, d1) -> (0, 0)>
#map1 = affine_map<(d0, d1) -> (0)>
module attributes {stable_mosaic.version = 14 : i64} {
  func.func @_sc_body(%arg0: i32, %arg1: i32, %arg2: memref<2048x128xf32, #tpu.memory_space<hbm>>, %arg3: memref<64xf32, #tpu.memory_space<hbm>>, %arg4: memref<16x4096xf32, #tpu.memory_space<hbm>>, %arg5: memref<2048x144xi32, #tpu.memory_space<hbm>>, %arg6: memref<2048x4096xf32, #tpu.memory_space<hbm>>, %arg7: memref<64x128xf32, #tpu.memory_space<vmem>>, %arg8: memref<64x144xi32, #tpu.memory_space<vmem>>, %arg9: memref<16x4096xf32, #tpu.memory_space<vmem>>, %arg10: memref<64xf32, #tpu.memory_space<vmem>>, %arg11: memref<32xf32, #tpu.memory_space<vmem>>) attributes {dimension_semantics = [#tpu.dimension_semantics<core_parallel>, #tpu.dimension_semantics<subcore_parallel>], iteration_bounds = array<i64: 2, 16>, scalar_prefetch = 0 : i64, scratch_operands = 5 : i64, tpu.core_type = #tpu.core_type<sc_vector_subcore>, window_params = [{transform_indices = #map}, {transform_indices = #map1}, {transform_indices = #map}, {transform_indices = #map}, {transform_indices = #map}]} {
    %mul3A = arith.constant 2 : i32
    %mul3A_0 = arith.muli %arg1, %mul3A : i32
    %add3A = arith.addi %mul3A_0, %arg0 : i32
    %mul3A_1 = arith.constant 64 : i32
    %mul3A_2 = arith.muli %add3A, %mul3A_1 : i32
    "tpu.region"() ({
      %run_scoped3A = tpu.sem_alloc : memref<!tpu.dma_semaphore, #tpu.memory_space<semaphore_mem>>
      tpu.enqueue_dma source(%arg3 : memref<64xf32, #tpu.memory_space<hbm>>) target(%arg10 : memref<64xf32, #tpu.memory_space<vmem>>) target_semaphore(%run_scoped3A : memref<!tpu.dma_semaphore, #tpu.memory_space<semaphore_mem>>)
      tpu.wait_dma2 semaphore(%run_scoped3A : memref<!tpu.dma_semaphore, #tpu.memory_space<semaphore_mem>>) src(%arg3 : memref<64xf32, #tpu.memory_space<hbm>>) dst(%arg10 : memref<64xf32, #tpu.memory_space<vmem>>)
      tpu.yield
    }) : () -> ()
    "tpu.region"() ({
      %run_scoped3A = tpu.sem_alloc : memref<!tpu.dma_semaphore, #tpu.memory_space<semaphore_mem>>
      %dma_start3A = arith.constant 0 : i32
      %dma_start3A_10 = tpu.memref_slice %arg2[%mul3A_2, %dma_start3A] : memref<2048x128xf32, #tpu.memory_space<hbm>> -> memref<64x128xf32, #tpu.memory_space<hbm>>
      %dma_start3A_11 = arith.constant 0 : i32
      %dma_start3A_12 = tpu.memref_slice %arg2[%mul3A_2, %dma_start3A_11] : memref<2048x128xf32, #tpu.memory_space<hbm>> -> memref<64x128xf32, #tpu.memory_space<hbm>>
      tpu.enqueue_dma source(%dma_start3A_12 : memref<64x128xf32, #tpu.memory_space<hbm>>) target(%arg7 : memref<64x128xf32, #tpu.memory_space<vmem>>) target_semaphore(%run_scoped3A : memref<!tpu.dma_semaphore, #tpu.memory_space<semaphore_mem>>)
      %dma_wait3A = arith.constant 0 : i32
      %dma_wait3A_13 = tpu.memref_slice %arg2[%mul3A_2, %dma_wait3A] : memref<2048x128xf32, #tpu.memory_space<hbm>> -> memref<64x128xf32, #tpu.memory_space<hbm>>
      %dma_wait3A_14 = arith.constant 0 : i32
      %dma_wait3A_15 = tpu.memref_slice %arg2[%mul3A_2, %dma_wait3A_14] : memref<2048x128xf32, #tpu.memory_space<hbm>> -> memref<64x128xf32, #tpu.memory_space<hbm>>
      tpu.wait_dma2 semaphore(%run_scoped3A : memref<!tpu.dma_semaphore, #tpu.memory_space<semaphore_mem>>) src(%dma_wait3A_15 : memref<64x128xf32, #tpu.memory_space<hbm>>) dst(%arg7 : memref<64x128xf32, #tpu.memory_space<vmem>>)
      tpu.yield
    }) : () -> ()
    "tpu.region"() ({
      %run_scoped3A = tpu.sem_alloc : memref<!tpu.dma_semaphore, #tpu.memory_space<semaphore_mem>>
      tpu.enqueue_dma source(%arg4 : memref<16x4096xf32, #tpu.memory_space<hbm>>) target(%arg9 : memref<16x4096xf32, #tpu.memory_space<vmem>>) target_semaphore(%run_scoped3A : memref<!tpu.dma_semaphore, #tpu.memory_space<semaphore_mem>>)
      tpu.wait_dma2 semaphore(%run_scoped3A : memref<!tpu.dma_semaphore, #tpu.memory_space<semaphore_mem>>) src(%arg4 : memref<16x4096xf32, #tpu.memory_space<hbm>>) dst(%arg9 : memref<16x4096xf32, #tpu.memory_space<vmem>>)
      tpu.yield
    }) : () -> ()
    %iota3A = tpu.iota {dimensions = array<i32: 0>} : vector<16xi32>
    %lt3A = arith.constant 15 : i32
    %lt3A_3 = vector.broadcast %lt3A : i32 to vector<16xi32>
    %lt3A_4 = arith.cmpi slt, %iota3A, %lt3A_3 : vector<16xi32>
    %scan3A = arith.constant 0 : i32
    %scan3A_5 = arith.constant 0 : i32
    %scan3A_6 = arith.constant 4 : i32
    %scan3A_7 = arith.addi %scan3A_5, %scan3A_6 : i32
    %scan3A_8 = arith.constant 1 : i32
    scf.for %scan3A_10 = %scan3A_5 to %scan3A_7 step %scan3A_8  : i32 {
      %scan3A_11 = arith.constant 0 : i32
      %scan3A_12 = arith.constant 0 : i32
      %scan3A_13 = arith.constant 16 : i32
      %scan3A_14 = arith.addi %scan3A_12, %scan3A_13 : i32
      %scan3A_15 = arith.constant 1 : i32
      scf.for %scan3A_26 = %scan3A_12 to %scan3A_14 step %scan3A_15  : i32 {
        %mul3A_27 = arith.constant 16 : i32
        %mul3A_28 = arith.muli %scan3A_10, %mul3A_27 : i32
        %add3A_29 = arith.addi %mul3A_28, %scan3A_26 : i32
        %get3A = arith.index_cast %add3A_29 : i32 to index
        %get3A_30 = arith.constant 0 : index
        %get3A_31 = tpu.vector_load %arg7[%get3A, %get3A_30] {strides = array<i32>} : memref<64x128xf32, #tpu.memory_space<vmem>>, vector<16xf32>,
        %get3A_32 = arith.index_cast %add3A_29 : i32 to index
        %get3A_33 = arith.constant 16 : index
        %get3A_34 = tpu.vector_load %arg7[%get3A_32, %get3A_33] {strides = array<i32>} : memref<64x128xf32, #tpu.memory_space<vmem>>, vector<16xf32>,
        %get3A_35 = arith.index_cast %add3A_29 : i32 to index
        %get3A_36 = arith.constant 32 : index
        %get3A_37 = tpu.vector_load %arg7[%get3A_35, %get3A_36] {strides = array<i32>} : memref<64x128xf32, #tpu.memory_space<vmem>>, vector<16xf32>,
        %get3A_38 = arith.index_cast %add3A_29 : i32 to index
        %get3A_39 = arith.constant 48 : index
        %get3A_40 = tpu.vector_load %arg7[%get3A_38, %get3A_39] {strides = array<i32>} : memref<64x128xf32, #tpu.memory_space<vmem>>, vector<16xf32>,
        %get3A_41 = arith.index_cast %add3A_29 : i32 to index
        %get3A_42 = arith.constant 64 : index
        %get3A_43 = tpu.vector_load %arg7[%get3A_41, %get3A_42] {strides = array<i32>} : memref<64x128xf32, #tpu.memory_space<vmem>>, vector<16xf32>,
        %get3A_44 = arith.index_cast %add3A_29 : i32 to index
        %get3A_45 = arith.constant 80 : index
        %get3A_46 = tpu.vector_load %arg7[%get3A_44, %get3A_45] {strides = array<i32>} : memref<64x128xf32, #tpu.memory_space<vmem>>, vector<16xf32>,
        %get3A_47 = arith.index_cast %add3A_29 : i32 to index
        %get3A_48 = arith.constant 96 : index
        %get3A_49 = tpu.vector_load %arg7[%get3A_47, %get3A_48] {strides = array<i32>} : memref<64x128xf32, #tpu.memory_space<vmem>>, vector<16xf32>,
        %get3A_50 = arith.index_cast %add3A_29 : i32 to index
        %get3A_51 = arith.constant 112 : index
        %get3A_52 = tpu.vector_load %arg7[%get3A_50, %get3A_51] {strides = array<i32>} : memref<64x128xf32, #tpu.memory_space<vmem>>, vector<16xf32>,
        %min3A = arith.minimumf %get3A_31, %get3A_34 : vector<16xf32>
        %max3A = arith.maximumf %get3A_31, %get3A_34 : vector<16xf32>
        %min3A_53 = arith.minimumf %min3A, %get3A_37 : vector<16xf32>
        %max3A_54 = arith.maximumf %max3A, %get3A_37 : vector<16xf32>
        %min3A_55 = arith.minimumf %min3A_53, %get3A_40 : vector<16xf32>
        %max3A_56 = arith.maximumf %max3A_54, %get3A_40 : vector<16xf32>
        %min3A_57 = arith.minimumf %min3A_55, %get3A_43 : vector<16xf32>
        %max3A_58 = arith.maximumf %max3A_56, %get3A_43 : vector<16xf32>
        %min3A_59 = arith.minimumf %min3A_57, %get3A_46 : vector<16xf32>
        %max3A_60 = arith.maximumf %max3A_58, %get3A_46 : vector<16xf32>
        %min3A_61 = arith.minimumf %min3A_59, %get3A_49 : vector<16xf32>
        %max3A_62 = arith.maximumf %max3A_60, %get3A_49 : vector<16xf32>
        %min3A_63 = arith.minimumf %min3A_61, %get3A_52 : vector<16xf32>
        %max3A_64 = arith.maximumf %max3A_62, %get3A_52 : vector<16xf32>
        %swap3A = arith.constant 0 : index
        %swap3A_65 = tpu.vector_load %arg11[%swap3A] {strides = array<i32>} : memref<32xf32, #tpu.memory_space<vmem>>, vector<16xf32>,
        tpu.vector_store %arg11[%swap3A], %min3A_63 {strides = array<i32>} : memref<32xf32, #tpu.memory_space<vmem>>, vector<16xf32>,
        %swap3A_66 = arith.constant 16 : index
        %swap3A_67 = tpu.vector_load %arg11[%swap3A_66] {strides = array<i32>} : memref<32xf32, #tpu.memory_space<vmem>>, vector<16xf32>,
        tpu.vector_store %arg11[%swap3A_66], %max3A_64 {strides = array<i32>} : memref<32xf32, #tpu.memory_space<vmem>>, vector<16xf32>,
        %xor3A = arith.constant 8 : i32
        %xor3A_68 = vector.broadcast %xor3A : i32 to vector<16xi32>
        %xor3A_69 = arith.xori %iota3A, %xor3A_68 : vector<16xi32>
        %gather3A = tpu.vector_load_idx %arg11[%xor3A_69] : memref<32xf32, #tpu.memory_space<vmem>>[vector<16xi32>], vector<16xf32>,
        %min3A_70 = arith.minimumf %min3A_63, %gather3A : vector<16xf32>
        %add3A_71 = arith.constant 16 : i32
        %add3A_72 = vector.broadcast %add3A_71 : i32 to vector<16xi32>
        %add3A_73 = arith.addi %xor3A_69, %add3A_72 : vector<16xi32>
        %gather3A_74 = tpu.vector_load_idx %arg11[%add3A_73] : memref<32xf32, #tpu.memory_space<vmem>>[vector<16xi32>], vector<16xf32>,
        %max3A_75 = arith.maximumf %max3A_64, %gather3A_74 : vector<16xf32>
        %swap3A_76 = arith.constant 0 : index
        %swap3A_77 = tpu.vector_load %arg11[%swap3A_76] {strides = array<i32>} : memref<32xf32, #tpu.memory_space<vmem>>, vector<16xf32>,
        tpu.vector_store %arg11[%swap3A_76], %min3A_70 {strides = array<i32>} : memref<32xf32, #tpu.memory_space<vmem>>, vector<16xf32>,
        %swap3A_78 = arith.constant 16 : index
        %swap3A_79 = tpu.vector_load %arg11[%swap3A_78] {strides = array<i32>} : memref<32xf32, #tpu.memory_space<vmem>>, vector<16xf32>,
        tpu.vector_store %arg11[%swap3A_78], %max3A_75 {strides = array<i32>} : memref<32xf32, #tpu.memory_space<vmem>>, vector<16xf32>,
        %xor3A_80 = arith.constant 4 : i32
        %xor3A_81 = vector.broadcast %xor3A_80 : i32 to vector<16xi32>
        %xor3A_82 = arith.xori %iota3A, %xor3A_81 : vector<16xi32>
        %gather3A_83 = tpu.vector_load_idx %arg11[%xor3A_82] : memref<32xf32, #tpu.memory_space<vmem>>[vector<16xi32>], vector<16xf32>,
        %min3A_84 = arith.minimumf %min3A_70, %gather3A_83 : vector<16xf32>
        %add3A_85 = arith.constant 16 : i32
        %add3A_86 = vector.broadcast %add3A_85 : i32 to vector<16xi32>
        %add3A_87 = arith.addi %xor3A_82, %add3A_86 : vector<16xi32>
        %gather3A_88 = tpu.vector_load_idx %arg11[%add3A_87] : memref<32xf32, #tpu.memory_space<vmem>>[vector<16xi32>], vector<16xf32>,
        %max3A_89 = arith.maximumf %max3A_75, %gather3A_88 : vector<16xf32>
        %swap3A_90 = arith.constant 0 : index
        %swap3A_91 = tpu.vector_load %arg11[%swap3A_90] {strides = array<i32>} : memref<32xf32, #tpu.memory_space<vmem>>, vector<16xf32>,
        tpu.vector_store %arg11[%swap3A_90], %min3A_84 {strides = array<i32>} : memref<32xf32, #tpu.memory_space<vmem>>, vector<16xf32>,
        %swap3A_92 = arith.constant 16 : index
        %swap3A_93 = tpu.vector_load %arg11[%swap3A_92] {strides = array<i32>} : memref<32xf32, #tpu.memory_space<vmem>>, vector<16xf32>,
        tpu.vector_store %arg11[%swap3A_92], %max3A_89 {strides = array<i32>} : memref<32xf32, #tpu.memory_space<vmem>>, vector<16xf32>,
        %xor3A_94 = arith.constant 2 : i32
        %xor3A_95 = vector.broadcast %xor3A_94 : i32 to vector<16xi32>
        %xor3A_96 = arith.xori %iota3A, %xor3A_95 : vector<16xi32>
        %gather3A_97 = tpu.vector_load_idx %arg11[%xor3A_96] : memref<32xf32, #tpu.memory_space<vmem>>[vector<16xi32>], vector<16xf32>,
        %min3A_98 = arith.minimumf %min3A_84, %gather3A_97 : vector<16xf32>
        %add3A_99 = arith.constant 16 : i32
        %add3A_100 = vector.broadcast %add3A_99 : i32 to vector<16xi32>
        %add3A_101 = arith.addi %xor3A_96, %add3A_100 : vector<16xi32>
        %gather3A_102 = tpu.vector_load_idx %arg11[%add3A_101] : memref<32xf32, #tpu.memory_space<vmem>>[vector<16xi32>], vector<16xf32>,
        %max3A_103 = arith.maximumf %max3A_89, %gather3A_102 : vector<16xf32>
        %swap3A_104 = arith.constant 0 : index
        %swap3A_105 = tpu.vector_load %arg11[%swap3A_104] {strides = array<i32>} : memref<32xf32, #tpu.memory_space<vmem>>, vector<16xf32>,
        tpu.vector_store %arg11[%swap3A_104], %min3A_98 {strides = array<i32>} : memref<32xf32, #tpu.memory_space<vmem>>, vector<16xf32>,
        %swap3A_106 = arith.constant 16 : index
        %swap3A_107 = tpu.vector_load %arg11[%swap3A_106] {strides = array<i32>} : memref<32xf32, #tpu.memory_space<vmem>>, vector<16xf32>,
        tpu.vector_store %arg11[%swap3A_106], %max3A_103 {strides = array<i32>} : memref<32xf32, #tpu.memory_space<vmem>>, vector<16xf32>,
        %xor3A_108 = arith.constant 1 : i32
        %xor3A_109 = vector.broadcast %xor3A_108 : i32 to vector<16xi32>
        %xor3A_110 = arith.xori %iota3A, %xor3A_109 : vector<16xi32>
        %gather3A_111 = tpu.vector_load_idx %arg11[%xor3A_110] : memref<32xf32, #tpu.memory_space<vmem>>[vector<16xi32>], vector<16xf32>,
        %min3A_112 = arith.minimumf %min3A_98, %gather3A_111 : vector<16xf32>
        %add3A_113 = arith.constant 16 : i32
        %add3A_114 = vector.broadcast %add3A_113 : i32 to vector<16xi32>
        %add3A_115 = arith.addi %xor3A_110, %add3A_114 : vector<16xi32>
        %gather3A_116 = tpu.vector_load_idx %arg11[%add3A_115] : memref<32xf32, #tpu.memory_space<vmem>>[vector<16xi32>], vector<16xf32>,
        %max3A_117 = arith.maximumf %max3A_103, %gather3A_116 : vector<16xf32>
        %sub3A = arith.subf %max3A_117, %min3A_112 : vector<16xf32>
        %add3A_118 = arith.constant 9.99999997E-7 : f32
        %add3A_119 = vector.broadcast %add3A_118 : f32 to vector<16xf32>
        %add3A_120 = arith.addf %sub3A, %add3A_119 : vector<16xf32>
        %sub3A_121 = arith.subf %get3A_31, %min3A_112 : vector<16xf32>
        %div3A = arith.divf %sub3A_121, %add3A_120 : vector<16xf32>
        %mul3A_122 = arith.constant 2.000000e+00 : f32
        %mul3A_123 = vector.broadcast %mul3A_122 : f32 to vector<16xf32>
        %mul3A_124 = arith.mulf %div3A, %mul3A_123 : vector<16xf32>
        %add3A_125 = arith.constant -1.000000e+00 : f32
        %add3A_126 = vector.broadcast %add3A_125 : f32 to vector<16xf32>
        %add3A_127 = arith.addf %mul3A_124, %add3A_126 : vector<16xf32>
        %sub3A_128 = arith.constant -1.000000e+00 : f32
        %sub3A_129 = vector.broadcast %sub3A_128 : f32 to vector<16xf32>
        %sub3A_130 = arith.subf %add3A_127, %sub3A_129 : vector<16xf32>
        %mul3A_131 = arith.constant 2.500000e+01 : f32
        %mul3A_132 = vector.broadcast %mul3A_131 : f32 to vector<16xf32>
        %mul3A_133 = arith.mulf %sub3A_130, %mul3A_132 : vector<16xf32>
        %convert_element_type3A = arith.fptosi %mul3A_133 : vector<16xf32> to vector<16xi32>
        %jit3A = arith.constant 0 : i32
        %jit3A_134 = arith.constant 49 : i32
        %max3A_135 = vector.broadcast %jit3A : i32 to vector<16xi32>
        %max3A_136 = arith.maxsi %max3A_135, %convert_element_type3A : vector<16xi32>
        %min3A_137 = vector.broadcast %jit3A_134 : i32 to vector<16xi32>
        %min3A_138 = arith.minsi %min3A_137, %max3A_136 : vector<16xi32>
        %gather3A_139 = tpu.vector_load_idx %arg10[%min3A_138] : memref<64xf32, #tpu.memory_space<vmem>>[vector<16xi32>], vector<16xf32>,
        %add3A_140 = arith.constant 1 : i32
        %add3A_141 = vector.broadcast %add3A_140 : i32 to vector<16xi32>
        %add3A_142 = arith.addi %min3A_138, %add3A_141 : vector<16xi32>
        %gather3A_143 = tpu.vector_load_idx %arg10[%add3A_142] : memref<64xf32, #tpu.memory_space<vmem>>[vector<16xi32>], vector<16xf32>,
        %lt3A_144 = arith.cmpf olt, %gather3A_143, %add3A_127 : vector<16xf32>
        %convert_element_type3A_145 = arith.extui %lt3A_144 : vector<16xi1> to vector<16xi32>
        %add3A_146 = arith.addi %min3A_138, %convert_element_type3A_145 : vector<16xi32>
        %ge3A = arith.cmpf oge, %gather3A_139, %add3A_127 : vector<16xf32>
        %convert_element_type3A_147 = arith.extui %ge3A : vector<16xi1> to vector<16xi32>
        %sub3A_148 = arith.subi %add3A_146, %convert_element_type3A_147 : vector<16xi32>
        %swap3A_149 = arith.index_cast %add3A_29 : i32 to index
        %swap3A_150 = arith.constant 0 : index
        %swap3A_151 = tpu.vector_load %arg8[%swap3A_149, %swap3A_150] {strides = array<i32>} : memref<64x144xi32, #tpu.memory_space<vmem>>, vector<16xi32>,
        tpu.vector_store %arg8[%swap3A_149, %swap3A_150], %sub3A_148 {strides = array<i32>} : memref<64x144xi32, #tpu.memory_space<vmem>>, vector<16xi32>,
        %sub3A_152 = arith.subf %get3A_34, %min3A_112 : vector<16xf32>
        %div3A_153 = arith.divf %sub3A_152, %add3A_120 : vector<16xf32>
        %mul3A_154 = arith.constant 2.000000e+00 : f32
        %mul3A_155 = vector.broadcast %mul3A_154 : f32 to vector<16xf32>
        %mul3A_156 = arith.mulf %div3A_153, %mul3A_155 : vector<16xf32>
        %add3A_157 = arith.constant -1.000000e+00 : f32
        %add3A_158 = vector.broadcast %add3A_157 : f32 to vector<16xf32>
        %add3A_159 = arith.addf %mul3A_156, %add3A_158 : vector<16xf32>
        %sub3A_160 = arith.constant -1.000000e+00 : f32
        %sub3A_161 = vector.broadcast %sub3A_160 : f32 to vector<16xf32>
        %sub3A_162 = arith.subf %add3A_159, %sub3A_161 : vector<16xf32>
        %mul3A_163 = arith.constant 2.500000e+01 : f32
        %mul3A_164 = vector.broadcast %mul3A_163 : f32 to vector<16xf32>
        %mul3A_165 = arith.mulf %sub3A_162, %mul3A_164 : vector<16xf32>
        %convert_element_type3A_166 = arith.fptosi %mul3A_165 : vector<16xf32> to vector<16xi32>
        %jit3A_167 = arith.constant 0 : i32
        %jit3A_168 = arith.constant 49 : i32
        %max3A_169 = vector.broadcast %jit3A_167 : i32 to vector<16xi32>
        %max3A_170 = arith.maxsi %max3A_169, %convert_element_type3A_166 : vector<16xi32>
        %min3A_171 = vector.broadcast %jit3A_168 : i32 to vector<16xi32>
        %min3A_172 = arith.minsi %min3A_171, %max3A_170 : vector<16xi32>
        %gather3A_173 = tpu.vector_load_idx %arg10[%min3A_172] : memref<64xf32, #tpu.memory_space<vmem>>[vector<16xi32>], vector<16xf32>,
        %add3A_174 = arith.constant 1 : i32
        %add3A_175 = vector.broadcast %add3A_174 : i32 to vector<16xi32>
        %add3A_176 = arith.addi %min3A_172, %add3A_175 : vector<16xi32>
        %gather3A_177 = tpu.vector_load_idx %arg10[%add3A_176] : memref<64xf32, #tpu.memory_space<vmem>>[vector<16xi32>], vector<16xf32>,
        %lt3A_178 = arith.cmpf olt, %gather3A_177, %add3A_159 : vector<16xf32>
        %convert_element_type3A_179 = arith.extui %lt3A_178 : vector<16xi1> to vector<16xi32>
        %add3A_180 = arith.addi %min3A_172, %convert_element_type3A_179 : vector<16xi32>
        %ge3A_181 = arith.cmpf oge, %gather3A_173, %add3A_159 : vector<16xf32>
        %convert_element_type3A_182 = arith.extui %ge3A_181 : vector<16xi1> to vector<16xi32>
        %sub3A_183 = arith.subi %add3A_180, %convert_element_type3A_182 : vector<16xi32>
        %swap3A_184 = arith.index_cast %add3A_29 : i32 to index
        %swap3A_185 = arith.constant 16 : index
        %swap3A_186 = tpu.vector_load %arg8[%swap3A_184, %swap3A_185] {strides = array<i32>} : memref<64x144xi32, #tpu.memory_space<vmem>>, vector<16xi32>,
        tpu.vector_store %arg8[%swap3A_184, %swap3A_185], %sub3A_183 {strides = array<i32>} : memref<64x144xi32, #tpu.memory_space<vmem>>, vector<16xi32>,
        %sub3A_187 = arith.subf %get3A_37, %min3A_112 : vector<16xf32>
        %div3A_188 = arith.divf %sub3A_187, %add3A_120 : vector<16xf32>
        %mul3A_189 = arith.constant 2.000000e+00 : f32
        %mul3A_190 = vector.broadcast %mul3A_189 : f32 to vector<16xf32>
        %mul3A_191 = arith.mulf %div3A_188, %mul3A_190 : vector<16xf32>
        %add3A_192 = arith.constant -1.000000e+00 : f32
        %add3A_193 = vector.broadcast %add3A_192 : f32 to vector<16xf32>
        %add3A_194 = arith.addf %mul3A_191, %add3A_193 : vector<16xf32>
        %sub3A_195 = arith.constant -1.000000e+00 : f32
        %sub3A_196 = vector.broadcast %sub3A_195 : f32 to vector<16xf32>
        %sub3A_197 = arith.subf %add3A_194, %sub3A_196 : vector<16xf32>
        %mul3A_198 = arith.constant 2.500000e+01 : f32
        %mul3A_199 = vector.broadcast %mul3A_198 : f32 to vector<16xf32>
        %mul3A_200 = arith.mulf %sub3A_197, %mul3A_199 : vector<16xf32>
        %convert_element_type3A_201 = arith.fptosi %mul3A_200 : vector<16xf32> to vector<16xi32>
        %jit3A_202 = arith.constant 0 : i32
        %jit3A_203 = arith.constant 49 : i32
        %max3A_204 = vector.broadcast %jit3A_202 : i32 to vector<16xi32>
        %max3A_205 = arith.maxsi %max3A_204, %convert_element_type3A_201 : vector<16xi32>
        %min3A_206 = vector.broadcast %jit3A_203 : i32 to vector<16xi32>
        %min3A_207 = arith.minsi %min3A_206, %max3A_205 : vector<16xi32>
        %gather3A_208 = tpu.vector_load_idx %arg10[%min3A_207] : memref<64xf32, #tpu.memory_space<vmem>>[vector<16xi32>], vector<16xf32>,
        %add3A_209 = arith.constant 1 : i32
        %add3A_210 = vector.broadcast %add3A_209 : i32 to vector<16xi32>
        %add3A_211 = arith.addi %min3A_207, %add3A_210 : vector<16xi32>
        %gather3A_212 = tpu.vector_load_idx %arg10[%add3A_211] : memref<64xf32, #tpu.memory_space<vmem>>[vector<16xi32>], vector<16xf32>,
        %lt3A_213 = arith.cmpf olt, %gather3A_212, %add3A_194 : vector<16xf32>
        %convert_element_type3A_214 = arith.extui %lt3A_213 : vector<16xi1> to vector<16xi32>
        %add3A_215 = arith.addi %min3A_207, %convert_element_type3A_214 : vector<16xi32>
        %ge3A_216 = arith.cmpf oge, %gather3A_208, %add3A_194 : vector<16xf32>
        %convert_element_type3A_217 = arith.extui %ge3A_216 : vector<16xi1> to vector<16xi32>
        %sub3A_218 = arith.subi %add3A_215, %convert_element_type3A_217 : vector<16xi32>
        %swap3A_219 = arith.index_cast %add3A_29 : i32 to index
        %swap3A_220 = arith.constant 32 : index
        %swap3A_221 = tpu.vector_load %arg8[%swap3A_219, %swap3A_220] {strides = array<i32>} : memref<64x144xi32, #tpu.memory_space<vmem>>, vector<16xi32>,
        tpu.vector_store %arg8[%swap3A_219, %swap3A_220], %sub3A_218 {strides = array<i32>} : memref<64x144xi32, #tpu.memory_space<vmem>>, vector<16xi32>,
        %sub3A_222 = arith.subf %get3A_40, %min3A_112 : vector<16xf32>
        %div3A_223 = arith.divf %sub3A_222, %add3A_120 : vector<16xf32>
        %mul3A_224 = arith.constant 2.000000e+00 : f32
        %mul3A_225 = vector.broadcast %mul3A_224 : f32 to vector<16xf32>
        %mul3A_226 = arith.mulf %div3A_223, %mul3A_225 : vector<16xf32>
        %add3A_227 = arith.constant -1.000000e+00 : f32
        %add3A_228 = vector.broadcast %add3A_227 : f32 to vector<16xf32>
        %add3A_229 = arith.addf %mul3A_226, %add3A_228 : vector<16xf32>
        %sub3A_230 = arith.constant -1.000000e+00 : f32
        %sub3A_231 = vector.broadcast %sub3A_230 : f32 to vector<16xf32>
        %sub3A_232 = arith.subf %add3A_229, %sub3A_231 : vector<16xf32>
        %mul3A_233 = arith.constant 2.500000e+01 : f32
        %mul3A_234 = vector.broadcast %mul3A_233 : f32 to vector<16xf32>
        %mul3A_235 = arith.mulf %sub3A_232, %mul3A_234 : vector<16xf32>
        %convert_element_type3A_236 = arith.fptosi %mul3A_235 : vector<16xf32> to vector<16xi32>
        %jit3A_237 = arith.constant 0 : i32
        %jit3A_238 = arith.constant 49 : i32
        %max3A_239 = vector.broadcast %jit3A_237 : i32 to vector<16xi32>
        %max3A_240 = arith.maxsi %max3A_239, %convert_element_type3A_236 : vector<16xi32>
        %min3A_241 = vector.broadcast %jit3A_238 : i32 to vector<16xi32>
        %min3A_242 = arith.minsi %min3A_241, %max3A_240 : vector<16xi32>
        %gather3A_243 = tpu.vector_load_idx %arg10[%min3A_242] : memref<64xf32, #tpu.memory_space<vmem>>[vector<16xi32>], vector<16xf32>,
        %add3A_244 = arith.constant 1 : i32
        %add3A_245 = vector.broadcast %add3A_244 : i32 to vector<16xi32>
        %add3A_246 = arith.addi %min3A_242, %add3A_245 : vector<16xi32>
        %gather3A_247 = tpu.vector_load_idx %arg10[%add3A_246] : memref<64xf32, #tpu.memory_space<vmem>>[vector<16xi32>], vector<16xf32>,
        %lt3A_248 = arith.cmpf olt, %gather3A_247, %add3A_229 : vector<16xf32>
        %convert_element_type3A_249 = arith.extui %lt3A_248 : vector<16xi1> to vector<16xi32>
        %add3A_250 = arith.addi %min3A_242, %convert_element_type3A_249 : vector<16xi32>
        %ge3A_251 = arith.cmpf oge, %gather3A_243, %add3A_229 : vector<16xf32>
        %convert_element_type3A_252 = arith.extui %ge3A_251 : vector<16xi1> to vector<16xi32>
        %sub3A_253 = arith.subi %add3A_250, %convert_element_type3A_252 : vector<16xi32>
        %swap3A_254 = arith.index_cast %add3A_29 : i32 to index
        %swap3A_255 = arith.constant 48 : index
        %swap3A_256 = tpu.vector_load %arg8[%swap3A_254, %swap3A_255] {strides = array<i32>} : memref<64x144xi32, #tpu.memory_space<vmem>>, vector<16xi32>,
        tpu.vector_store %arg8[%swap3A_254, %swap3A_255], %sub3A_253 {strides = array<i32>} : memref<64x144xi32, #tpu.memory_space<vmem>>, vector<16xi32>,
        %sub3A_257 = arith.subf %get3A_43, %min3A_112 : vector<16xf32>
        %div3A_258 = arith.divf %sub3A_257, %add3A_120 : vector<16xf32>
        %mul3A_259 = arith.constant 2.000000e+00 : f32
        %mul3A_260 = vector.broadcast %mul3A_259 : f32 to vector<16xf32>
        %mul3A_261 = arith.mulf %div3A_258, %mul3A_260 : vector<16xf32>
        %add3A_262 = arith.constant -1.000000e+00 : f32
        %add3A_263 = vector.broadcast %add3A_262 : f32 to vector<16xf32>
        %add3A_264 = arith.addf %mul3A_261, %add3A_263 : vector<16xf32>
        %sub3A_265 = arith.constant -1.000000e+00 : f32
        %sub3A_266 = vector.broadcast %sub3A_265 : f32 to vector<16xf32>
        %sub3A_267 = arith.subf %add3A_264, %sub3A_266 : vector<16xf32>
        %mul3A_268 = arith.constant 2.500000e+01 : f32
        %mul3A_269 = vector.broadcast %mul3A_268 : f32 to vector<16xf32>
        %mul3A_270 = arith.mulf %sub3A_267, %mul3A_269 : vector<16xf32>
        %convert_element_type3A_271 = arith.fptosi %mul3A_270 : vector<16xf32> to vector<16xi32>
        %jit3A_272 = arith.constant 0 : i32
        %jit3A_273 = arith.constant 49 : i32
        %max3A_274 = vector.broadcast %jit3A_272 : i32 to vector<16xi32>
        %max3A_275 = arith.maxsi %max3A_274, %convert_element_type3A_271 : vector<16xi32>
        %min3A_276 = vector.broadcast %jit3A_273 : i32 to vector<16xi32>
        %min3A_277 = arith.minsi %min3A_276, %max3A_275 : vector<16xi32>
        %gather3A_278 = tpu.vector_load_idx %arg10[%min3A_277] : memref<64xf32, #tpu.memory_space<vmem>>[vector<16xi32>], vector<16xf32>,
        %add3A_279 = arith.constant 1 : i32
        %add3A_280 = vector.broadcast %add3A_279 : i32 to vector<16xi32>
        %add3A_281 = arith.addi %min3A_277, %add3A_280 : vector<16xi32>
        %gather3A_282 = tpu.vector_load_idx %arg10[%add3A_281] : memref<64xf32, #tpu.memory_space<vmem>>[vector<16xi32>], vector<16xf32>,
        %lt3A_283 = arith.cmpf olt, %gather3A_282, %add3A_264 : vector<16xf32>
        %convert_element_type3A_284 = arith.extui %lt3A_283 : vector<16xi1> to vector<16xi32>
        %add3A_285 = arith.addi %min3A_277, %convert_element_type3A_284 : vector<16xi32>
        %ge3A_286 = arith.cmpf oge, %gather3A_278, %add3A_264 : vector<16xf32>
        %convert_element_type3A_287 = arith.extui %ge3A_286 : vector<16xi1> to vector<16xi32>
        %sub3A_288 = arith.subi %add3A_285, %convert_element_type3A_287 : vector<16xi32>
        %swap3A_289 = arith.index_cast %add3A_29 : i32 to index
        %swap3A_290 = arith.constant 64 : index
        %swap3A_291 = tpu.vector_load %arg8[%swap3A_289, %swap3A_290] {strides = array<i32>} : memref<64x144xi32, #tpu.memory_space<vmem>>, vector<16xi32>,
        tpu.vector_store %arg8[%swap3A_289, %swap3A_290], %sub3A_288 {strides = array<i32>} : memref<64x144xi32, #tpu.memory_space<vmem>>, vector<16xi32>,
        %sub3A_292 = arith.subf %get3A_46, %min3A_112 : vector<16xf32>
        %div3A_293 = arith.divf %sub3A_292, %add3A_120 : vector<16xf32>
        %mul3A_294 = arith.constant 2.000000e+00 : f32
        %mul3A_295 = vector.broadcast %mul3A_294 : f32 to vector<16xf32>
        %mul3A_296 = arith.mulf %div3A_293, %mul3A_295 : vector<16xf32>
        %add3A_297 = arith.constant -1.000000e+00 : f32
        %add3A_298 = vector.broadcast %add3A_297 : f32 to vector<16xf32>
        %add3A_299 = arith.addf %mul3A_296, %add3A_298 : vector<16xf32>
        %sub3A_300 = arith.constant -1.000000e+00 : f32
        %sub3A_301 = vector.broadcast %sub3A_300 : f32 to vector<16xf32>
        %sub3A_302 = arith.subf %add3A_299, %sub3A_301 : vector<16xf32>
        %mul3A_303 = arith.constant 2.500000e+01 : f32
        %mul3A_304 = vector.broadcast %mul3A_303 : f32 to vector<16xf32>
        %mul3A_305 = arith.mulf %sub3A_302, %mul3A_304 : vector<16xf32>
        %convert_element_type3A_306 = arith.fptosi %mul3A_305 : vector<16xf32> to vector<16xi32>
        %jit3A_307 = arith.constant 0 : i32
        %jit3A_308 = arith.constant 49 : i32
        %max3A_309 = vector.broadcast %jit3A_307 : i32 to vector<16xi32>
        %max3A_310 = arith.maxsi %max3A_309, %convert_element_type3A_306 : vector<16xi32>
        %min3A_311 = vector.broadcast %jit3A_308 : i32 to vector<16xi32>
        %min3A_312 = arith.minsi %min3A_311, %max3A_310 : vector<16xi32>
        %gather3A_313 = tpu.vector_load_idx %arg10[%min3A_312] : memref<64xf32, #tpu.memory_space<vmem>>[vector<16xi32>], vector<16xf32>,
        %add3A_314 = arith.constant 1 : i32
        %add3A_315 = vector.broadcast %add3A_314 : i32 to vector<16xi32>
        %add3A_316 = arith.addi %min3A_312, %add3A_315 : vector<16xi32>
        %gather3A_317 = tpu.vector_load_idx %arg10[%add3A_316] : memref<64xf32, #tpu.memory_space<vmem>>[vector<16xi32>], vector<16xf32>,
        %lt3A_318 = arith.cmpf olt, %gather3A_317, %add3A_299 : vector<16xf32>
        %convert_element_type3A_319 = arith.extui %lt3A_318 : vector<16xi1> to vector<16xi32>
        %add3A_320 = arith.addi %min3A_312, %convert_element_type3A_319 : vector<16xi32>
        %ge3A_321 = arith.cmpf oge, %gather3A_313, %add3A_299 : vector<16xf32>
        %convert_element_type3A_322 = arith.extui %ge3A_321 : vector<16xi1> to vector<16xi32>
        %sub3A_323 = arith.subi %add3A_320, %convert_element_type3A_322 : vector<16xi32>
        %swap3A_324 = arith.index_cast %add3A_29 : i32 to index
        %swap3A_325 = arith.constant 80 : index
        %swap3A_326 = tpu.vector_load %arg8[%swap3A_324, %swap3A_325] {strides = array<i32>} : memref<64x144xi32, #tpu.memory_space<vmem>>, vector<16xi32>,
        tpu.vector_store %arg8[%swap3A_324, %swap3A_325], %sub3A_323 {strides = array<i32>} : memref<64x144xi32, #tpu.memory_space<vmem>>, vector<16xi32>,
        %sub3A_327 = arith.subf %get3A_49, %min3A_112 : vector<16xf32>
        %div3A_328 = arith.divf %sub3A_327, %add3A_120 : vector<16xf32>
        %mul3A_329 = arith.constant 2.000000e+00 : f32
        %mul3A_330 = vector.broadcast %mul3A_329 : f32 to vector<16xf32>
        %mul3A_331 = arith.mulf %div3A_328, %mul3A_330 : vector<16xf32>
        %add3A_332 = arith.constant -1.000000e+00 : f32
        %add3A_333 = vector.broadcast %add3A_332 : f32 to vector<16xf32>
        %add3A_334 = arith.addf %mul3A_331, %add3A_333 : vector<16xf32>
        %sub3A_335 = arith.constant -1.000000e+00 : f32
        %sub3A_336 = vector.broadcast %sub3A_335 : f32 to vector<16xf32>
        %sub3A_337 = arith.subf %add3A_334, %sub3A_336 : vector<16xf32>
        %mul3A_338 = arith.constant 2.500000e+01 : f32
        %mul3A_339 = vector.broadcast %mul3A_338 : f32 to vector<16xf32>
        %mul3A_340 = arith.mulf %sub3A_337, %mul3A_339 : vector<16xf32>
        %convert_element_type3A_341 = arith.fptosi %mul3A_340 : vector<16xf32> to vector<16xi32>
        %jit3A_342 = arith.constant 0 : i32
        %jit3A_343 = arith.constant 49 : i32
        %max3A_344 = vector.broadcast %jit3A_342 : i32 to vector<16xi32>
        %max3A_345 = arith.maxsi %max3A_344, %convert_element_type3A_341 : vector<16xi32>
        %min3A_346 = vector.broadcast %jit3A_343 : i32 to vector<16xi32>
        %min3A_347 = arith.minsi %min3A_346, %max3A_345 : vector<16xi32>
        %gather3A_348 = tpu.vector_load_idx %arg10[%min3A_347] : memref<64xf32, #tpu.memory_space<vmem>>[vector<16xi32>], vector<16xf32>,
        %add3A_349 = arith.constant 1 : i32
        %add3A_350 = vector.broadcast %add3A_349 : i32 to vector<16xi32>
        %add3A_351 = arith.addi %min3A_347, %add3A_350 : vector<16xi32>
        %gather3A_352 = tpu.vector_load_idx %arg10[%add3A_351] : memref<64xf32, #tpu.memory_space<vmem>>[vector<16xi32>], vector<16xf32>,
        %lt3A_353 = arith.cmpf olt, %gather3A_352, %add3A_334 : vector<16xf32>
        %convert_element_type3A_354 = arith.extui %lt3A_353 : vector<16xi1> to vector<16xi32>
        %add3A_355 = arith.addi %min3A_347, %convert_element_type3A_354 : vector<16xi32>
        %ge3A_356 = arith.cmpf oge, %gather3A_348, %add3A_334 : vector<16xf32>
        %convert_element_type3A_357 = arith.extui %ge3A_356 : vector<16xi1> to vector<16xi32>
        %sub3A_358 = arith.subi %add3A_355, %convert_element_type3A_357 : vector<16xi32>
        %swap3A_359 = arith.index_cast %add3A_29 : i32 to index
        %swap3A_360 = arith.constant 96 : index
        %swap3A_361 = tpu.vector_load %arg8[%swap3A_359, %swap3A_360] {strides = array<i32>} : memref<64x144xi32, #tpu.memory_space<vmem>>, vector<16xi32>,
        tpu.vector_store %arg8[%swap3A_359, %swap3A_360], %sub3A_358 {strides = array<i32>} : memref<64x144xi32, #tpu.memory_space<vmem>>, vector<16xi32>,
        %sub3A_362 = arith.subf %get3A_52, %min3A_112 : vector<16xf32>
        %div3A_363 = arith.divf %sub3A_362, %add3A_120 : vector<16xf32>
        %mul3A_364 = arith.constant 2.000000e+00 : f32
        %mul3A_365 = vector.broadcast %mul3A_364 : f32 to vector<16xf32>
        %mul3A_366 = arith.mulf %div3A_363, %mul3A_365 : vector<16xf32>
        %add3A_367 = arith.constant -1.000000e+00 : f32
        %add3A_368 = vector.broadcast %add3A_367 : f32 to vector<16xf32>
        %add3A_369 = arith.addf %mul3A_366, %add3A_368 : vector<16xf32>
        %sub3A_370 = arith.constant -1.000000e+00 : f32
        %sub3A_371 = vector.broadcast %sub3A_370 : f32 to vector<16xf32>
        %sub3A_372 = arith.subf %add3A_369, %sub3A_371 : vector<16xf32>
        %mul3A_373 = arith.constant 2.500000e+01 : f32
        %mul3A_374 = vector.broadcast %mul3A_373 : f32 to vector<16xf32>
        %mul3A_375 = arith.mulf %sub3A_372, %mul3A_374 : vector<16xf32>
        %convert_element_type3A_376 = arith.fptosi %mul3A_375 : vector<16xf32> to vector<16xi32>
        %jit3A_377 = arith.constant 0 : i32
        %jit3A_378 = arith.constant 49 : i32
        %max3A_379 = vector.broadcast %jit3A_377 : i32 to vector<16xi32>
        %max3A_380 = arith.maxsi %max3A_379, %convert_element_type3A_376 : vector<16xi32>
        %min3A_381 = vector.broadcast %jit3A_378 : i32 to vector<16xi32>
        %min3A_382 = arith.minsi %min3A_381, %max3A_380 : vector<16xi32>
        %gather3A_383 = tpu.vector_load_idx %arg10[%min3A_382] : memref<64xf32, #tpu.memory_space<vmem>>[vector<16xi32>], vector<16xf32>,
        %add3A_384 = arith.constant 1 : i32
        %add3A_385 = vector.broadcast %add3A_384 : i32 to vector<16xi32>
        %add3A_386 = arith.addi %min3A_382, %add3A_385 : vector<16xi32>
        %gather3A_387 = tpu.vector_load_idx %arg10[%add3A_386] : memref<64xf32, #tpu.memory_space<vmem>>[vector<16xi32>], vector<16xf32>,
        %lt3A_388 = arith.cmpf olt, %gather3A_387, %add3A_369 : vector<16xf32>
        %convert_element_type3A_389 = arith.extui %lt3A_388 : vector<16xi1> to vector<16xi32>
        %add3A_390 = arith.addi %min3A_382, %convert_element_type3A_389 : vector<16xi32>
        %ge3A_391 = arith.cmpf oge, %gather3A_383, %add3A_369 : vector<16xf32>
        %convert_element_type3A_392 = arith.extui %ge3A_391 : vector<16xi1> to vector<16xi32>
        %sub3A_393 = arith.subi %add3A_390, %convert_element_type3A_392 : vector<16xi32>
        %swap3A_394 = arith.index_cast %add3A_29 : i32 to index
        %swap3A_395 = arith.constant 112 : index
        %swap3A_396 = tpu.vector_load %arg8[%swap3A_394, %swap3A_395] {strides = array<i32>} : memref<64x144xi32, #tpu.memory_space<vmem>>, vector<16xi32>,
        tpu.vector_store %arg8[%swap3A_394, %swap3A_395], %sub3A_393 {strides = array<i32>} : memref<64x144xi32, #tpu.memory_space<vmem>>, vector<16xi32>,
        %broadcast_in_dim3A = vector.broadcast %scan3A_26 : i32 to vector<16xi32>
        %get3A_397 = arith.index_cast %add3A_29 : i32 to index
        %get3A_398 = arith.constant 0 : index
        %get3A_399 = tpu.vector_load %arg8[%get3A_397, %get3A_398] {strides = array<i32>} : memref<64x144xi32, #tpu.memory_space<vmem>>, vector<16xi32>,
        %get3A_400 = arith.index_cast %add3A_29 : i32 to index
        %get3A_401 = arith.constant 1 : index
        %get3A_402 = tpu.vector_load %arg8[%get3A_400, %get3A_401] {strides = array<i32>} : memref<64x144xi32, #tpu.memory_space<vmem>>, vector<16xi32>,
        %mul3A_403 = arith.constant 64 : i32
        %mul3A_404 = vector.broadcast %mul3A_403 : i32 to vector<16xi32>
        %mul3A_405 = arith.muli %get3A_399, %mul3A_404 : vector<16xi32>
        %add3A_406 = arith.addi %mul3A_405, %get3A_402 : vector<16xi32>
        %broadcast_in_dim3A_407 = arith.constant true
        %broadcast_in_dim3A_408 = vector.broadcast %broadcast_in_dim3A_407 : i1 to vector<16xi1>
        %unique3A, %unique3A_409 = tpu.scan_count mask(%broadcast_in_dim3A_408 : vector<16xi1>) value(%add3A_406 : vector<16xi32>) : vector<16xi1>, vector<16xi32>
        %convert_element_type3A_410 = arith.sitofp %unique3A_409 : vector<16xi32> to vector<16xf32>
        tpu.vector_store_idx %arg9[%broadcast_in_dim3A, %add3A_406], %convert_element_type3A_410 masked %unique3A {add = true} : memref<16x4096xf32, #tpu.memory_space<vmem>>[vector<16xi32>, vector<16xi32>], vector<16xf32>, vector<16xi1>
        %get3A_411 = arith.index_cast %add3A_29 : i32 to index
        %get3A_412 = arith.constant 16 : index
        %get3A_413 = tpu.vector_load %arg8[%get3A_411, %get3A_412] {strides = array<i32>} : memref<64x144xi32, #tpu.memory_space<vmem>>, vector<16xi32>,
        %get3A_414 = arith.index_cast %add3A_29 : i32 to index
        %get3A_415 = arith.constant 17 : index
        %get3A_416 = tpu.vector_load %arg8[%get3A_414, %get3A_415] {strides = array<i32>} : memref<64x144xi32, #tpu.memory_space<vmem>>, vector<16xi32>,
        %mul3A_417 = arith.constant 64 : i32
        %mul3A_418 = vector.broadcast %mul3A_417 : i32 to vector<16xi32>
        %mul3A_419 = arith.muli %get3A_413, %mul3A_418 : vector<16xi32>
        %add3A_420 = arith.addi %mul3A_419, %get3A_416 : vector<16xi32>
        %broadcast_in_dim3A_421 = arith.constant true
        %broadcast_in_dim3A_422 = vector.broadcast %broadcast_in_dim3A_421 : i1 to vector<16xi1>
        %unique3A_423, %unique3A_424 = tpu.scan_count mask(%broadcast_in_dim3A_422 : vector<16xi1>) value(%add3A_420 : vector<16xi32>) : vector<16xi1>, vector<16xi32>
        %convert_element_type3A_425 = arith.sitofp %unique3A_424 : vector<16xi32> to vector<16xf32>
        tpu.vector_store_idx %arg9[%broadcast_in_dim3A, %add3A_420], %convert_element_type3A_425 masked %unique3A_423 {add = true} : memref<16x4096xf32, #tpu.memory_space<vmem>>[vector<16xi32>, vector<16xi32>], vector<16xf32>, vector<16xi1>
        %get3A_426 = arith.index_cast %add3A_29 : i32 to index
        %get3A_427 = arith.constant 32 : index
        %get3A_428 = tpu.vector_load %arg8[%get3A_426, %get3A_427] {strides = array<i32>} : memref<64x144xi32, #tpu.memory_space<vmem>>, vector<16xi32>,
        %get3A_429 = arith.index_cast %add3A_29 : i32 to index
        %get3A_430 = arith.constant 33 : index
        %get3A_431 = tpu.vector_load %arg8[%get3A_429, %get3A_430] {strides = array<i32>} : memref<64x144xi32, #tpu.memory_space<vmem>>, vector<16xi32>,
        %mul3A_432 = arith.constant 64 : i32
        %mul3A_433 = vector.broadcast %mul3A_432 : i32 to vector<16xi32>
        %mul3A_434 = arith.muli %get3A_428, %mul3A_433 : vector<16xi32>
        %add3A_435 = arith.addi %mul3A_434, %get3A_431 : vector<16xi32>
        %broadcast_in_dim3A_436 = arith.constant true
        %broadcast_in_dim3A_437 = vector.broadcast %broadcast_in_dim3A_436 : i1 to vector<16xi1>
        %unique3A_438, %unique3A_439 = tpu.scan_count mask(%broadcast_in_dim3A_437 : vector<16xi1>) value(%add3A_435 : vector<16xi32>) : vector<16xi1>, vector<16xi32>
        %convert_element_type3A_440 = arith.sitofp %unique3A_439 : vector<16xi32> to vector<16xf32>
        tpu.vector_store_idx %arg9[%broadcast_in_dim3A, %add3A_435], %convert_element_type3A_440 masked %unique3A_438 {add = true} : memref<16x4096xf32, #tpu.memory_space<vmem>>[vector<16xi32>, vector<16xi32>], vector<16xf32>, vector<16xi1>
        %get3A_441 = arith.index_cast %add3A_29 : i32 to index
        %get3A_442 = arith.constant 48 : index
        %get3A_443 = tpu.vector_load %arg8[%get3A_441, %get3A_442] {strides = array<i32>} : memref<64x144xi32, #tpu.memory_space<vmem>>, vector<16xi32>,
        %get3A_444 = arith.index_cast %add3A_29 : i32 to index
        %get3A_445 = arith.constant 49 : index
        %get3A_446 = tpu.vector_load %arg8[%get3A_444, %get3A_445] {strides = array<i32>} : memref<64x144xi32, #tpu.memory_space<vmem>>, vector<16xi32>,
        %mul3A_447 = arith.constant 64 : i32
        %mul3A_448 = vector.broadcast %mul3A_447 : i32 to vector<16xi32>
        %mul3A_449 = arith.muli %get3A_443, %mul3A_448 : vector<16xi32>
        %add3A_450 = arith.addi %mul3A_449, %get3A_446 : vector<16xi32>
        %broadcast_in_dim3A_451 = arith.constant true
        %broadcast_in_dim3A_452 = vector.broadcast %broadcast_in_dim3A_451 : i1 to vector<16xi1>
        %unique3A_453, %unique3A_454 = tpu.scan_count mask(%broadcast_in_dim3A_452 : vector<16xi1>) value(%add3A_450 : vector<16xi32>) : vector<16xi1>, vector<16xi32>
        %convert_element_type3A_455 = arith.sitofp %unique3A_454 : vector<16xi32> to vector<16xf32>
        tpu.vector_store_idx %arg9[%broadcast_in_dim3A, %add3A_450], %convert_element_type3A_455 masked %unique3A_453 {add = true} : memref<16x4096xf32, #tpu.memory_space<vmem>>[vector<16xi32>, vector<16xi32>], vector<16xf32>, vector<16xi1>
        %get3A_456 = arith.index_cast %add3A_29 : i32 to index
        %get3A_457 = arith.constant 64 : index
        %get3A_458 = tpu.vector_load %arg8[%get3A_456, %get3A_457] {strides = array<i32>} : memref<64x144xi32, #tpu.memory_space<vmem>>, vector<16xi32>,
        %get3A_459 = arith.index_cast %add3A_29 : i32 to index
        %get3A_460 = arith.constant 65 : index
        %get3A_461 = tpu.vector_load %arg8[%get3A_459, %get3A_460] {strides = array<i32>} : memref<64x144xi32, #tpu.memory_space<vmem>>, vector<16xi32>,
        %mul3A_462 = arith.constant 64 : i32
        %mul3A_463 = vector.broadcast %mul3A_462 : i32 to vector<16xi32>
        %mul3A_464 = arith.muli %get3A_458, %mul3A_463 : vector<16xi32>
        %add3A_465 = arith.addi %mul3A_464, %get3A_461 : vector<16xi32>
        %broadcast_in_dim3A_466 = arith.constant true
        %broadcast_in_dim3A_467 = vector.broadcast %broadcast_in_dim3A_466 : i1 to vector<16xi1>
        %unique3A_468, %unique3A_469 = tpu.scan_count mask(%broadcast_in_dim3A_467 : vector<16xi1>) value(%add3A_465 : vector<16xi32>) : vector<16xi1>, vector<16xi32>
        %convert_element_type3A_470 = arith.sitofp %unique3A_469 : vector<16xi32> to vector<16xf32>
        tpu.vector_store_idx %arg9[%broadcast_in_dim3A, %add3A_465], %convert_element_type3A_470 masked %unique3A_468 {add = true} : memref<16x4096xf32, #tpu.memory_space<vmem>>[vector<16xi32>, vector<16xi32>], vector<16xf32>, vector<16xi1>
        %get3A_471 = arith.index_cast %add3A_29 : i32 to index
        %get3A_472 = arith.constant 80 : index
        %get3A_473 = tpu.vector_load %arg8[%get3A_471, %get3A_472] {strides = array<i32>} : memref<64x144xi32, #tpu.memory_space<vmem>>, vector<16xi32>,
        %get3A_474 = arith.index_cast %add3A_29 : i32 to index
        %get3A_475 = arith.constant 81 : index
        %get3A_476 = tpu.vector_load %arg8[%get3A_474, %get3A_475] {strides = array<i32>} : memref<64x144xi32, #tpu.memory_space<vmem>>, vector<16xi32>,
        %mul3A_477 = arith.constant 64 : i32
        %mul3A_478 = vector.broadcast %mul3A_477 : i32 to vector<16xi32>
        %mul3A_479 = arith.muli %get3A_473, %mul3A_478 : vector<16xi32>
        %add3A_480 = arith.addi %mul3A_479, %get3A_476 : vector<16xi32>
        %broadcast_in_dim3A_481 = arith.constant true
        %broadcast_in_dim3A_482 = vector.broadcast %broadcast_in_dim3A_481 : i1 to vector<16xi1>
        %unique3A_483, %unique3A_484 = tpu.scan_count mask(%broadcast_in_dim3A_482 : vector<16xi1>) value(%add3A_480 : vector<16xi32>) : vector<16xi1>, vector<16xi32>
        %convert_element_type3A_485 = arith.sitofp %unique3A_484 : vector<16xi32> to vector<16xf32>
        tpu.vector_store_idx %arg9[%broadcast_in_dim3A, %add3A_480], %convert_element_type3A_485 masked %unique3A_483 {add = true} : memref<16x4096xf32, #tpu.memory_space<vmem>>[vector<16xi32>, vector<16xi32>], vector<16xf32>, vector<16xi1>
        %get3A_486 = arith.index_cast %add3A_29 : i32 to index
        %get3A_487 = arith.constant 96 : index
        %get3A_488 = tpu.vector_load %arg8[%get3A_486, %get3A_487] {strides = array<i32>} : memref<64x144xi32, #tpu.memory_space<vmem>>, vector<16xi32>,
        %get3A_489 = arith.index_cast %add3A_29 : i32 to index
        %get3A_490 = arith.constant 97 : index
        %get3A_491 = tpu.vector_load %arg8[%get3A_489, %get3A_490] {strides = array<i32>} : memref<64x144xi32, #tpu.memory_space<vmem>>, vector<16xi32>,
        %mul3A_492 = arith.constant 64 : i32
        %mul3A_493 = vector.broadcast %mul3A_492 : i32 to vector<16xi32>
        %mul3A_494 = arith.muli %get3A_488, %mul3A_493 : vector<16xi32>
        %add3A_495 = arith.addi %mul3A_494, %get3A_491 : vector<16xi32>
        %broadcast_in_dim3A_496 = arith.constant true
        %broadcast_in_dim3A_497 = vector.broadcast %broadcast_in_dim3A_496 : i1 to vector<16xi1>
        %unique3A_498, %unique3A_499 = tpu.scan_count mask(%broadcast_in_dim3A_497 : vector<16xi1>) value(%add3A_495 : vector<16xi32>) : vector<16xi1>, vector<16xi32>
        %convert_element_type3A_500 = arith.sitofp %unique3A_499 : vector<16xi32> to vector<16xf32>
        tpu.vector_store_idx %arg9[%broadcast_in_dim3A, %add3A_495], %convert_element_type3A_500 masked %unique3A_498 {add = true} : memref<16x4096xf32, #tpu.memory_space<vmem>>[vector<16xi32>, vector<16xi32>], vector<16xf32>, vector<16xi1>
        %get3A_501 = arith.index_cast %add3A_29 : i32 to index
        %get3A_502 = arith.constant 112 : index
        %get3A_503 = tpu.vector_load %arg8[%get3A_501, %get3A_502] {strides = array<i32>} : memref<64x144xi32, #tpu.memory_space<vmem>>, vector<16xi32>,
        %get3A_504 = arith.index_cast %add3A_29 : i32 to index
        %get3A_505 = arith.constant 113 : index
        %get3A_506 = tpu.vector_load %arg8[%get3A_504, %get3A_505] {strides = array<i32>} : memref<64x144xi32, #tpu.memory_space<vmem>>, vector<16xi32>,
        %mul3A_507 = arith.constant 64 : i32
        %mul3A_508 = vector.broadcast %mul3A_507 : i32 to vector<16xi32>
        %mul3A_509 = arith.muli %get3A_503, %mul3A_508 : vector<16xi32>
        %add3A_510 = arith.addi %mul3A_509, %get3A_506 : vector<16xi32>
        %unique3A_511, %unique3A_512 = tpu.scan_count mask(%lt3A_4 : vector<16xi1>) value(%add3A_510 : vector<16xi32>) : vector<16xi1>, vector<16xi32>
        %convert_element_type3A_513 = arith.sitofp %unique3A_512 : vector<16xi32> to vector<16xf32>
        tpu.vector_store_idx %arg9[%broadcast_in_dim3A, %add3A_510], %convert_element_type3A_513 masked %unique3A_511 {add = true} : memref<16x4096xf32, #tpu.memory_space<vmem>>[vector<16xi32>, vector<16xi32>], vector<16xf32>, vector<16xi1>
      }
      %scan3A_16 = arith.constant 16 : i32
      %mul3A_17 = arith.constant 16 : i32
      %mul3A_18 = arith.muli %scan3A_10, %mul3A_17 : i32
      %add3A_19 = arith.addi %mul3A_2, %mul3A_18 : i32
      "tpu.region"() ({
        %run_scoped3A = tpu.sem_alloc : memref<!tpu.dma_semaphore, #tpu.memory_space<semaphore_mem>>
        %dma_start3A = arith.constant 0 : i32
        %dma_start3A_26 = tpu.memref_slice %arg6[%add3A_19, %dma_start3A] : memref<2048x4096xf32, #tpu.memory_space<hbm>> -> memref<16x4096xf32, #tpu.memory_space<hbm>>
        %dma_start3A_27 = arith.constant 0 : i32
        %dma_start3A_28 = tpu.memref_slice %arg6[%add3A_19, %dma_start3A_27] : memref<2048x4096xf32, #tpu.memory_space<hbm>> -> memref<16x4096xf32, #tpu.memory_space<hbm>>
        tpu.enqueue_dma source(%arg9 : memref<16x4096xf32, #tpu.memory_space<vmem>>) target(%dma_start3A_28 : memref<16x4096xf32, #tpu.memory_space<hbm>>) target_semaphore(%run_scoped3A : memref<!tpu.dma_semaphore, #tpu.memory_space<semaphore_mem>>)
        %dma_wait3A = arith.constant 0 : i32
        %dma_wait3A_29 = tpu.memref_slice %arg6[%add3A_19, %dma_wait3A] : memref<2048x4096xf32, #tpu.memory_space<hbm>> -> memref<16x4096xf32, #tpu.memory_space<hbm>>
        %dma_wait3A_30 = arith.constant 0 : i32
        %dma_wait3A_31 = tpu.memref_slice %arg6[%add3A_19, %dma_wait3A_30] : memref<2048x4096xf32, #tpu.memory_space<hbm>> -> memref<16x4096xf32, #tpu.memory_space<hbm>>
        tpu.wait_dma2 semaphore(%run_scoped3A : memref<!tpu.dma_semaphore, #tpu.memory_space<semaphore_mem>>) src(%arg9 : memref<16x4096xf32, #tpu.memory_space<vmem>>) dst(%dma_wait3A_31 : memref<16x4096xf32, #tpu.memory_space<hbm>>)
        tpu.yield
      }) : () -> ()
      %scan3A_20 = arith.constant 0 : i32
      %scan3A_21 = arith.constant 0 : i32
      %scan3A_22 = arith.constant 16 : i32
      %scan3A_23 = arith.addi %scan3A_21, %scan3A_22 : i32
      %scan3A_24 = arith.constant 1 : i32
      scf.for %scan3A_26 = %scan3A_21 to %scan3A_23 step %scan3A_24  : i32 {
        %mul3A_27 = arith.constant 16 : i32
        %mul3A_28 = arith.muli %scan3A_10, %mul3A_27 : i32
        %add3A_29 = arith.addi %mul3A_28, %scan3A_26 : i32
        %broadcast_in_dim3A = vector.broadcast %scan3A_26 : i32 to vector<16xi32>
        %broadcast_in_dim3A_30 = arith.constant 0.000000e+00 : f32
        %broadcast_in_dim3A_31 = vector.broadcast %broadcast_in_dim3A_30 : f32 to vector<16xf32>
        %get3A = arith.index_cast %add3A_29 : i32 to index
        %get3A_32 = arith.constant 0 : index
        %get3A_33 = tpu.vector_load %arg8[%get3A, %get3A_32] {strides = array<i32>} : memref<64x144xi32, #tpu.memory_space<vmem>>, vector<16xi32>,
        %get3A_34 = arith.index_cast %add3A_29 : i32 to index
        %get3A_35 = arith.constant 1 : index
        %get3A_36 = tpu.vector_load %arg8[%get3A_34, %get3A_35] {strides = array<i32>} : memref<64x144xi32, #tpu.memory_space<vmem>>, vector<16xi32>,
        %mul3A_37 = arith.constant 64 : i32
        %mul3A_38 = vector.broadcast %mul3A_37 : i32 to vector<16xi32>
        %mul3A_39 = arith.muli %get3A_33, %mul3A_38 : vector<16xi32>
        %add3A_40 = arith.addi %mul3A_39, %get3A_36 : vector<16xi32>
        tpu.vector_store_idx %arg9[%broadcast_in_dim3A, %add3A_40], %broadcast_in_dim3A_31 : memref<16x4096xf32, #tpu.memory_space<vmem>>[vector<16xi32>, vector<16xi32>], vector<16xf32>,
        %get3A_41 = arith.index_cast %add3A_29 : i32 to index
        %get3A_42 = arith.constant 16 : index
        %get3A_43 = tpu.vector_load %arg8[%get3A_41, %get3A_42] {strides = array<i32>} : memref<64x144xi32, #tpu.memory_space<vmem>>, vector<16xi32>,
        %get3A_44 = arith.index_cast %add3A_29 : i32 to index
        %get3A_45 = arith.constant 17 : index
        %get3A_46 = tpu.vector_load %arg8[%get3A_44, %get3A_45] {strides = array<i32>} : memref<64x144xi32, #tpu.memory_space<vmem>>, vector<16xi32>,
        %mul3A_47 = arith.constant 64 : i32
        %mul3A_48 = vector.broadcast %mul3A_47 : i32 to vector<16xi32>
        %mul3A_49 = arith.muli %get3A_43, %mul3A_48 : vector<16xi32>
        %add3A_50 = arith.addi %mul3A_49, %get3A_46 : vector<16xi32>
        tpu.vector_store_idx %arg9[%broadcast_in_dim3A, %add3A_50], %broadcast_in_dim3A_31 : memref<16x4096xf32, #tpu.memory_space<vmem>>[vector<16xi32>, vector<16xi32>], vector<16xf32>,
        %get3A_51 = arith.index_cast %add3A_29 : i32 to index
        %get3A_52 = arith.constant 32 : index
        %get3A_53 = tpu.vector_load %arg8[%get3A_51, %get3A_52] {strides = array<i32>} : memref<64x144xi32, #tpu.memory_space<vmem>>, vector<16xi32>,
        %get3A_54 = arith.index_cast %add3A_29 : i32 to index
        %get3A_55 = arith.constant 33 : index
        %get3A_56 = tpu.vector_load %arg8[%get3A_54, %get3A_55] {strides = array<i32>} : memref<64x144xi32, #tpu.memory_space<vmem>>, vector<16xi32>,
        %mul3A_57 = arith.constant 64 : i32
        %mul3A_58 = vector.broadcast %mul3A_57 : i32 to vector<16xi32>
        %mul3A_59 = arith.muli %get3A_53, %mul3A_58 : vector<16xi32>
        %add3A_60 = arith.addi %mul3A_59, %get3A_56 : vector<16xi32>
        tpu.vector_store_idx %arg9[%broadcast_in_dim3A, %add3A_60], %broadcast_in_dim3A_31 : memref<16x4096xf32, #tpu.memory_space<vmem>>[vector<16xi32>, vector<16xi32>], vector<16xf32>,
        %get3A_61 = arith.index_cast %add3A_29 : i32 to index
        %get3A_62 = arith.constant 48 : index
        %get3A_63 = tpu.vector_load %arg8[%get3A_61, %get3A_62] {strides = array<i32>} : memref<64x144xi32, #tpu.memory_space<vmem>>, vector<16xi32>,
        %get3A_64 = arith.index_cast %add3A_29 : i32 to index
        %get3A_65 = arith.constant 49 : index
        %get3A_66 = tpu.vector_load %arg8[%get3A_64, %get3A_65] {strides = array<i32>} : memref<64x144xi32, #tpu.memory_space<vmem>>, vector<16xi32>,
        %mul3A_67 = arith.constant 64 : i32
        %mul3A_68 = vector.broadcast %mul3A_67 : i32 to vector<16xi32>
        %mul3A_69 = arith.muli %get3A_63, %mul3A_68 : vector<16xi32>
        %add3A_70 = arith.addi %mul3A_69, %get3A_66 : vector<16xi32>
        tpu.vector_store_idx %arg9[%broadcast_in_dim3A, %add3A_70], %broadcast_in_dim3A_31 : memref<16x4096xf32, #tpu.memory_space<vmem>>[vector<16xi32>, vector<16xi32>], vector<16xf32>,
        %get3A_71 = arith.index_cast %add3A_29 : i32 to index
        %get3A_72 = arith.constant 64 : index
        %get3A_73 = tpu.vector_load %arg8[%get3A_71, %get3A_72] {strides = array<i32>} : memref<64x144xi32, #tpu.memory_space<vmem>>, vector<16xi32>,
        %get3A_74 = arith.index_cast %add3A_29 : i32 to index
        %get3A_75 = arith.constant 65 : index
        %get3A_76 = tpu.vector_load %arg8[%get3A_74, %get3A_75] {strides = array<i32>} : memref<64x144xi32, #tpu.memory_space<vmem>>, vector<16xi32>,
        %mul3A_77 = arith.constant 64 : i32
        %mul3A_78 = vector.broadcast %mul3A_77 : i32 to vector<16xi32>
        %mul3A_79 = arith.muli %get3A_73, %mul3A_78 : vector<16xi32>
        %add3A_80 = arith.addi %mul3A_79, %get3A_76 : vector<16xi32>
        tpu.vector_store_idx %arg9[%broadcast_in_dim3A, %add3A_80], %broadcast_in_dim3A_31 : memref<16x4096xf32, #tpu.memory_space<vmem>>[vector<16xi32>, vector<16xi32>], vector<16xf32>,
        %get3A_81 = arith.index_cast %add3A_29 : i32 to index
        %get3A_82 = arith.constant 80 : index
        %get3A_83 = tpu.vector_load %arg8[%get3A_81, %get3A_82] {strides = array<i32>} : memref<64x144xi32, #tpu.memory_space<vmem>>, vector<16xi32>,
        %get3A_84 = arith.index_cast %add3A_29 : i32 to index
        %get3A_85 = arith.constant 81 : index
        %get3A_86 = tpu.vector_load %arg8[%get3A_84, %get3A_85] {strides = array<i32>} : memref<64x144xi32, #tpu.memory_space<vmem>>, vector<16xi32>,
        %mul3A_87 = arith.constant 64 : i32
        %mul3A_88 = vector.broadcast %mul3A_87 : i32 to vector<16xi32>
        %mul3A_89 = arith.muli %get3A_83, %mul3A_88 : vector<16xi32>
        %add3A_90 = arith.addi %mul3A_89, %get3A_86 : vector<16xi32>
        tpu.vector_store_idx %arg9[%broadcast_in_dim3A, %add3A_90], %broadcast_in_dim3A_31 : memref<16x4096xf32, #tpu.memory_space<vmem>>[vector<16xi32>, vector<16xi32>], vector<16xf32>,
        %get3A_91 = arith.index_cast %add3A_29 : i32 to index
        %get3A_92 = arith.constant 96 : index
        %get3A_93 = tpu.vector_load %arg8[%get3A_91, %get3A_92] {strides = array<i32>} : memref<64x144xi32, #tpu.memory_space<vmem>>, vector<16xi32>,
        %get3A_94 = arith.index_cast %add3A_29 : i32 to index
        %get3A_95 = arith.constant 97 : index
        %get3A_96 = tpu.vector_load %arg8[%get3A_94, %get3A_95] {strides = array<i32>} : memref<64x144xi32, #tpu.memory_space<vmem>>, vector<16xi32>,
        %mul3A_97 = arith.constant 64 : i32
        %mul3A_98 = vector.broadcast %mul3A_97 : i32 to vector<16xi32>
        %mul3A_99 = arith.muli %get3A_93, %mul3A_98 : vector<16xi32>
        %add3A_100 = arith.addi %mul3A_99, %get3A_96 : vector<16xi32>
        tpu.vector_store_idx %arg9[%broadcast_in_dim3A, %add3A_100], %broadcast_in_dim3A_31 : memref<16x4096xf32, #tpu.memory_space<vmem>>[vector<16xi32>, vector<16xi32>], vector<16xf32>,
        %get3A_101 = arith.index_cast %add3A_29 : i32 to index
        %get3A_102 = arith.constant 112 : index
        %get3A_103 = tpu.vector_load %arg8[%get3A_101, %get3A_102] {strides = array<i32>} : memref<64x144xi32, #tpu.memory_space<vmem>>, vector<16xi32>,
        %get3A_104 = arith.index_cast %add3A_29 : i32 to index
        %get3A_105 = arith.constant 113 : index
        %get3A_106 = tpu.vector_load %arg8[%get3A_104, %get3A_105] {strides = array<i32>} : memref<64x144xi32, #tpu.memory_space<vmem>>, vector<16xi32>,
        %mul3A_107 = arith.constant 64 : i32
        %mul3A_108 = vector.broadcast %mul3A_107 : i32 to vector<16xi32>
        %mul3A_109 = arith.muli %get3A_103, %mul3A_108 : vector<16xi32>
        %add3A_110 = arith.addi %mul3A_109, %get3A_106 : vector<16xi32>
        tpu.vector_store_idx %arg9[%broadcast_in_dim3A, %add3A_110], %broadcast_in_dim3A_31 masked %lt3A_4 : memref<16x4096xf32, #tpu.memory_space<vmem>>[vector<16xi32>, vector<16xi32>], vector<16xf32>, vector<16xi1>
      }
      %scan3A_25 = arith.constant 16 : i32
    }
    %scan3A_9 = arith.constant 4 : i32
    "tpu.region"() ({
      %run_scoped3A = tpu.sem_alloc : memref<!tpu.dma_semaphore, #tpu.memory_space<semaphore_mem>>
      %dma_start3A = arith.constant 0 : i32
      %dma_start3A_10 = tpu.memref_slice %arg5[%mul3A_2, %dma_start3A] : memref<2048x144xi32, #tpu.memory_space<hbm>> -> memref<64x144xi32, #tpu.memory_space<hbm>>
      %dma_start3A_11 = arith.constant 0 : i32
      %dma_start3A_12 = tpu.memref_slice %arg5[%mul3A_2, %dma_start3A_11] : memref<2048x144xi32, #tpu.memory_space<hbm>> -> memref<64x144xi32, #tpu.memory_space<hbm>>
      tpu.enqueue_dma source(%arg8 : memref<64x144xi32, #tpu.memory_space<vmem>>) target(%dma_start3A_12 : memref<64x144xi32, #tpu.memory_space<hbm>>) target_semaphore(%run_scoped3A : memref<!tpu.dma_semaphore, #tpu.memory_space<semaphore_mem>>)
      %dma_wait3A = arith.constant 0 : i32
      %dma_wait3A_13 = tpu.memref_slice %arg5[%mul3A_2, %dma_wait3A] : memref<2048x144xi32, #tpu.memory_space<hbm>> -> memref<64x144xi32, #tpu.memory_space<hbm>>
      %dma_wait3A_14 = arith.constant 0 : i32
      %dma_wait3A_15 = tpu.memref_slice %arg5[%mul3A_2, %dma_wait3A_14] : memref<2048x144xi32, #tpu.memory_space<hbm>> -> memref<64x144xi32, #tpu.memory_space<hbm>>
      tpu.wait_dma2 semaphore(%run_scoped3A : memref<!tpu.dma_semaphore, #tpu.memory_space<semaphore_mem>>) src(%arg8 : memref<64x144xi32, #tpu.memory_space<vmem>>) dst(%dma_wait3A_15 : memref<64x144xi32, #tpu.memory_space<hbm>>)
      tpu.yield
    }) : () -> ()
    return
  }
}

module attributes {stable_mosaic.version = 14 : i64} {
  func.func @_expand_block(%arg0: i32, %arg1: memref<32x128xi32, #tpu.memory_space<vmem>>, %arg2: memref<32x64x64xf32, #tpu.memory_space<vmem>>, %arg3: memref<32x128x128xf32, #tpu.memory_space<vmem>>) attributes {dimension_semantics = [#tpu.dimension_semantics<arbitrary>], iteration_bounds = array<i64: 64>, scalar_prefetch = 0 : i64, scratch_operands = 0 : i64, tpu.core_type = #tpu.core_type<tc>, window_params = [{transform_indices = @transform_0, window_bounds = array<i64: 32, 128>}, {transform_indices = @transform_1, window_bounds = array<i64: 32, 64, 64>}, {transform_indices = @transform_2, window_bounds = array<i64: 32, 128, 128>}]} {
    %iota3A = tpu.iota {dimensions = array<i32: 0>} : vector<64x128xi32>
    %get3A = arith.constant 0 : index
    %get3A_0 = arith.constant 0 : index
    %get3A_1 = vector.load %arg1[%get3A, %get3A_0] : memref<32x128xi32, #tpu.memory_space<vmem>>, vector<1x128xi32>
    %eq3A = vector.broadcast %get3A_1 : vector<1x128xi32> to vector<64x128xi32>
    %eq3A_2 = arith.cmpi eq, %iota3A, %eq3A : vector<64x128xi32>
    %convert_element_type3A = arith.extui %eq3A_2 : vector<64x128xi1> to vector<64x128xi32>
    %convert_element_type3A_3 = arith.sitofp %convert_element_type3A : vector<64x128xi32> to vector<64x128xf32>
    %convert_element_type3A_4 = arith.truncf %convert_element_type3A_3 : vector<64x128xf32> to vector<64x128xbf16>
    %get3A_5 = arith.constant 0 : index
    %get3A_6 = arith.constant 0 : index
    %get3A_7 = arith.constant 0 : index
    %get3A_8 = vector.load %arg2[%get3A_5, %get3A_6, %get3A_7] : memref<32x64x64xf32, #tpu.memory_space<vmem>>, vector<1x64x64xf32>
    %get3A_9 = vector.shape_cast %get3A_8 : vector<1x64x64xf32> to vector<64x64xf32>
    %convert_element_type3A_10 = arith.truncf %get3A_9 : vector<64x64xf32> to vector<64x64xbf16>
    %dot_general3A = arith.constant dense<0.000000e+00> : vector<128x64xf32>
    %dot_general3A_11 = tpu.matmul %convert_element_type3A_4, %convert_element_type3A_10, %dot_general3A {dimension_numbers = #tpu.dot_dimension_numbers<[0], [0], [1], [1], [0, 1, 1, 1], [], []>, transpose_lhs_hint = false} : vector<64x128xbf16>, vector<64x64xbf16>, vector<128x64xf32> -> vector<128x64xf32>
    %convert_element_type3A_12 = arith.truncf %dot_general3A_11 : vector<128x64xf32> to vector<128x64xbf16>
    %reduce_sum3A = arith.constant dense<0.000000e+00> : vector<128xf32>
    %reduce_sum3A_13 = vector.multi_reduction <add>, %dot_general3A_11, %reduce_sum3A [1] : vector<128x64xf32> to vector<128xf32>
    %broadcast_in_dim3A = vector.shape_cast %reduce_sum3A_13 : vector<128xf32> to vector<128x1xf32>
    %eq3A_14 = arith.constant 0.000000e+00 : f32
    %eq3A_15 = vector.broadcast %eq3A_14 : f32 to vector<128x1xf32>
    %eq3A_16 = arith.cmpf oeq, %broadcast_in_dim3A, %eq3A_15 : vector<128x1xf32>
    %jit3A = arith.constant 1.000000e+00 : f32
    %broadcast_in_dim3A_17 = vector.broadcast %jit3A : f32 to vector<128x1xf32>
    %select_n3A = arith.select %eq3A_16, %broadcast_in_dim3A_17, %broadcast_in_dim3A : vector<128x1xi1>, vector<128x1xf32>
    %div3A = arith.constant 1.000000e+00 : f32
    %div3A_18 = vector.broadcast %div3A : f32 to vector<128x1xf32>
    %div3A_19 = arith.divf %div3A_18, %select_n3A : vector<128x1xf32>
    %dot_general3A_20 = arith.constant dense<0.000000e+00> : vector<128x128xf32>
    %dot_general3A_21 = tpu.matmul %convert_element_type3A_12, %convert_element_type3A_4, %dot_general3A_20 {dimension_numbers = #tpu.dot_dimension_numbers<[1], [0], [0], [1], [0, 0, 1, 1], [], []>, transpose_lhs_hint = false} : vector<128x64xbf16>, vector<64x128xbf16>, vector<128x128xf32> -> vector<128x128xf32>
    %mul3A = vector.broadcast %div3A_19 : vector<128x1xf32> to vector<128x128xf32>
    %mul3A_22 = arith.mulf %dot_general3A_21, %mul3A : vector<128x128xf32>
    %swap3A = arith.constant 0 : index
    %swap3A_23 = arith.constant 0 : index
    %swap3A_24 = arith.constant 0 : index
    %swap3A_25 = vector.load %arg3[%swap3A, %swap3A_23, %swap3A_24] : memref<32x128x128xf32, #tpu.memory_space<vmem>>, vector<1x128x128xf32>
    %swap3A_26 = vector.shape_cast %swap3A_25 : vector<1x128x128xf32> to vector<128x128xf32>
    %swap3A_27 = vector.shape_cast %mul3A_22 : vector<128x128xf32> to vector<1x128x128xf32>
    tpu.vector_store %arg3[%swap3A, %swap3A_23, %swap3A_24], %swap3A_27 {strides = array<i32>} : memref<32x128x128xf32, #tpu.memory_space<vmem>>, vector<1x128x128xf32>,
    %get3A_28 = arith.constant 1 : index
    %get3A_29 = arith.constant 0 : index
    %get3A_30 = vector.load %arg1[%get3A_28, %get3A_29] : memref<32x128xi32, #tpu.memory_space<vmem>>, vector<1x128xi32>
    %eq3A_31 = vector.broadcast %get3A_30 : vector<1x128xi32> to vector<64x128xi32>
    %eq3A_32 = arith.cmpi eq, %iota3A, %eq3A_31 : vector<64x128xi32>
    %convert_element_type3A_33 = arith.extui %eq3A_32 : vector<64x128xi1> to vector<64x128xi32>
    %convert_element_type3A_34 = arith.sitofp %convert_element_type3A_33 : vector<64x128xi32> to vector<64x128xf32>
    %convert_element_type3A_35 = arith.truncf %convert_element_type3A_34 : vector<64x128xf32> to vector<64x128xbf16>
    %get3A_36 = arith.constant 1 : index
    %get3A_37 = arith.constant 0 : index
    %get3A_38 = arith.constant 0 : index
    %get3A_39 = vector.load %arg2[%get3A_36, %get3A_37, %get3A_38] : memref<32x64x64xf32, #tpu.memory_space<vmem>>, vector<1x64x64xf32>
    %get3A_40 = vector.shape_cast %get3A_39 : vector<1x64x64xf32> to vector<64x64xf32>
    %convert_element_type3A_41 = arith.truncf %get3A_40 : vector<64x64xf32> to vector<64x64xbf16>
    %dot_general3A_42 = arith.constant dense<0.000000e+00> : vector<128x64xf32>
    %dot_general3A_43 = tpu.matmul %convert_element_type3A_35, %convert_element_type3A_41, %dot_general3A_42 {dimension_numbers = #tpu.dot_dimension_numbers<[0], [0], [1], [1], [0, 1, 1, 1], [], []>, transpose_lhs_hint = false} : vector<64x128xbf16>, vector<64x64xbf16>, vector<128x64xf32> -> vector<128x64xf32>
    %convert_element_type3A_44 = arith.truncf %dot_general3A_43 : vector<128x64xf32> to vector<128x64xbf16>
    %reduce_sum3A_45 = arith.constant dense<0.000000e+00> : vector<128xf32>
    %reduce_sum3A_46 = vector.multi_reduction <add>, %dot_general3A_43, %reduce_sum3A_45 [1] : vector<128x64xf32> to vector<128xf32>
    %broadcast_in_dim3A_47 = vector.shape_cast %reduce_sum3A_46 : vector<128xf32> to vector<128x1xf32>
    %eq3A_48 = arith.constant 0.000000e+00 : f32
    %eq3A_49 = vector.broadcast %eq3A_48 : f32 to vector<128x1xf32>
    %eq3A_50 = arith.cmpf oeq, %broadcast_in_dim3A_47, %eq3A_49 : vector<128x1xf32>
    %jit3A_51 = arith.constant 1.000000e+00 : f32
    %broadcast_in_dim3A_52 = vector.broadcast %jit3A_51 : f32 to vector<128x1xf32>
    %select_n3A_53 = arith.select %eq3A_50, %broadcast_in_dim3A_52, %broadcast_in_dim3A_47 : vector<128x1xi1>, vector<128x1xf32>
    %div3A_54 = arith.constant 1.000000e+00 : f32
    %div3A_55 = vector.broadcast %div3A_54 : f32 to vector<128x1xf32>
    %div3A_56 = arith.divf %div3A_55, %select_n3A_53 : vector<128x1xf32>
    %dot_general3A_57 = arith.constant dense<0.000000e+00> : vector<128x128xf32>
    %dot_general3A_58 = tpu.matmul %convert_element_type3A_44, %convert_element_type3A_35, %dot_general3A_57 {dimension_numbers = #tpu.dot_dimension_numbers<[1], [0], [0], [1], [0, 0, 1, 1], [], []>, transpose_lhs_hint = false} : vector<128x64xbf16>, vector<64x128xbf16>, vector<128x128xf32> -> vector<128x128xf32>
    %mul3A_59 = vector.broadcast %div3A_56 : vector<128x1xf32> to vector<128x128xf32>
    %mul3A_60 = arith.mulf %dot_general3A_58, %mul3A_59 : vector<128x128xf32>
    %swap3A_61 = arith.constant 1 : index
    %swap3A_62 = arith.constant 0 : index
    %swap3A_63 = arith.constant 0 : index
    %swap3A_64 = vector.load %arg3[%swap3A_61, %swap3A_62, %swap3A_63] : memref<32x128x128xf32, #tpu.memory_space<vmem>>, vector<1x128x128xf32>
    %swap3A_65 = vector.shape_cast %swap3A_64 : vector<1x128x128xf32> to vector<128x128xf32>
    %swap3A_66 = vector.shape_cast %mul3A_60 : vector<128x128xf32> to vector<1x128x128xf32>
    tpu.vector_store %arg3[%swap3A_61, %swap3A_62, %swap3A_63], %swap3A_66 {strides = array<i32>} : memref<32x128x128xf32, #tpu.memory_space<vmem>>, vector<1x128x128xf32>,
    %get3A_67 = arith.constant 2 : index
    %get3A_68 = arith.constant 0 : index
    %get3A_69 = vector.load %arg1[%get3A_67, %get3A_68] : memref<32x128xi32, #tpu.memory_space<vmem>>, vector<1x128xi32>
    %eq3A_70 = vector.broadcast %get3A_69 : vector<1x128xi32> to vector<64x128xi32>
    %eq3A_71 = arith.cmpi eq, %iota3A, %eq3A_70 : vector<64x128xi32>
    %convert_element_type3A_72 = arith.extui %eq3A_71 : vector<64x128xi1> to vector<64x128xi32>
    %convert_element_type3A_73 = arith.sitofp %convert_element_type3A_72 : vector<64x128xi32> to vector<64x128xf32>
    %convert_element_type3A_74 = arith.truncf %convert_element_type3A_73 : vector<64x128xf32> to vector<64x128xbf16>
    %get3A_75 = arith.constant 2 : index
    %get3A_76 = arith.constant 0 : index
    %get3A_77 = arith.constant 0 : index
    %get3A_78 = vector.load %arg2[%get3A_75, %get3A_76, %get3A_77] : memref<32x64x64xf32, #tpu.memory_space<vmem>>, vector<1x64x64xf32>
    %get3A_79 = vector.shape_cast %get3A_78 : vector<1x64x64xf32> to vector<64x64xf32>
    %convert_element_type3A_80 = arith.truncf %get3A_79 : vector<64x64xf32> to vector<64x64xbf16>
    %dot_general3A_81 = arith.constant dense<0.000000e+00> : vector<128x64xf32>
    %dot_general3A_82 = tpu.matmul %convert_element_type3A_74, %convert_element_type3A_80, %dot_general3A_81 {dimension_numbers = #tpu.dot_dimension_numbers<[0], [0], [1], [1], [0, 1, 1, 1], [], []>, transpose_lhs_hint = false} : vector<64x128xbf16>, vector<64x64xbf16>, vector<128x64xf32> -> vector<128x64xf32>
    %convert_element_type3A_83 = arith.truncf %dot_general3A_82 : vector<128x64xf32> to vector<128x64xbf16>
    %reduce_sum3A_84 = arith.constant dense<0.000000e+00> : vector<128xf32>
    %reduce_sum3A_85 = vector.multi_reduction <add>, %dot_general3A_82, %reduce_sum3A_84 [1] : vector<128x64xf32> to vector<128xf32>
    %broadcast_in_dim3A_86 = vector.shape_cast %reduce_sum3A_85 : vector<128xf32> to vector<128x1xf32>
    %eq3A_87 = arith.constant 0.000000e+00 : f32
    %eq3A_88 = vector.broadcast %eq3A_87 : f32 to vector<128x1xf32>
    %eq3A_89 = arith.cmpf oeq, %broadcast_in_dim3A_86, %eq3A_88 : vector<128x1xf32>
    %jit3A_90 = arith.constant 1.000000e+00 : f32
    %broadcast_in_dim3A_91 = vector.broadcast %jit3A_90 : f32 to vector<128x1xf32>
    %select_n3A_92 = arith.select %eq3A_89, %broadcast_in_dim3A_91, %broadcast_in_dim3A_86 : vector<128x1xi1>, vector<128x1xf32>
    %div3A_93 = arith.constant 1.000000e+00 : f32
    %div3A_94 = vector.broadcast %div3A_93 : f32 to vector<128x1xf32>
    %div3A_95 = arith.divf %div3A_94, %select_n3A_92 : vector<128x1xf32>
    %dot_general3A_96 = arith.constant dense<0.000000e+00> : vector<128x128xf32>
    %dot_general3A_97 = tpu.matmul %convert_element_type3A_83, %convert_element_type3A_74, %dot_general3A_96 {dimension_numbers = #tpu.dot_dimension_numbers<[1], [0], [0], [1], [0, 0, 1, 1], [], []>, transpose_lhs_hint = false} : vector<128x64xbf16>, vector<64x128xbf16>, vector<128x128xf32> -> vector<128x128xf32>
    %mul3A_98 = vector.broadcast %div3A_95 : vector<128x1xf32> to vector<128x128xf32>
    %mul3A_99 = arith.mulf %dot_general3A_97, %mul3A_98 : vector<128x128xf32>
    %swap3A_100 = arith.constant 2 : index
    %swap3A_101 = arith.constant 0 : index
    %swap3A_102 = arith.constant 0 : index
    %swap3A_103 = vector.load %arg3[%swap3A_100, %swap3A_101, %swap3A_102] : memref<32x128x128xf32, #tpu.memory_space<vmem>>, vector<1x128x128xf32>
    %swap3A_104 = vector.shape_cast %swap3A_103 : vector<1x128x128xf32> to vector<128x128xf32>
    %swap3A_105 = vector.shape_cast %mul3A_99 : vector<128x128xf32> to vector<1x128x128xf32>
    tpu.vector_store %arg3[%swap3A_100, %swap3A_101, %swap3A_102], %swap3A_105 {strides = array<i32>} : memref<32x128x128xf32, #tpu.memory_space<vmem>>, vector<1x128x128xf32>,
    %get3A_106 = arith.constant 3 : index
    %get3A_107 = arith.constant 0 : index
    %get3A_108 = vector.load %arg1[%get3A_106, %get3A_107] : memref<32x128xi32, #tpu.memory_space<vmem>>, vector<1x128xi32>
    %eq3A_109 = vector.broadcast %get3A_108 : vector<1x128xi32> to vector<64x128xi32>
    %eq3A_110 = arith.cmpi eq, %iota3A, %eq3A_109 : vector<64x128xi32>
    %convert_element_type3A_111 = arith.extui %eq3A_110 : vector<64x128xi1> to vector<64x128xi32>
    %convert_element_type3A_112 = arith.sitofp %convert_element_type3A_111 : vector<64x128xi32> to vector<64x128xf32>
    %convert_element_type3A_113 = arith.truncf %convert_element_type3A_112 : vector<64x128xf32> to vector<64x128xbf16>
    %get3A_114 = arith.constant 3 : index
    %get3A_115 = arith.constant 0 : index
    %get3A_116 = arith.constant 0 : index
    %get3A_117 = vector.load %arg2[%get3A_114, %get3A_115, %get3A_116] : memref<32x64x64xf32, #tpu.memory_space<vmem>>, vector<1x64x64xf32>
    %get3A_118 = vector.shape_cast %get3A_117 : vector<1x64x64xf32> to vector<64x64xf32>
    %convert_element_type3A_119 = arith.truncf %get3A_118 : vector<64x64xf32> to vector<64x64xbf16>
    %dot_general3A_120 = arith.constant dense<0.000000e+00> : vector<128x64xf32>
    %dot_general3A_121 = tpu.matmul %convert_element_type3A_113, %convert_element_type3A_119, %dot_general3A_120 {dimension_numbers = #tpu.dot_dimension_numbers<[0], [0], [1], [1], [0, 1, 1, 1], [], []>, transpose_lhs_hint = false} : vector<64x128xbf16>, vector<64x64xbf16>, vector<128x64xf32> -> vector<128x64xf32>
    %convert_element_type3A_122 = arith.truncf %dot_general3A_121 : vector<128x64xf32> to vector<128x64xbf16>
    %reduce_sum3A_123 = arith.constant dense<0.000000e+00> : vector<128xf32>
    %reduce_sum3A_124 = vector.multi_reduction <add>, %dot_general3A_121, %reduce_sum3A_123 [1] : vector<128x64xf32> to vector<128xf32>
    %broadcast_in_dim3A_125 = vector.shape_cast %reduce_sum3A_124 : vector<128xf32> to vector<128x1xf32>
    %eq3A_126 = arith.constant 0.000000e+00 : f32
    %eq3A_127 = vector.broadcast %eq3A_126 : f32 to vector<128x1xf32>
    %eq3A_128 = arith.cmpf oeq, %broadcast_in_dim3A_125, %eq3A_127 : vector<128x1xf32>
    %jit3A_129 = arith.constant 1.000000e+00 : f32
    %broadcast_in_dim3A_130 = vector.broadcast %jit3A_129 : f32 to vector<128x1xf32>
    %select_n3A_131 = arith.select %eq3A_128, %broadcast_in_dim3A_130, %broadcast_in_dim3A_125 : vector<128x1xi1>, vector<128x1xf32>
    %div3A_132 = arith.constant 1.000000e+00 : f32
    %div3A_133 = vector.broadcast %div3A_132 : f32 to vector<128x1xf32>
    %div3A_134 = arith.divf %div3A_133, %select_n3A_131 : vector<128x1xf32>
    %dot_general3A_135 = arith.constant dense<0.000000e+00> : vector<128x128xf32>
    %dot_general3A_136 = tpu.matmul %convert_element_type3A_122, %convert_element_type3A_113, %dot_general3A_135 {dimension_numbers = #tpu.dot_dimension_numbers<[1], [0], [0], [1], [0, 0, 1, 1], [], []>, transpose_lhs_hint = false} : vector<128x64xbf16>, vector<64x128xbf16>, vector<128x128xf32> -> vector<128x128xf32>
    %mul3A_137 = vector.broadcast %div3A_134 : vector<128x1xf32> to vector<128x128xf32>
    %mul3A_138 = arith.mulf %dot_general3A_136, %mul3A_137 : vector<128x128xf32>
    %swap3A_139 = arith.constant 3 : index
    %swap3A_140 = arith.constant 0 : index
    %swap3A_141 = arith.constant 0 : index
    %swap3A_142 = vector.load %arg3[%swap3A_139, %swap3A_140, %swap3A_141] : memref<32x128x128xf32, #tpu.memory_space<vmem>>, vector<1x128x128xf32>
    %swap3A_143 = vector.shape_cast %swap3A_142 : vector<1x128x128xf32> to vector<128x128xf32>
    %swap3A_144 = vector.shape_cast %mul3A_138 : vector<128x128xf32> to vector<1x128x128xf32>
    tpu.vector_store %arg3[%swap3A_139, %swap3A_140, %swap3A_141], %swap3A_144 {strides = array<i32>} : memref<32x128x128xf32, #tpu.memory_space<vmem>>, vector<1x128x128xf32>,
    %get3A_145 = arith.constant 4 : index
    %get3A_146 = arith.constant 0 : index
    %get3A_147 = vector.load %arg1[%get3A_145, %get3A_146] : memref<32x128xi32, #tpu.memory_space<vmem>>, vector<1x128xi32>
    %eq3A_148 = vector.broadcast %get3A_147 : vector<1x128xi32> to vector<64x128xi32>
    %eq3A_149 = arith.cmpi eq, %iota3A, %eq3A_148 : vector<64x128xi32>
    %convert_element_type3A_150 = arith.extui %eq3A_149 : vector<64x128xi1> to vector<64x128xi32>
    %convert_element_type3A_151 = arith.sitofp %convert_element_type3A_150 : vector<64x128xi32> to vector<64x128xf32>
    %convert_element_type3A_152 = arith.truncf %convert_element_type3A_151 : vector<64x128xf32> to vector<64x128xbf16>
    %get3A_153 = arith.constant 4 : index
    %get3A_154 = arith.constant 0 : index
    %get3A_155 = arith.constant 0 : index
    %get3A_156 = vector.load %arg2[%get3A_153, %get3A_154, %get3A_155] : memref<32x64x64xf32, #tpu.memory_space<vmem>>, vector<1x64x64xf32>
    %get3A_157 = vector.shape_cast %get3A_156 : vector<1x64x64xf32> to vector<64x64xf32>
    %convert_element_type3A_158 = arith.truncf %get3A_157 : vector<64x64xf32> to vector<64x64xbf16>
    %dot_general3A_159 = arith.constant dense<0.000000e+00> : vector<128x64xf32>
    %dot_general3A_160 = tpu.matmul %convert_element_type3A_152, %convert_element_type3A_158, %dot_general3A_159 {dimension_numbers = #tpu.dot_dimension_numbers<[0], [0], [1], [1], [0, 1, 1, 1], [], []>, transpose_lhs_hint = false} : vector<64x128xbf16>, vector<64x64xbf16>, vector<128x64xf32> -> vector<128x64xf32>
    %convert_element_type3A_161 = arith.truncf %dot_general3A_160 : vector<128x64xf32> to vector<128x64xbf16>
    %reduce_sum3A_162 = arith.constant dense<0.000000e+00> : vector<128xf32>
    %reduce_sum3A_163 = vector.multi_reduction <add>, %dot_general3A_160, %reduce_sum3A_162 [1] : vector<128x64xf32> to vector<128xf32>
    %broadcast_in_dim3A_164 = vector.shape_cast %reduce_sum3A_163 : vector<128xf32> to vector<128x1xf32>
    %eq3A_165 = arith.constant 0.000000e+00 : f32
    %eq3A_166 = vector.broadcast %eq3A_165 : f32 to vector<128x1xf32>
    %eq3A_167 = arith.cmpf oeq, %broadcast_in_dim3A_164, %eq3A_166 : vector<128x1xf32>
    %jit3A_168 = arith.constant 1.000000e+00 : f32
    %broadcast_in_dim3A_169 = vector.broadcast %jit3A_168 : f32 to vector<128x1xf32>
    %select_n3A_170 = arith.select %eq3A_167, %broadcast_in_dim3A_169, %broadcast_in_dim3A_164 : vector<128x1xi1>, vector<128x1xf32>
    %div3A_171 = arith.constant 1.000000e+00 : f32
    %div3A_172 = vector.broadcast %div3A_171 : f32 to vector<128x1xf32>
    %div3A_173 = arith.divf %div3A_172, %select_n3A_170 : vector<128x1xf32>
    %dot_general3A_174 = arith.constant dense<0.000000e+00> : vector<128x128xf32>
    %dot_general3A_175 = tpu.matmul %convert_element_type3A_161, %convert_element_type3A_152, %dot_general3A_174 {dimension_numbers = #tpu.dot_dimension_numbers<[1], [0], [0], [1], [0, 0, 1, 1], [], []>, transpose_lhs_hint = false} : vector<128x64xbf16>, vector<64x128xbf16>, vector<128x128xf32> -> vector<128x128xf32>
    %mul3A_176 = vector.broadcast %div3A_173 : vector<128x1xf32> to vector<128x128xf32>
    %mul3A_177 = arith.mulf %dot_general3A_175, %mul3A_176 : vector<128x128xf32>
    %swap3A_178 = arith.constant 4 : index
    %swap3A_179 = arith.constant 0 : index
    %swap3A_180 = arith.constant 0 : index
    %swap3A_181 = vector.load %arg3[%swap3A_178, %swap3A_179, %swap3A_180] : memref<32x128x128xf32, #tpu.memory_space<vmem>>, vector<1x128x128xf32>
    %swap3A_182 = vector.shape_cast %swap3A_181 : vector<1x128x128xf32> to vector<128x128xf32>
    %swap3A_183 = vector.shape_cast %mul3A_177 : vector<128x128xf32> to vector<1x128x128xf32>
    tpu.vector_store %arg3[%swap3A_178, %swap3A_179, %swap3A_180], %swap3A_183 {strides = array<i32>} : memref<32x128x128xf32, #tpu.memory_space<vmem>>, vector<1x128x128xf32>,
    %get3A_184 = arith.constant 5 : index
    %get3A_185 = arith.constant 0 : index
    %get3A_186 = vector.load %arg1[%get3A_184, %get3A_185] : memref<32x128xi32, #tpu.memory_space<vmem>>, vector<1x128xi32>
    %eq3A_187 = vector.broadcast %get3A_186 : vector<1x128xi32> to vector<64x128xi32>
    %eq3A_188 = arith.cmpi eq, %iota3A, %eq3A_187 : vector<64x128xi32>
    %convert_element_type3A_189 = arith.extui %eq3A_188 : vector<64x128xi1> to vector<64x128xi32>
    %convert_element_type3A_190 = arith.sitofp %convert_element_type3A_189 : vector<64x128xi32> to vector<64x128xf32>
    %convert_element_type3A_191 = arith.truncf %convert_element_type3A_190 : vector<64x128xf32> to vector<64x128xbf16>
    %get3A_192 = arith.constant 5 : index
    %get3A_193 = arith.constant 0 : index
    %get3A_194 = arith.constant 0 : index
    %get3A_195 = vector.load %arg2[%get3A_192, %get3A_193, %get3A_194] : memref<32x64x64xf32, #tpu.memory_space<vmem>>, vector<1x64x64xf32>
    %get3A_196 = vector.shape_cast %get3A_195 : vector<1x64x64xf32> to vector<64x64xf32>
    %convert_element_type3A_197 = arith.truncf %get3A_196 : vector<64x64xf32> to vector<64x64xbf16>
    %dot_general3A_198 = arith.constant dense<0.000000e+00> : vector<128x64xf32>
    %dot_general3A_199 = tpu.matmul %convert_element_type3A_191, %convert_element_type3A_197, %dot_general3A_198 {dimension_numbers = #tpu.dot_dimension_numbers<[0], [0], [1], [1], [0, 1, 1, 1], [], []>, transpose_lhs_hint = false} : vector<64x128xbf16>, vector<64x64xbf16>, vector<128x64xf32> -> vector<128x64xf32>
    %convert_element_type3A_200 = arith.truncf %dot_general3A_199 : vector<128x64xf32> to vector<128x64xbf16>
    %reduce_sum3A_201 = arith.constant dense<0.000000e+00> : vector<128xf32>
    %reduce_sum3A_202 = vector.multi_reduction <add>, %dot_general3A_199, %reduce_sum3A_201 [1] : vector<128x64xf32> to vector<128xf32>
    %broadcast_in_dim3A_203 = vector.shape_cast %reduce_sum3A_202 : vector<128xf32> to vector<128x1xf32>
    %eq3A_204 = arith.constant 0.000000e+00 : f32
    %eq3A_205 = vector.broadcast %eq3A_204 : f32 to vector<128x1xf32>
    %eq3A_206 = arith.cmpf oeq, %broadcast_in_dim3A_203, %eq3A_205 : vector<128x1xf32>
    %jit3A_207 = arith.constant 1.000000e+00 : f32
    %broadcast_in_dim3A_208 = vector.broadcast %jit3A_207 : f32 to vector<128x1xf32>
    %select_n3A_209 = arith.select %eq3A_206, %broadcast_in_dim3A_208, %broadcast_in_dim3A_203 : vector<128x1xi1>, vector<128x1xf32>
    %div3A_210 = arith.constant 1.000000e+00 : f32
    %div3A_211 = vector.broadcast %div3A_210 : f32 to vector<128x1xf32>
    %div3A_212 = arith.divf %div3A_211, %select_n3A_209 : vector<128x1xf32>
    %dot_general3A_213 = arith.constant dense<0.000000e+00> : vector<128x128xf32>
    %dot_general3A_214 = tpu.matmul %convert_element_type3A_200, %convert_element_type3A_191, %dot_general3A_213 {dimension_numbers = #tpu.dot_dimension_numbers<[1], [0], [0], [1], [0, 0, 1, 1], [], []>, transpose_lhs_hint = false} : vector<128x64xbf16>, vector<64x128xbf16>, vector<128x128xf32> -> vector<128x128xf32>
    %mul3A_215 = vector.broadcast %div3A_212 : vector<128x1xf32> to vector<128x128xf32>
    %mul3A_216 = arith.mulf %dot_general3A_214, %mul3A_215 : vector<128x128xf32>
    %swap3A_217 = arith.constant 5 : index
    %swap3A_218 = arith.constant 0 : index
    %swap3A_219 = arith.constant 0 : index
    %swap3A_220 = vector.load %arg3[%swap3A_217, %swap3A_218, %swap3A_219] : memref<32x128x128xf32, #tpu.memory_space<vmem>>, vector<1x128x128xf32>
    %swap3A_221 = vector.shape_cast %swap3A_220 : vector<1x128x128xf32> to vector<128x128xf32>
    %swap3A_222 = vector.shape_cast %mul3A_216 : vector<128x128xf32> to vector<1x128x128xf32>
    tpu.vector_store %arg3[%swap3A_217, %swap3A_218, %swap3A_219], %swap3A_222 {strides = array<i32>} : memref<32x128x128xf32, #tpu.memory_space<vmem>>, vector<1x128x128xf32>,
    %get3A_223 = arith.constant 6 : index
    %get3A_224 = arith.constant 0 : index
    %get3A_225 = vector.load %arg1[%get3A_223, %get3A_224] : memref<32x128xi32, #tpu.memory_space<vmem>>, vector<1x128xi32>
    %eq3A_226 = vector.broadcast %get3A_225 : vector<1x128xi32> to vector<64x128xi32>
    %eq3A_227 = arith.cmpi eq, %iota3A, %eq3A_226 : vector<64x128xi32>
    %convert_element_type3A_228 = arith.extui %eq3A_227 : vector<64x128xi1> to vector<64x128xi32>
    %convert_element_type3A_229 = arith.sitofp %convert_element_type3A_228 : vector<64x128xi32> to vector<64x128xf32>
    %convert_element_type3A_230 = arith.truncf %convert_element_type3A_229 : vector<64x128xf32> to vector<64x128xbf16>
    %get3A_231 = arith.constant 6 : index
    %get3A_232 = arith.constant 0 : index
    %get3A_233 = arith.constant 0 : index
    %get3A_234 = vector.load %arg2[%get3A_231, %get3A_232, %get3A_233] : memref<32x64x64xf32, #tpu.memory_space<vmem>>, vector<1x64x64xf32>
    %get3A_235 = vector.shape_cast %get3A_234 : vector<1x64x64xf32> to vector<64x64xf32>
    %convert_element_type3A_236 = arith.truncf %get3A_235 : vector<64x64xf32> to vector<64x64xbf16>
    %dot_general3A_237 = arith.constant dense<0.000000e+00> : vector<128x64xf32>
    %dot_general3A_238 = tpu.matmul %convert_element_type3A_230, %convert_element_type3A_236, %dot_general3A_237 {dimension_numbers = #tpu.dot_dimension_numbers<[0], [0], [1], [1], [0, 1, 1, 1], [], []>, transpose_lhs_hint = false} : vector<64x128xbf16>, vector<64x64xbf16>, vector<128x64xf32> -> vector<128x64xf32>
    %convert_element_type3A_239 = arith.truncf %dot_general3A_238 : vector<128x64xf32> to vector<128x64xbf16>
    %reduce_sum3A_240 = arith.constant dense<0.000000e+00> : vector<128xf32>
    %reduce_sum3A_241 = vector.multi_reduction <add>, %dot_general3A_238, %reduce_sum3A_240 [1] : vector<128x64xf32> to vector<128xf32>
    %broadcast_in_dim3A_242 = vector.shape_cast %reduce_sum3A_241 : vector<128xf32> to vector<128x1xf32>
    %eq3A_243 = arith.constant 0.000000e+00 : f32
    %eq3A_244 = vector.broadcast %eq3A_243 : f32 to vector<128x1xf32>
    %eq3A_245 = arith.cmpf oeq, %broadcast_in_dim3A_242, %eq3A_244 : vector<128x1xf32>
    %jit3A_246 = arith.constant 1.000000e+00 : f32
    %broadcast_in_dim3A_247 = vector.broadcast %jit3A_246 : f32 to vector<128x1xf32>
    %select_n3A_248 = arith.select %eq3A_245, %broadcast_in_dim3A_247, %broadcast_in_dim3A_242 : vector<128x1xi1>, vector<128x1xf32>
    %div3A_249 = arith.constant 1.000000e+00 : f32
    %div3A_250 = vector.broadcast %div3A_249 : f32 to vector<128x1xf32>
    %div3A_251 = arith.divf %div3A_250, %select_n3A_248 : vector<128x1xf32>
    %dot_general3A_252 = arith.constant dense<0.000000e+00> : vector<128x128xf32>
    %dot_general3A_253 = tpu.matmul %convert_element_type3A_239, %convert_element_type3A_230, %dot_general3A_252 {dimension_numbers = #tpu.dot_dimension_numbers<[1], [0], [0], [1], [0, 0, 1, 1], [], []>, transpose_lhs_hint = false} : vector<128x64xbf16>, vector<64x128xbf16>, vector<128x128xf32> -> vector<128x128xf32>
    %mul3A_254 = vector.broadcast %div3A_251 : vector<128x1xf32> to vector<128x128xf32>
    %mul3A_255 = arith.mulf %dot_general3A_253, %mul3A_254 : vector<128x128xf32>
    %swap3A_256 = arith.constant 6 : index
    %swap3A_257 = arith.constant 0 : index
    %swap3A_258 = arith.constant 0 : index
    %swap3A_259 = vector.load %arg3[%swap3A_256, %swap3A_257, %swap3A_258] : memref<32x128x128xf32, #tpu.memory_space<vmem>>, vector<1x128x128xf32>
    %swap3A_260 = vector.shape_cast %swap3A_259 : vector<1x128x128xf32> to vector<128x128xf32>
    %swap3A_261 = vector.shape_cast %mul3A_255 : vector<128x128xf32> to vector<1x128x128xf32>
    tpu.vector_store %arg3[%swap3A_256, %swap3A_257, %swap3A_258], %swap3A_261 {strides = array<i32>} : memref<32x128x128xf32, #tpu.memory_space<vmem>>, vector<1x128x128xf32>,
    %get3A_262 = arith.constant 7 : index
    %get3A_263 = arith.constant 0 : index
    %get3A_264 = vector.load %arg1[%get3A_262, %get3A_263] : memref<32x128xi32, #tpu.memory_space<vmem>>, vector<1x128xi32>
    %eq3A_265 = vector.broadcast %get3A_264 : vector<1x128xi32> to vector<64x128xi32>
    %eq3A_266 = arith.cmpi eq, %iota3A, %eq3A_265 : vector<64x128xi32>
    %convert_element_type3A_267 = arith.extui %eq3A_266 : vector<64x128xi1> to vector<64x128xi32>
    %convert_element_type3A_268 = arith.sitofp %convert_element_type3A_267 : vector<64x128xi32> to vector<64x128xf32>
    %convert_element_type3A_269 = arith.truncf %convert_element_type3A_268 : vector<64x128xf32> to vector<64x128xbf16>
    %get3A_270 = arith.constant 7 : index
    %get3A_271 = arith.constant 0 : index
    %get3A_272 = arith.constant 0 : index
    %get3A_273 = vector.load %arg2[%get3A_270, %get3A_271, %get3A_272] : memref<32x64x64xf32, #tpu.memory_space<vmem>>, vector<1x64x64xf32>
    %get3A_274 = vector.shape_cast %get3A_273 : vector<1x64x64xf32> to vector<64x64xf32>
    %convert_element_type3A_275 = arith.truncf %get3A_274 : vector<64x64xf32> to vector<64x64xbf16>
    %dot_general3A_276 = arith.constant dense<0.000000e+00> : vector<128x64xf32>
    %dot_general3A_277 = tpu.matmul %convert_element_type3A_269, %convert_element_type3A_275, %dot_general3A_276 {dimension_numbers = #tpu.dot_dimension_numbers<[0], [0], [1], [1], [0, 1, 1, 1], [], []>, transpose_lhs_hint = false} : vector<64x128xbf16>, vector<64x64xbf16>, vector<128x64xf32> -> vector<128x64xf32>
    %convert_element_type3A_278 = arith.truncf %dot_general3A_277 : vector<128x64xf32> to vector<128x64xbf16>
    %reduce_sum3A_279 = arith.constant dense<0.000000e+00> : vector<128xf32>
    %reduce_sum3A_280 = vector.multi_reduction <add>, %dot_general3A_277, %reduce_sum3A_279 [1] : vector<128x64xf32> to vector<128xf32>
    %broadcast_in_dim3A_281 = vector.shape_cast %reduce_sum3A_280 : vector<128xf32> to vector<128x1xf32>
    %eq3A_282 = arith.constant 0.000000e+00 : f32
    %eq3A_283 = vector.broadcast %eq3A_282 : f32 to vector<128x1xf32>
    %eq3A_284 = arith.cmpf oeq, %broadcast_in_dim3A_281, %eq3A_283 : vector<128x1xf32>
    %jit3A_285 = arith.constant 1.000000e+00 : f32
    %broadcast_in_dim3A_286 = vector.broadcast %jit3A_285 : f32 to vector<128x1xf32>
    %select_n3A_287 = arith.select %eq3A_284, %broadcast_in_dim3A_286, %broadcast_in_dim3A_281 : vector<128x1xi1>, vector<128x1xf32>
    %div3A_288 = arith.constant 1.000000e+00 : f32
    %div3A_289 = vector.broadcast %div3A_288 : f32 to vector<128x1xf32>
    %div3A_290 = arith.divf %div3A_289, %select_n3A_287 : vector<128x1xf32>
    %dot_general3A_291 = arith.constant dense<0.000000e+00> : vector<128x128xf32>
    %dot_general3A_292 = tpu.matmul %convert_element_type3A_278, %convert_element_type3A_269, %dot_general3A_291 {dimension_numbers = #tpu.dot_dimension_numbers<[1], [0], [0], [1], [0, 0, 1, 1], [], []>, transpose_lhs_hint = false} : vector<128x64xbf16>, vector<64x128xbf16>, vector<128x128xf32> -> vector<128x128xf32>
    %mul3A_293 = vector.broadcast %div3A_290 : vector<128x1xf32> to vector<128x128xf32>
    %mul3A_294 = arith.mulf %dot_general3A_292, %mul3A_293 : vector<128x128xf32>
    %swap3A_295 = arith.constant 7 : index
    %swap3A_296 = arith.constant 0 : index
    %swap3A_297 = arith.constant 0 : index
    %swap3A_298 = vector.load %arg3[%swap3A_295, %swap3A_296, %swap3A_297] : memref<32x128x128xf32, #tpu.memory_space<vmem>>, vector<1x128x128xf32>
    %swap3A_299 = vector.shape_cast %swap3A_298 : vector<1x128x128xf32> to vector<128x128xf32>
    %swap3A_300 = vector.shape_cast %mul3A_294 : vector<128x128xf32> to vector<1x128x128xf32>
    tpu.vector_store %arg3[%swap3A_295, %swap3A_296, %swap3A_297], %swap3A_300 {strides = array<i32>} : memref<32x128x128xf32, #tpu.memory_space<vmem>>, vector<1x128x128xf32>,
    %get3A_301 = arith.constant 8 : index
    %get3A_302 = arith.constant 0 : index
    %get3A_303 = vector.load %arg1[%get3A_301, %get3A_302] : memref<32x128xi32, #tpu.memory_space<vmem>>, vector<1x128xi32>
    %eq3A_304 = vector.broadcast %get3A_303 : vector<1x128xi32> to vector<64x128xi32>
    %eq3A_305 = arith.cmpi eq, %iota3A, %eq3A_304 : vector<64x128xi32>
    %convert_element_type3A_306 = arith.extui %eq3A_305 : vector<64x128xi1> to vector<64x128xi32>
    %convert_element_type3A_307 = arith.sitofp %convert_element_type3A_306 : vector<64x128xi32> to vector<64x128xf32>
    %convert_element_type3A_308 = arith.truncf %convert_element_type3A_307 : vector<64x128xf32> to vector<64x128xbf16>
    %get3A_309 = arith.constant 8 : index
    %get3A_310 = arith.constant 0 : index
    %get3A_311 = arith.constant 0 : index
    %get3A_312 = vector.load %arg2[%get3A_309, %get3A_310, %get3A_311] : memref<32x64x64xf32, #tpu.memory_space<vmem>>, vector<1x64x64xf32>
    %get3A_313 = vector.shape_cast %get3A_312 : vector<1x64x64xf32> to vector<64x64xf32>
    %convert_element_type3A_314 = arith.truncf %get3A_313 : vector<64x64xf32> to vector<64x64xbf16>
    %dot_general3A_315 = arith.constant dense<0.000000e+00> : vector<128x64xf32>
    %dot_general3A_316 = tpu.matmul %convert_element_type3A_308, %convert_element_type3A_314, %dot_general3A_315 {dimension_numbers = #tpu.dot_dimension_numbers<[0], [0], [1], [1], [0, 1, 1, 1], [], []>, transpose_lhs_hint = false} : vector<64x128xbf16>, vector<64x64xbf16>, vector<128x64xf32> -> vector<128x64xf32>
    %convert_element_type3A_317 = arith.truncf %dot_general3A_316 : vector<128x64xf32> to vector<128x64xbf16>
    %reduce_sum3A_318 = arith.constant dense<0.000000e+00> : vector<128xf32>
    %reduce_sum3A_319 = vector.multi_reduction <add>, %dot_general3A_316, %reduce_sum3A_318 [1] : vector<128x64xf32> to vector<128xf32>
    %broadcast_in_dim3A_320 = vector.shape_cast %reduce_sum3A_319 : vector<128xf32> to vector<128x1xf32>
    %eq3A_321 = arith.constant 0.000000e+00 : f32
    %eq3A_322 = vector.broadcast %eq3A_321 : f32 to vector<128x1xf32>
    %eq3A_323 = arith.cmpf oeq, %broadcast_in_dim3A_320, %eq3A_322 : vector<128x1xf32>
    %jit3A_324 = arith.constant 1.000000e+00 : f32
    %broadcast_in_dim3A_325 = vector.broadcast %jit3A_324 : f32 to vector<128x1xf32>
    %select_n3A_326 = arith.select %eq3A_323, %broadcast_in_dim3A_325, %broadcast_in_dim3A_320 : vector<128x1xi1>, vector<128x1xf32>
    %div3A_327 = arith.constant 1.000000e+00 : f32
    %div3A_328 = vector.broadcast %div3A_327 : f32 to vector<128x1xf32>
    %div3A_329 = arith.divf %div3A_328, %select_n3A_326 : vector<128x1xf32>
    %dot_general3A_330 = arith.constant dense<0.000000e+00> : vector<128x128xf32>
    %dot_general3A_331 = tpu.matmul %convert_element_type3A_317, %convert_element_type3A_308, %dot_general3A_330 {dimension_numbers = #tpu.dot_dimension_numbers<[1], [0], [0], [1], [0, 0, 1, 1], [], []>, transpose_lhs_hint = false} : vector<128x64xbf16>, vector<64x128xbf16>, vector<128x128xf32> -> vector<128x128xf32>
    %mul3A_332 = vector.broadcast %div3A_329 : vector<128x1xf32> to vector<128x128xf32>
    %mul3A_333 = arith.mulf %dot_general3A_331, %mul3A_332 : vector<128x128xf32>
    %swap3A_334 = arith.constant 8 : index
    %swap3A_335 = arith.constant 0 : index
    %swap3A_336 = arith.constant 0 : index
    %swap3A_337 = vector.load %arg3[%swap3A_334, %swap3A_335, %swap3A_336] : memref<32x128x128xf32, #tpu.memory_space<vmem>>, vector<1x128x128xf32>
    %swap3A_338 = vector.shape_cast %swap3A_337 : vector<1x128x128xf32> to vector<128x128xf32>
    %swap3A_339 = vector.shape_cast %mul3A_333 : vector<128x128xf32> to vector<1x128x128xf32>
    tpu.vector_store %arg3[%swap3A_334, %swap3A_335, %swap3A_336], %swap3A_339 {strides = array<i32>} : memref<32x128x128xf32, #tpu.memory_space<vmem>>, vector<1x128x128xf32>,
    %get3A_340 = arith.constant 9 : index
    %get3A_341 = arith.constant 0 : index
    %get3A_342 = vector.load %arg1[%get3A_340, %get3A_341] : memref<32x128xi32, #tpu.memory_space<vmem>>, vector<1x128xi32>
    %eq3A_343 = vector.broadcast %get3A_342 : vector<1x128xi32> to vector<64x128xi32>
    %eq3A_344 = arith.cmpi eq, %iota3A, %eq3A_343 : vector<64x128xi32>
    %convert_element_type3A_345 = arith.extui %eq3A_344 : vector<64x128xi1> to vector<64x128xi32>
    %convert_element_type3A_346 = arith.sitofp %convert_element_type3A_345 : vector<64x128xi32> to vector<64x128xf32>
    %convert_element_type3A_347 = arith.truncf %convert_element_type3A_346 : vector<64x128xf32> to vector<64x128xbf16>
    %get3A_348 = arith.constant 9 : index
    %get3A_349 = arith.constant 0 : index
    %get3A_350 = arith.constant 0 : index
    %get3A_351 = vector.load %arg2[%get3A_348, %get3A_349, %get3A_350] : memref<32x64x64xf32, #tpu.memory_space<vmem>>, vector<1x64x64xf32>
    %get3A_352 = vector.shape_cast %get3A_351 : vector<1x64x64xf32> to vector<64x64xf32>
    %convert_element_type3A_353 = arith.truncf %get3A_352 : vector<64x64xf32> to vector<64x64xbf16>
    %dot_general3A_354 = arith.constant dense<0.000000e+00> : vector<128x64xf32>
    %dot_general3A_355 = tpu.matmul %convert_element_type3A_347, %convert_element_type3A_353, %dot_general3A_354 {dimension_numbers = #tpu.dot_dimension_numbers<[0], [0], [1], [1], [0, 1, 1, 1], [], []>, transpose_lhs_hint = false} : vector<64x128xbf16>, vector<64x64xbf16>, vector<128x64xf32> -> vector<128x64xf32>
    %convert_element_type3A_356 = arith.truncf %dot_general3A_355 : vector<128x64xf32> to vector<128x64xbf16>
    %reduce_sum3A_357 = arith.constant dense<0.000000e+00> : vector<128xf32>
    %reduce_sum3A_358 = vector.multi_reduction <add>, %dot_general3A_355, %reduce_sum3A_357 [1] : vector<128x64xf32> to vector<128xf32>
    %broadcast_in_dim3A_359 = vector.shape_cast %reduce_sum3A_358 : vector<128xf32> to vector<128x1xf32>
    %eq3A_360 = arith.constant 0.000000e+00 : f32
    %eq3A_361 = vector.broadcast %eq3A_360 : f32 to vector<128x1xf32>
    %eq3A_362 = arith.cmpf oeq, %broadcast_in_dim3A_359, %eq3A_361 : vector<128x1xf32>
    %jit3A_363 = arith.constant 1.000000e+00 : f32
    %broadcast_in_dim3A_364 = vector.broadcast %jit3A_363 : f32 to vector<128x1xf32>
    %select_n3A_365 = arith.select %eq3A_362, %broadcast_in_dim3A_364, %broadcast_in_dim3A_359 : vector<128x1xi1>, vector<128x1xf32>
    %div3A_366 = arith.constant 1.000000e+00 : f32
    %div3A_367 = vector.broadcast %div3A_366 : f32 to vector<128x1xf32>
    %div3A_368 = arith.divf %div3A_367, %select_n3A_365 : vector<128x1xf32>
    %dot_general3A_369 = arith.constant dense<0.000000e+00> : vector<128x128xf32>
    %dot_general3A_370 = tpu.matmul %convert_element_type3A_356, %convert_element_type3A_347, %dot_general3A_369 {dimension_numbers = #tpu.dot_dimension_numbers<[1], [0], [0], [1], [0, 0, 1, 1], [], []>, transpose_lhs_hint = false} : vector<128x64xbf16>, vector<64x128xbf16>, vector<128x128xf32> -> vector<128x128xf32>
    %mul3A_371 = vector.broadcast %div3A_368 : vector<128x1xf32> to vector<128x128xf32>
    %mul3A_372 = arith.mulf %dot_general3A_370, %mul3A_371 : vector<128x128xf32>
    %swap3A_373 = arith.constant 9 : index
    %swap3A_374 = arith.constant 0 : index
    %swap3A_375 = arith.constant 0 : index
    %swap3A_376 = vector.load %arg3[%swap3A_373, %swap3A_374, %swap3A_375] : memref<32x128x128xf32, #tpu.memory_space<vmem>>, vector<1x128x128xf32>
    %swap3A_377 = vector.shape_cast %swap3A_376 : vector<1x128x128xf32> to vector<128x128xf32>
    %swap3A_378 = vector.shape_cast %mul3A_372 : vector<128x128xf32> to vector<1x128x128xf32>
    tpu.vector_store %arg3[%swap3A_373, %swap3A_374, %swap3A_375], %swap3A_378 {strides = array<i32>} : memref<32x128x128xf32, #tpu.memory_space<vmem>>, vector<1x128x128xf32>,
    %get3A_379 = arith.constant 10 : index
    %get3A_380 = arith.constant 0 : index
    %get3A_381 = vector.load %arg1[%get3A_379, %get3A_380] : memref<32x128xi32, #tpu.memory_space<vmem>>, vector<1x128xi32>
    %eq3A_382 = vector.broadcast %get3A_381 : vector<1x128xi32> to vector<64x128xi32>
    %eq3A_383 = arith.cmpi eq, %iota3A, %eq3A_382 : vector<64x128xi32>
    %convert_element_type3A_384 = arith.extui %eq3A_383 : vector<64x128xi1> to vector<64x128xi32>
    %convert_element_type3A_385 = arith.sitofp %convert_element_type3A_384 : vector<64x128xi32> to vector<64x128xf32>
    %convert_element_type3A_386 = arith.truncf %convert_element_type3A_385 : vector<64x128xf32> to vector<64x128xbf16>
    %get3A_387 = arith.constant 10 : index
    %get3A_388 = arith.constant 0 : index
    %get3A_389 = arith.constant 0 : index
    %get3A_390 = vector.load %arg2[%get3A_387, %get3A_388, %get3A_389] : memref<32x64x64xf32, #tpu.memory_space<vmem>>, vector<1x64x64xf32>
    %get3A_391 = vector.shape_cast %get3A_390 : vector<1x64x64xf32> to vector<64x64xf32>
    %convert_element_type3A_392 = arith.truncf %get3A_391 : vector<64x64xf32> to vector<64x64xbf16>
    %dot_general3A_393 = arith.constant dense<0.000000e+00> : vector<128x64xf32>
    %dot_general3A_394 = tpu.matmul %convert_element_type3A_386, %convert_element_type3A_392, %dot_general3A_393 {dimension_numbers = #tpu.dot_dimension_numbers<[0], [0], [1], [1], [0, 1, 1, 1], [], []>, transpose_lhs_hint = false} : vector<64x128xbf16>, vector<64x64xbf16>, vector<128x64xf32> -> vector<128x64xf32>
    %convert_element_type3A_395 = arith.truncf %dot_general3A_394 : vector<128x64xf32> to vector<128x64xbf16>
    %reduce_sum3A_396 = arith.constant dense<0.000000e+00> : vector<128xf32>
    %reduce_sum3A_397 = vector.multi_reduction <add>, %dot_general3A_394, %reduce_sum3A_396 [1] : vector<128x64xf32> to vector<128xf32>
    %broadcast_in_dim3A_398 = vector.shape_cast %reduce_sum3A_397 : vector<128xf32> to vector<128x1xf32>
    %eq3A_399 = arith.constant 0.000000e+00 : f32
    %eq3A_400 = vector.broadcast %eq3A_399 : f32 to vector<128x1xf32>
    %eq3A_401 = arith.cmpf oeq, %broadcast_in_dim3A_398, %eq3A_400 : vector<128x1xf32>
    %jit3A_402 = arith.constant 1.000000e+00 : f32
    %broadcast_in_dim3A_403 = vector.broadcast %jit3A_402 : f32 to vector<128x1xf32>
    %select_n3A_404 = arith.select %eq3A_401, %broadcast_in_dim3A_403, %broadcast_in_dim3A_398 : vector<128x1xi1>, vector<128x1xf32>
    %div3A_405 = arith.constant 1.000000e+00 : f32
    %div3A_406 = vector.broadcast %div3A_405 : f32 to vector<128x1xf32>
    %div3A_407 = arith.divf %div3A_406, %select_n3A_404 : vector<128x1xf32>
    %dot_general3A_408 = arith.constant dense<0.000000e+00> : vector<128x128xf32>
    %dot_general3A_409 = tpu.matmul %convert_element_type3A_395, %convert_element_type3A_386, %dot_general3A_408 {dimension_numbers = #tpu.dot_dimension_numbers<[1], [0], [0], [1], [0, 0, 1, 1], [], []>, transpose_lhs_hint = false} : vector<128x64xbf16>, vector<64x128xbf16>, vector<128x128xf32> -> vector<128x128xf32>
    %mul3A_410 = vector.broadcast %div3A_407 : vector<128x1xf32> to vector<128x128xf32>
    %mul3A_411 = arith.mulf %dot_general3A_409, %mul3A_410 : vector<128x128xf32>
    %swap3A_412 = arith.constant 10 : index
    %swap3A_413 = arith.constant 0 : index
    %swap3A_414 = arith.constant 0 : index
    %swap3A_415 = vector.load %arg3[%swap3A_412, %swap3A_413, %swap3A_414] : memref<32x128x128xf32, #tpu.memory_space<vmem>>, vector<1x128x128xf32>
    %swap3A_416 = vector.shape_cast %swap3A_415 : vector<1x128x128xf32> to vector<128x128xf32>
    %swap3A_417 = vector.shape_cast %mul3A_411 : vector<128x128xf32> to vector<1x128x128xf32>
    tpu.vector_store %arg3[%swap3A_412, %swap3A_413, %swap3A_414], %swap3A_417 {strides = array<i32>} : memref<32x128x128xf32, #tpu.memory_space<vmem>>, vector<1x128x128xf32>,
    %get3A_418 = arith.constant 11 : index
    %get3A_419 = arith.constant 0 : index
    %get3A_420 = vector.load %arg1[%get3A_418, %get3A_419] : memref<32x128xi32, #tpu.memory_space<vmem>>, vector<1x128xi32>
    %eq3A_421 = vector.broadcast %get3A_420 : vector<1x128xi32> to vector<64x128xi32>
    %eq3A_422 = arith.cmpi eq, %iota3A, %eq3A_421 : vector<64x128xi32>
    %convert_element_type3A_423 = arith.extui %eq3A_422 : vector<64x128xi1> to vector<64x128xi32>
    %convert_element_type3A_424 = arith.sitofp %convert_element_type3A_423 : vector<64x128xi32> to vector<64x128xf32>
    %convert_element_type3A_425 = arith.truncf %convert_element_type3A_424 : vector<64x128xf32> to vector<64x128xbf16>
    %get3A_426 = arith.constant 11 : index
    %get3A_427 = arith.constant 0 : index
    %get3A_428 = arith.constant 0 : index
    %get3A_429 = vector.load %arg2[%get3A_426, %get3A_427, %get3A_428] : memref<32x64x64xf32, #tpu.memory_space<vmem>>, vector<1x64x64xf32>
    %get3A_430 = vector.shape_cast %get3A_429 : vector<1x64x64xf32> to vector<64x64xf32>
    %convert_element_type3A_431 = arith.truncf %get3A_430 : vector<64x64xf32> to vector<64x64xbf16>
    %dot_general3A_432 = arith.constant dense<0.000000e+00> : vector<128x64xf32>
    %dot_general3A_433 = tpu.matmul %convert_element_type3A_425, %convert_element_type3A_431, %dot_general3A_432 {dimension_numbers = #tpu.dot_dimension_numbers<[0], [0], [1], [1], [0, 1, 1, 1], [], []>, transpose_lhs_hint = false} : vector<64x128xbf16>, vector<64x64xbf16>, vector<128x64xf32> -> vector<128x64xf32>
    %convert_element_type3A_434 = arith.truncf %dot_general3A_433 : vector<128x64xf32> to vector<128x64xbf16>
    %reduce_sum3A_435 = arith.constant dense<0.000000e+00> : vector<128xf32>
    %reduce_sum3A_436 = vector.multi_reduction <add>, %dot_general3A_433, %reduce_sum3A_435 [1] : vector<128x64xf32> to vector<128xf32>
    %broadcast_in_dim3A_437 = vector.shape_cast %reduce_sum3A_436 : vector<128xf32> to vector<128x1xf32>
    %eq3A_438 = arith.constant 0.000000e+00 : f32
    %eq3A_439 = vector.broadcast %eq3A_438 : f32 to vector<128x1xf32>
    %eq3A_440 = arith.cmpf oeq, %broadcast_in_dim3A_437, %eq3A_439 : vector<128x1xf32>
    %jit3A_441 = arith.constant 1.000000e+00 : f32
    %broadcast_in_dim3A_442 = vector.broadcast %jit3A_441 : f32 to vector<128x1xf32>
    %select_n3A_443 = arith.select %eq3A_440, %broadcast_in_dim3A_442, %broadcast_in_dim3A_437 : vector<128x1xi1>, vector<128x1xf32>
    %div3A_444 = arith.constant 1.000000e+00 : f32
    %div3A_445 = vector.broadcast %div3A_444 : f32 to vector<128x1xf32>
    %div3A_446 = arith.divf %div3A_445, %select_n3A_443 : vector<128x1xf32>
    %dot_general3A_447 = arith.constant dense<0.000000e+00> : vector<128x128xf32>
    %dot_general3A_448 = tpu.matmul %convert_element_type3A_434, %convert_element_type3A_425, %dot_general3A_447 {dimension_numbers = #tpu.dot_dimension_numbers<[1], [0], [0], [1], [0, 0, 1, 1], [], []>, transpose_lhs_hint = false} : vector<128x64xbf16>, vector<64x128xbf16>, vector<128x128xf32> -> vector<128x128xf32>
    %mul3A_449 = vector.broadcast %div3A_446 : vector<128x1xf32> to vector<128x128xf32>
    %mul3A_450 = arith.mulf %dot_general3A_448, %mul3A_449 : vector<128x128xf32>
    %swap3A_451 = arith.constant 11 : index
    %swap3A_452 = arith.constant 0 : index
    %swap3A_453 = arith.constant 0 : index
    %swap3A_454 = vector.load %arg3[%swap3A_451, %swap3A_452, %swap3A_453] : memref<32x128x128xf32, #tpu.memory_space<vmem>>, vector<1x128x128xf32>
    %swap3A_455 = vector.shape_cast %swap3A_454 : vector<1x128x128xf32> to vector<128x128xf32>
    %swap3A_456 = vector.shape_cast %mul3A_450 : vector<128x128xf32> to vector<1x128x128xf32>
    tpu.vector_store %arg3[%swap3A_451, %swap3A_452, %swap3A_453], %swap3A_456 {strides = array<i32>} : memref<32x128x128xf32, #tpu.memory_space<vmem>>, vector<1x128x128xf32>,
    %get3A_457 = arith.constant 12 : index
    %get3A_458 = arith.constant 0 : index
    %get3A_459 = vector.load %arg1[%get3A_457, %get3A_458] : memref<32x128xi32, #tpu.memory_space<vmem>>, vector<1x128xi32>
    %eq3A_460 = vector.broadcast %get3A_459 : vector<1x128xi32> to vector<64x128xi32>
    %eq3A_461 = arith.cmpi eq, %iota3A, %eq3A_460 : vector<64x128xi32>
    %convert_element_type3A_462 = arith.extui %eq3A_461 : vector<64x128xi1> to vector<64x128xi32>
    %convert_element_type3A_463 = arith.sitofp %convert_element_type3A_462 : vector<64x128xi32> to vector<64x128xf32>
    %convert_element_type3A_464 = arith.truncf %convert_element_type3A_463 : vector<64x128xf32> to vector<64x128xbf16>
    %get3A_465 = arith.constant 12 : index
    %get3A_466 = arith.constant 0 : index
    %get3A_467 = arith.constant 0 : index
    %get3A_468 = vector.load %arg2[%get3A_465, %get3A_466, %get3A_467] : memref<32x64x64xf32, #tpu.memory_space<vmem>>, vector<1x64x64xf32>
    %get3A_469 = vector.shape_cast %get3A_468 : vector<1x64x64xf32> to vector<64x64xf32>
    %convert_element_type3A_470 = arith.truncf %get3A_469 : vector<64x64xf32> to vector<64x64xbf16>
    %dot_general3A_471 = arith.constant dense<0.000000e+00> : vector<128x64xf32>
    %dot_general3A_472 = tpu.matmul %convert_element_type3A_464, %convert_element_type3A_470, %dot_general3A_471 {dimension_numbers = #tpu.dot_dimension_numbers<[0], [0], [1], [1], [0, 1, 1, 1], [], []>, transpose_lhs_hint = false} : vector<64x128xbf16>, vector<64x64xbf16>, vector<128x64xf32> -> vector<128x64xf32>
    %convert_element_type3A_473 = arith.truncf %dot_general3A_472 : vector<128x64xf32> to vector<128x64xbf16>
    %reduce_sum3A_474 = arith.constant dense<0.000000e+00> : vector<128xf32>
    %reduce_sum3A_475 = vector.multi_reduction <add>, %dot_general3A_472, %reduce_sum3A_474 [1] : vector<128x64xf32> to vector<128xf32>
    %broadcast_in_dim3A_476 = vector.shape_cast %reduce_sum3A_475 : vector<128xf32> to vector<128x1xf32>
    %eq3A_477 = arith.constant 0.000000e+00 : f32
    %eq3A_478 = vector.broadcast %eq3A_477 : f32 to vector<128x1xf32>
    %eq3A_479 = arith.cmpf oeq, %broadcast_in_dim3A_476, %eq3A_478 : vector<128x1xf32>
    %jit3A_480 = arith.constant 1.000000e+00 : f32
    %broadcast_in_dim3A_481 = vector.broadcast %jit3A_480 : f32 to vector<128x1xf32>
    %select_n3A_482 = arith.select %eq3A_479, %broadcast_in_dim3A_481, %broadcast_in_dim3A_476 : vector<128x1xi1>, vector<128x1xf32>
    %div3A_483 = arith.constant 1.000000e+00 : f32
    %div3A_484 = vector.broadcast %div3A_483 : f32 to vector<128x1xf32>
    %div3A_485 = arith.divf %div3A_484, %select_n3A_482 : vector<128x1xf32>
    %dot_general3A_486 = arith.constant dense<0.000000e+00> : vector<128x128xf32>
    %dot_general3A_487 = tpu.matmul %convert_element_type3A_473, %convert_element_type3A_464, %dot_general3A_486 {dimension_numbers = #tpu.dot_dimension_numbers<[1], [0], [0], [1], [0, 0, 1, 1], [], []>, transpose_lhs_hint = false} : vector<128x64xbf16>, vector<64x128xbf16>, vector<128x128xf32> -> vector<128x128xf32>
    %mul3A_488 = vector.broadcast %div3A_485 : vector<128x1xf32> to vector<128x128xf32>
    %mul3A_489 = arith.mulf %dot_general3A_487, %mul3A_488 : vector<128x128xf32>
    %swap3A_490 = arith.constant 12 : index
    %swap3A_491 = arith.constant 0 : index
    %swap3A_492 = arith.constant 0 : index
    %swap3A_493 = vector.load %arg3[%swap3A_490, %swap3A_491, %swap3A_492] : memref<32x128x128xf32, #tpu.memory_space<vmem>>, vector<1x128x128xf32>
    %swap3A_494 = vector.shape_cast %swap3A_493 : vector<1x128x128xf32> to vector<128x128xf32>
    %swap3A_495 = vector.shape_cast %mul3A_489 : vector<128x128xf32> to vector<1x128x128xf32>
    tpu.vector_store %arg3[%swap3A_490, %swap3A_491, %swap3A_492], %swap3A_495 {strides = array<i32>} : memref<32x128x128xf32, #tpu.memory_space<vmem>>, vector<1x128x128xf32>,
    %get3A_496 = arith.constant 13 : index
    %get3A_497 = arith.constant 0 : index
    %get3A_498 = vector.load %arg1[%get3A_496, %get3A_497] : memref<32x128xi32, #tpu.memory_space<vmem>>, vector<1x128xi32>
    %eq3A_499 = vector.broadcast %get3A_498 : vector<1x128xi32> to vector<64x128xi32>
    %eq3A_500 = arith.cmpi eq, %iota3A, %eq3A_499 : vector<64x128xi32>
    %convert_element_type3A_501 = arith.extui %eq3A_500 : vector<64x128xi1> to vector<64x128xi32>
    %convert_element_type3A_502 = arith.sitofp %convert_element_type3A_501 : vector<64x128xi32> to vector<64x128xf32>
    %convert_element_type3A_503 = arith.truncf %convert_element_type3A_502 : vector<64x128xf32> to vector<64x128xbf16>
    %get3A_504 = arith.constant 13 : index
    %get3A_505 = arith.constant 0 : index
    %get3A_506 = arith.constant 0 : index
    %get3A_507 = vector.load %arg2[%get3A_504, %get3A_505, %get3A_506] : memref<32x64x64xf32, #tpu.memory_space<vmem>>, vector<1x64x64xf32>
    %get3A_508 = vector.shape_cast %get3A_507 : vector<1x64x64xf32> to vector<64x64xf32>
    %convert_element_type3A_509 = arith.truncf %get3A_508 : vector<64x64xf32> to vector<64x64xbf16>
    %dot_general3A_510 = arith.constant dense<0.000000e+00> : vector<128x64xf32>
    %dot_general3A_511 = tpu.matmul %convert_element_type3A_503, %convert_element_type3A_509, %dot_general3A_510 {dimension_numbers = #tpu.dot_dimension_numbers<[0], [0], [1], [1], [0, 1, 1, 1], [], []>, transpose_lhs_hint = false} : vector<64x128xbf16>, vector<64x64xbf16>, vector<128x64xf32> -> vector<128x64xf32>
    %convert_element_type3A_512 = arith.truncf %dot_general3A_511 : vector<128x64xf32> to vector<128x64xbf16>
    %reduce_sum3A_513 = arith.constant dense<0.000000e+00> : vector<128xf32>
    %reduce_sum3A_514 = vector.multi_reduction <add>, %dot_general3A_511, %reduce_sum3A_513 [1] : vector<128x64xf32> to vector<128xf32>
    %broadcast_in_dim3A_515 = vector.shape_cast %reduce_sum3A_514 : vector<128xf32> to vector<128x1xf32>
    %eq3A_516 = arith.constant 0.000000e+00 : f32
    %eq3A_517 = vector.broadcast %eq3A_516 : f32 to vector<128x1xf32>
    %eq3A_518 = arith.cmpf oeq, %broadcast_in_dim3A_515, %eq3A_517 : vector<128x1xf32>
    %jit3A_519 = arith.constant 1.000000e+00 : f32
    %broadcast_in_dim3A_520 = vector.broadcast %jit3A_519 : f32 to vector<128x1xf32>
    %select_n3A_521 = arith.select %eq3A_518, %broadcast_in_dim3A_520, %broadcast_in_dim3A_515 : vector<128x1xi1>, vector<128x1xf32>
    %div3A_522 = arith.constant 1.000000e+00 : f32
    %div3A_523 = vector.broadcast %div3A_522 : f32 to vector<128x1xf32>
    %div3A_524 = arith.divf %div3A_523, %select_n3A_521 : vector<128x1xf32>
    %dot_general3A_525 = arith.constant dense<0.000000e+00> : vector<128x128xf32>
    %dot_general3A_526 = tpu.matmul %convert_element_type3A_512, %convert_element_type3A_503, %dot_general3A_525 {dimension_numbers = #tpu.dot_dimension_numbers<[1], [0], [0], [1], [0, 0, 1, 1], [], []>, transpose_lhs_hint = false} : vector<128x64xbf16>, vector<64x128xbf16>, vector<128x128xf32> -> vector<128x128xf32>
    %mul3A_527 = vector.broadcast %div3A_524 : vector<128x1xf32> to vector<128x128xf32>
    %mul3A_528 = arith.mulf %dot_general3A_526, %mul3A_527 : vector<128x128xf32>
    %swap3A_529 = arith.constant 13 : index
    %swap3A_530 = arith.constant 0 : index
    %swap3A_531 = arith.constant 0 : index
    %swap3A_532 = vector.load %arg3[%swap3A_529, %swap3A_530, %swap3A_531] : memref<32x128x128xf32, #tpu.memory_space<vmem>>, vector<1x128x128xf32>
    %swap3A_533 = vector.shape_cast %swap3A_532 : vector<1x128x128xf32> to vector<128x128xf32>
    %swap3A_534 = vector.shape_cast %mul3A_528 : vector<128x128xf32> to vector<1x128x128xf32>
    tpu.vector_store %arg3[%swap3A_529, %swap3A_530, %swap3A_531], %swap3A_534 {strides = array<i32>} : memref<32x128x128xf32, #tpu.memory_space<vmem>>, vector<1x128x128xf32>,
    %get3A_535 = arith.constant 14 : index
    %get3A_536 = arith.constant 0 : index
    %get3A_537 = vector.load %arg1[%get3A_535, %get3A_536] : memref<32x128xi32, #tpu.memory_space<vmem>>, vector<1x128xi32>
    %eq3A_538 = vector.broadcast %get3A_537 : vector<1x128xi32> to vector<64x128xi32>
    %eq3A_539 = arith.cmpi eq, %iota3A, %eq3A_538 : vector<64x128xi32>
    %convert_element_type3A_540 = arith.extui %eq3A_539 : vector<64x128xi1> to vector<64x128xi32>
    %convert_element_type3A_541 = arith.sitofp %convert_element_type3A_540 : vector<64x128xi32> to vector<64x128xf32>
    %convert_element_type3A_542 = arith.truncf %convert_element_type3A_541 : vector<64x128xf32> to vector<64x128xbf16>
    %get3A_543 = arith.constant 14 : index
    %get3A_544 = arith.constant 0 : index
    %get3A_545 = arith.constant 0 : index
    %get3A_546 = vector.load %arg2[%get3A_543, %get3A_544, %get3A_545] : memref<32x64x64xf32, #tpu.memory_space<vmem>>, vector<1x64x64xf32>
    %get3A_547 = vector.shape_cast %get3A_546 : vector<1x64x64xf32> to vector<64x64xf32>
    %convert_element_type3A_548 = arith.truncf %get3A_547 : vector<64x64xf32> to vector<64x64xbf16>
    %dot_general3A_549 = arith.constant dense<0.000000e+00> : vector<128x64xf32>
    %dot_general3A_550 = tpu.matmul %convert_element_type3A_542, %convert_element_type3A_548, %dot_general3A_549 {dimension_numbers = #tpu.dot_dimension_numbers<[0], [0], [1], [1], [0, 1, 1, 1], [], []>, transpose_lhs_hint = false} : vector<64x128xbf16>, vector<64x64xbf16>, vector<128x64xf32> -> vector<128x64xf32>
    %convert_element_type3A_551 = arith.truncf %dot_general3A_550 : vector<128x64xf32> to vector<128x64xbf16>
    %reduce_sum3A_552 = arith.constant dense<0.000000e+00> : vector<128xf32>
    %reduce_sum3A_553 = vector.multi_reduction <add>, %dot_general3A_550, %reduce_sum3A_552 [1] : vector<128x64xf32> to vector<128xf32>
    %broadcast_in_dim3A_554 = vector.shape_cast %reduce_sum3A_553 : vector<128xf32> to vector<128x1xf32>
    %eq3A_555 = arith.constant 0.000000e+00 : f32
    %eq3A_556 = vector.broadcast %eq3A_555 : f32 to vector<128x1xf32>
    %eq3A_557 = arith.cmpf oeq, %broadcast_in_dim3A_554, %eq3A_556 : vector<128x1xf32>
    %jit3A_558 = arith.constant 1.000000e+00 : f32
    %broadcast_in_dim3A_559 = vector.broadcast %jit3A_558 : f32 to vector<128x1xf32>
    %select_n3A_560 = arith.select %eq3A_557, %broadcast_in_dim3A_559, %broadcast_in_dim3A_554 : vector<128x1xi1>, vector<128x1xf32>
    %div3A_561 = arith.constant 1.000000e+00 : f32
    %div3A_562 = vector.broadcast %div3A_561 : f32 to vector<128x1xf32>
    %div3A_563 = arith.divf %div3A_562, %select_n3A_560 : vector<128x1xf32>
    %dot_general3A_564 = arith.constant dense<0.000000e+00> : vector<128x128xf32>
    %dot_general3A_565 = tpu.matmul %convert_element_type3A_551, %convert_element_type3A_542, %dot_general3A_564 {dimension_numbers = #tpu.dot_dimension_numbers<[1], [0], [0], [1], [0, 0, 1, 1], [], []>, transpose_lhs_hint = false} : vector<128x64xbf16>, vector<64x128xbf16>, vector<128x128xf32> -> vector<128x128xf32>
    %mul3A_566 = vector.broadcast %div3A_563 : vector<128x1xf32> to vector<128x128xf32>
    %mul3A_567 = arith.mulf %dot_general3A_565, %mul3A_566 : vector<128x128xf32>
    %swap3A_568 = arith.constant 14 : index
    %swap3A_569 = arith.constant 0 : index
    %swap3A_570 = arith.constant 0 : index
    %swap3A_571 = vector.load %arg3[%swap3A_568, %swap3A_569, %swap3A_570] : memref<32x128x128xf32, #tpu.memory_space<vmem>>, vector<1x128x128xf32>
    %swap3A_572 = vector.shape_cast %swap3A_571 : vector<1x128x128xf32> to vector<128x128xf32>
    %swap3A_573 = vector.shape_cast %mul3A_567 : vector<128x128xf32> to vector<1x128x128xf32>
    tpu.vector_store %arg3[%swap3A_568, %swap3A_569, %swap3A_570], %swap3A_573 {strides = array<i32>} : memref<32x128x128xf32, #tpu.memory_space<vmem>>, vector<1x128x128xf32>,
    %get3A_574 = arith.constant 15 : index
    %get3A_575 = arith.constant 0 : index
    %get3A_576 = vector.load %arg1[%get3A_574, %get3A_575] : memref<32x128xi32, #tpu.memory_space<vmem>>, vector<1x128xi32>
    %eq3A_577 = vector.broadcast %get3A_576 : vector<1x128xi32> to vector<64x128xi32>
    %eq3A_578 = arith.cmpi eq, %iota3A, %eq3A_577 : vector<64x128xi32>
    %convert_element_type3A_579 = arith.extui %eq3A_578 : vector<64x128xi1> to vector<64x128xi32>
    %convert_element_type3A_580 = arith.sitofp %convert_element_type3A_579 : vector<64x128xi32> to vector<64x128xf32>
    %convert_element_type3A_581 = arith.truncf %convert_element_type3A_580 : vector<64x128xf32> to vector<64x128xbf16>
    %get3A_582 = arith.constant 15 : index
    %get3A_583 = arith.constant 0 : index
    %get3A_584 = arith.constant 0 : index
    %get3A_585 = vector.load %arg2[%get3A_582, %get3A_583, %get3A_584] : memref<32x64x64xf32, #tpu.memory_space<vmem>>, vector<1x64x64xf32>
    %get3A_586 = vector.shape_cast %get3A_585 : vector<1x64x64xf32> to vector<64x64xf32>
    %convert_element_type3A_587 = arith.truncf %get3A_586 : vector<64x64xf32> to vector<64x64xbf16>
    %dot_general3A_588 = arith.constant dense<0.000000e+00> : vector<128x64xf32>
    %dot_general3A_589 = tpu.matmul %convert_element_type3A_581, %convert_element_type3A_587, %dot_general3A_588 {dimension_numbers = #tpu.dot_dimension_numbers<[0], [0], [1], [1], [0, 1, 1, 1], [], []>, transpose_lhs_hint = false} : vector<64x128xbf16>, vector<64x64xbf16>, vector<128x64xf32> -> vector<128x64xf32>
    %convert_element_type3A_590 = arith.truncf %dot_general3A_589 : vector<128x64xf32> to vector<128x64xbf16>
    %reduce_sum3A_591 = arith.constant dense<0.000000e+00> : vector<128xf32>
    %reduce_sum3A_592 = vector.multi_reduction <add>, %dot_general3A_589, %reduce_sum3A_591 [1] : vector<128x64xf32> to vector<128xf32>
    %broadcast_in_dim3A_593 = vector.shape_cast %reduce_sum3A_592 : vector<128xf32> to vector<128x1xf32>
    %eq3A_594 = arith.constant 0.000000e+00 : f32
    %eq3A_595 = vector.broadcast %eq3A_594 : f32 to vector<128x1xf32>
    %eq3A_596 = arith.cmpf oeq, %broadcast_in_dim3A_593, %eq3A_595 : vector<128x1xf32>
    %jit3A_597 = arith.constant 1.000000e+00 : f32
    %broadcast_in_dim3A_598 = vector.broadcast %jit3A_597 : f32 to vector<128x1xf32>
    %select_n3A_599 = arith.select %eq3A_596, %broadcast_in_dim3A_598, %broadcast_in_dim3A_593 : vector<128x1xi1>, vector<128x1xf32>
    %div3A_600 = arith.constant 1.000000e+00 : f32
    %div3A_601 = vector.broadcast %div3A_600 : f32 to vector<128x1xf32>
    %div3A_602 = arith.divf %div3A_601, %select_n3A_599 : vector<128x1xf32>
    %dot_general3A_603 = arith.constant dense<0.000000e+00> : vector<128x128xf32>
    %dot_general3A_604 = tpu.matmul %convert_element_type3A_590, %convert_element_type3A_581, %dot_general3A_603 {dimension_numbers = #tpu.dot_dimension_numbers<[1], [0], [0], [1], [0, 0, 1, 1], [], []>, transpose_lhs_hint = false} : vector<128x64xbf16>, vector<64x128xbf16>, vector<128x128xf32> -> vector<128x128xf32>
    %mul3A_605 = vector.broadcast %div3A_602 : vector<128x1xf32> to vector<128x128xf32>
    %mul3A_606 = arith.mulf %dot_general3A_604, %mul3A_605 : vector<128x128xf32>
    %swap3A_607 = arith.constant 15 : index
    %swap3A_608 = arith.constant 0 : index
    %swap3A_609 = arith.constant 0 : index
    %swap3A_610 = vector.load %arg3[%swap3A_607, %swap3A_608, %swap3A_609] : memref<32x128x128xf32, #tpu.memory_space<vmem>>, vector<1x128x128xf32>
    %swap3A_611 = vector.shape_cast %swap3A_610 : vector<1x128x128xf32> to vector<128x128xf32>
    %swap3A_612 = vector.shape_cast %mul3A_606 : vector<128x128xf32> to vector<1x128x128xf32>
    tpu.vector_store %arg3[%swap3A_607, %swap3A_608, %swap3A_609], %swap3A_612 {strides = array<i32>} : memref<32x128x128xf32, #tpu.memory_space<vmem>>, vector<1x128x128xf32>,
    %get3A_613 = arith.constant 16 : index
    %get3A_614 = arith.constant 0 : index
    %get3A_615 = vector.load %arg1[%get3A_613, %get3A_614] : memref<32x128xi32, #tpu.memory_space<vmem>>, vector<1x128xi32>
    %eq3A_616 = vector.broadcast %get3A_615 : vector<1x128xi32> to vector<64x128xi32>
    %eq3A_617 = arith.cmpi eq, %iota3A, %eq3A_616 : vector<64x128xi32>
    %convert_element_type3A_618 = arith.extui %eq3A_617 : vector<64x128xi1> to vector<64x128xi32>
    %convert_element_type3A_619 = arith.sitofp %convert_element_type3A_618 : vector<64x128xi32> to vector<64x128xf32>
    %convert_element_type3A_620 = arith.truncf %convert_element_type3A_619 : vector<64x128xf32> to vector<64x128xbf16>
    %get3A_621 = arith.constant 16 : index
    %get3A_622 = arith.constant 0 : index
    %get3A_623 = arith.constant 0 : index
    %get3A_624 = vector.load %arg2[%get3A_621, %get3A_622, %get3A_623] : memref<32x64x64xf32, #tpu.memory_space<vmem>>, vector<1x64x64xf32>
    %get3A_625 = vector.shape_cast %get3A_624 : vector<1x64x64xf32> to vector<64x64xf32>
    %convert_element_type3A_626 = arith.truncf %get3A_625 : vector<64x64xf32> to vector<64x64xbf16>
    %dot_general3A_627 = arith.constant dense<0.000000e+00> : vector<128x64xf32>
    %dot_general3A_628 = tpu.matmul %convert_element_type3A_620, %convert_element_type3A_626, %dot_general3A_627 {dimension_numbers = #tpu.dot_dimension_numbers<[0], [0], [1], [1], [0, 1, 1, 1], [], []>, transpose_lhs_hint = false} : vector<64x128xbf16>, vector<64x64xbf16>, vector<128x64xf32> -> vector<128x64xf32>
    %convert_element_type3A_629 = arith.truncf %dot_general3A_628 : vector<128x64xf32> to vector<128x64xbf16>
    %reduce_sum3A_630 = arith.constant dense<0.000000e+00> : vector<128xf32>
    %reduce_sum3A_631 = vector.multi_reduction <add>, %dot_general3A_628, %reduce_sum3A_630 [1] : vector<128x64xf32> to vector<128xf32>
    %broadcast_in_dim3A_632 = vector.shape_cast %reduce_sum3A_631 : vector<128xf32> to vector<128x1xf32>
    %eq3A_633 = arith.constant 0.000000e+00 : f32
    %eq3A_634 = vector.broadcast %eq3A_633 : f32 to vector<128x1xf32>
    %eq3A_635 = arith.cmpf oeq, %broadcast_in_dim3A_632, %eq3A_634 : vector<128x1xf32>
    %jit3A_636 = arith.constant 1.000000e+00 : f32
    %broadcast_in_dim3A_637 = vector.broadcast %jit3A_636 : f32 to vector<128x1xf32>
    %select_n3A_638 = arith.select %eq3A_635, %broadcast_in_dim3A_637, %broadcast_in_dim3A_632 : vector<128x1xi1>, vector<128x1xf32>
    %div3A_639 = arith.constant 1.000000e+00 : f32
    %div3A_640 = vector.broadcast %div3A_639 : f32 to vector<128x1xf32>
    %div3A_641 = arith.divf %div3A_640, %select_n3A_638 : vector<128x1xf32>
    %dot_general3A_642 = arith.constant dense<0.000000e+00> : vector<128x128xf32>
    %dot_general3A_643 = tpu.matmul %convert_element_type3A_629, %convert_element_type3A_620, %dot_general3A_642 {dimension_numbers = #tpu.dot_dimension_numbers<[1], [0], [0], [1], [0, 0, 1, 1], [], []>, transpose_lhs_hint = false} : vector<128x64xbf16>, vector<64x128xbf16>, vector<128x128xf32> -> vector<128x128xf32>
    %mul3A_644 = vector.broadcast %div3A_641 : vector<128x1xf32> to vector<128x128xf32>
    %mul3A_645 = arith.mulf %dot_general3A_643, %mul3A_644 : vector<128x128xf32>
    %swap3A_646 = arith.constant 16 : index
    %swap3A_647 = arith.constant 0 : index
    %swap3A_648 = arith.constant 0 : index
    %swap3A_649 = vector.load %arg3[%swap3A_646, %swap3A_647, %swap3A_648] : memref<32x128x128xf32, #tpu.memory_space<vmem>>, vector<1x128x128xf32>
    %swap3A_650 = vector.shape_cast %swap3A_649 : vector<1x128x128xf32> to vector<128x128xf32>
    %swap3A_651 = vector.shape_cast %mul3A_645 : vector<128x128xf32> to vector<1x128x128xf32>
    tpu.vector_store %arg3[%swap3A_646, %swap3A_647, %swap3A_648], %swap3A_651 {strides = array<i32>} : memref<32x128x128xf32, #tpu.memory_space<vmem>>, vector<1x128x128xf32>,
    %get3A_652 = arith.constant 17 : index
    %get3A_653 = arith.constant 0 : index
    %get3A_654 = vector.load %arg1[%get3A_652, %get3A_653] : memref<32x128xi32, #tpu.memory_space<vmem>>, vector<1x128xi32>
    %eq3A_655 = vector.broadcast %get3A_654 : vector<1x128xi32> to vector<64x128xi32>
    %eq3A_656 = arith.cmpi eq, %iota3A, %eq3A_655 : vector<64x128xi32>
    %convert_element_type3A_657 = arith.extui %eq3A_656 : vector<64x128xi1> to vector<64x128xi32>
    %convert_element_type3A_658 = arith.sitofp %convert_element_type3A_657 : vector<64x128xi32> to vector<64x128xf32>
    %convert_element_type3A_659 = arith.truncf %convert_element_type3A_658 : vector<64x128xf32> to vector<64x128xbf16>
    %get3A_660 = arith.constant 17 : index
    %get3A_661 = arith.constant 0 : index
    %get3A_662 = arith.constant 0 : index
    %get3A_663 = vector.load %arg2[%get3A_660, %get3A_661, %get3A_662] : memref<32x64x64xf32, #tpu.memory_space<vmem>>, vector<1x64x64xf32>
    %get3A_664 = vector.shape_cast %get3A_663 : vector<1x64x64xf32> to vector<64x64xf32>
    %convert_element_type3A_665 = arith.truncf %get3A_664 : vector<64x64xf32> to vector<64x64xbf16>
    %dot_general3A_666 = arith.constant dense<0.000000e+00> : vector<128x64xf32>
    %dot_general3A_667 = tpu.matmul %convert_element_type3A_659, %convert_element_type3A_665, %dot_general3A_666 {dimension_numbers = #tpu.dot_dimension_numbers<[0], [0], [1], [1], [0, 1, 1, 1], [], []>, transpose_lhs_hint = false} : vector<64x128xbf16>, vector<64x64xbf16>, vector<128x64xf32> -> vector<128x64xf32>
    %convert_element_type3A_668 = arith.truncf %dot_general3A_667 : vector<128x64xf32> to vector<128x64xbf16>
    %reduce_sum3A_669 = arith.constant dense<0.000000e+00> : vector<128xf32>
    %reduce_sum3A_670 = vector.multi_reduction <add>, %dot_general3A_667, %reduce_sum3A_669 [1] : vector<128x64xf32> to vector<128xf32>
    %broadcast_in_dim3A_671 = vector.shape_cast %reduce_sum3A_670 : vector<128xf32> to vector<128x1xf32>
    %eq3A_672 = arith.constant 0.000000e+00 : f32
    %eq3A_673 = vector.broadcast %eq3A_672 : f32 to vector<128x1xf32>
    %eq3A_674 = arith.cmpf oeq, %broadcast_in_dim3A_671, %eq3A_673 : vector<128x1xf32>
    %jit3A_675 = arith.constant 1.000000e+00 : f32
    %broadcast_in_dim3A_676 = vector.broadcast %jit3A_675 : f32 to vector<128x1xf32>
    %select_n3A_677 = arith.select %eq3A_674, %broadcast_in_dim3A_676, %broadcast_in_dim3A_671 : vector<128x1xi1>, vector<128x1xf32>
    %div3A_678 = arith.constant 1.000000e+00 : f32
    %div3A_679 = vector.broadcast %div3A_678 : f32 to vector<128x1xf32>
    %div3A_680 = arith.divf %div3A_679, %select_n3A_677 : vector<128x1xf32>
    %dot_general3A_681 = arith.constant dense<0.000000e+00> : vector<128x128xf32>
    %dot_general3A_682 = tpu.matmul %convert_element_type3A_668, %convert_element_type3A_659, %dot_general3A_681 {dimension_numbers = #tpu.dot_dimension_numbers<[1], [0], [0], [1], [0, 0, 1, 1], [], []>, transpose_lhs_hint = false} : vector<128x64xbf16>, vector<64x128xbf16>, vector<128x128xf32> -> vector<128x128xf32>
    %mul3A_683 = vector.broadcast %div3A_680 : vector<128x1xf32> to vector<128x128xf32>
    %mul3A_684 = arith.mulf %dot_general3A_682, %mul3A_683 : vector<128x128xf32>
    %swap3A_685 = arith.constant 17 : index
    %swap3A_686 = arith.constant 0 : index
    %swap3A_687 = arith.constant 0 : index
    %swap3A_688 = vector.load %arg3[%swap3A_685, %swap3A_686, %swap3A_687] : memref<32x128x128xf32, #tpu.memory_space<vmem>>, vector<1x128x128xf32>
    %swap3A_689 = vector.shape_cast %swap3A_688 : vector<1x128x128xf32> to vector<128x128xf32>
    %swap3A_690 = vector.shape_cast %mul3A_684 : vector<128x128xf32> to vector<1x128x128xf32>
    tpu.vector_store %arg3[%swap3A_685, %swap3A_686, %swap3A_687], %swap3A_690 {strides = array<i32>} : memref<32x128x128xf32, #tpu.memory_space<vmem>>, vector<1x128x128xf32>,
    %get3A_691 = arith.constant 18 : index
    %get3A_692 = arith.constant 0 : index
    %get3A_693 = vector.load %arg1[%get3A_691, %get3A_692] : memref<32x128xi32, #tpu.memory_space<vmem>>, vector<1x128xi32>
    %eq3A_694 = vector.broadcast %get3A_693 : vector<1x128xi32> to vector<64x128xi32>
    %eq3A_695 = arith.cmpi eq, %iota3A, %eq3A_694 : vector<64x128xi32>
    %convert_element_type3A_696 = arith.extui %eq3A_695 : vector<64x128xi1> to vector<64x128xi32>
    %convert_element_type3A_697 = arith.sitofp %convert_element_type3A_696 : vector<64x128xi32> to vector<64x128xf32>
    %convert_element_type3A_698 = arith.truncf %convert_element_type3A_697 : vector<64x128xf32> to vector<64x128xbf16>
    %get3A_699 = arith.constant 18 : index
    %get3A_700 = arith.constant 0 : index
    %get3A_701 = arith.constant 0 : index
    %get3A_702 = vector.load %arg2[%get3A_699, %get3A_700, %get3A_701] : memref<32x64x64xf32, #tpu.memory_space<vmem>>, vector<1x64x64xf32>
    %get3A_703 = vector.shape_cast %get3A_702 : vector<1x64x64xf32> to vector<64x64xf32>
    %convert_element_type3A_704 = arith.truncf %get3A_703 : vector<64x64xf32> to vector<64x64xbf16>
    %dot_general3A_705 = arith.constant dense<0.000000e+00> : vector<128x64xf32>
    %dot_general3A_706 = tpu.matmul %convert_element_type3A_698, %convert_element_type3A_704, %dot_general3A_705 {dimension_numbers = #tpu.dot_dimension_numbers<[0], [0], [1], [1], [0, 1, 1, 1], [], []>, transpose_lhs_hint = false} : vector<64x128xbf16>, vector<64x64xbf16>, vector<128x64xf32> -> vector<128x64xf32>
    %convert_element_type3A_707 = arith.truncf %dot_general3A_706 : vector<128x64xf32> to vector<128x64xbf16>
    %reduce_sum3A_708 = arith.constant dense<0.000000e+00> : vector<128xf32>
    %reduce_sum3A_709 = vector.multi_reduction <add>, %dot_general3A_706, %reduce_sum3A_708 [1] : vector<128x64xf32> to vector<128xf32>
    %broadcast_in_dim3A_710 = vector.shape_cast %reduce_sum3A_709 : vector<128xf32> to vector<128x1xf32>
    %eq3A_711 = arith.constant 0.000000e+00 : f32
    %eq3A_712 = vector.broadcast %eq3A_711 : f32 to vector<128x1xf32>
    %eq3A_713 = arith.cmpf oeq, %broadcast_in_dim3A_710, %eq3A_712 : vector<128x1xf32>
    %jit3A_714 = arith.constant 1.000000e+00 : f32
    %broadcast_in_dim3A_715 = vector.broadcast %jit3A_714 : f32 to vector<128x1xf32>
    %select_n3A_716 = arith.select %eq3A_713, %broadcast_in_dim3A_715, %broadcast_in_dim3A_710 : vector<128x1xi1>, vector<128x1xf32>
    %div3A_717 = arith.constant 1.000000e+00 : f32
    %div3A_718 = vector.broadcast %div3A_717 : f32 to vector<128x1xf32>
    %div3A_719 = arith.divf %div3A_718, %select_n3A_716 : vector<128x1xf32>
    %dot_general3A_720 = arith.constant dense<0.000000e+00> : vector<128x128xf32>
    %dot_general3A_721 = tpu.matmul %convert_element_type3A_707, %convert_element_type3A_698, %dot_general3A_720 {dimension_numbers = #tpu.dot_dimension_numbers<[1], [0], [0], [1], [0, 0, 1, 1], [], []>, transpose_lhs_hint = false} : vector<128x64xbf16>, vector<64x128xbf16>, vector<128x128xf32> -> vector<128x128xf32>
    %mul3A_722 = vector.broadcast %div3A_719 : vector<128x1xf32> to vector<128x128xf32>
    %mul3A_723 = arith.mulf %dot_general3A_721, %mul3A_722 : vector<128x128xf32>
    %swap3A_724 = arith.constant 18 : index
    %swap3A_725 = arith.constant 0 : index
    %swap3A_726 = arith.constant 0 : index
    %swap3A_727 = vector.load %arg3[%swap3A_724, %swap3A_725, %swap3A_726] : memref<32x128x128xf32, #tpu.memory_space<vmem>>, vector<1x128x128xf32>
    %swap3A_728 = vector.shape_cast %swap3A_727 : vector<1x128x128xf32> to vector<128x128xf32>
    %swap3A_729 = vector.shape_cast %mul3A_723 : vector<128x128xf32> to vector<1x128x128xf32>
    tpu.vector_store %arg3[%swap3A_724, %swap3A_725, %swap3A_726], %swap3A_729 {strides = array<i32>} : memref<32x128x128xf32, #tpu.memory_space<vmem>>, vector<1x128x128xf32>,
    %get3A_730 = arith.constant 19 : index
    %get3A_731 = arith.constant 0 : index
    %get3A_732 = vector.load %arg1[%get3A_730, %get3A_731] : memref<32x128xi32, #tpu.memory_space<vmem>>, vector<1x128xi32>
    %eq3A_733 = vector.broadcast %get3A_732 : vector<1x128xi32> to vector<64x128xi32>
    %eq3A_734 = arith.cmpi eq, %iota3A, %eq3A_733 : vector<64x128xi32>
    %convert_element_type3A_735 = arith.extui %eq3A_734 : vector<64x128xi1> to vector<64x128xi32>
    %convert_element_type3A_736 = arith.sitofp %convert_element_type3A_735 : vector<64x128xi32> to vector<64x128xf32>
    %convert_element_type3A_737 = arith.truncf %convert_element_type3A_736 : vector<64x128xf32> to vector<64x128xbf16>
    %get3A_738 = arith.constant 19 : index
    %get3A_739 = arith.constant 0 : index
    %get3A_740 = arith.constant 0 : index
    %get3A_741 = vector.load %arg2[%get3A_738, %get3A_739, %get3A_740] : memref<32x64x64xf32, #tpu.memory_space<vmem>>, vector<1x64x64xf32>
    %get3A_742 = vector.shape_cast %get3A_741 : vector<1x64x64xf32> to vector<64x64xf32>
    %convert_element_type3A_743 = arith.truncf %get3A_742 : vector<64x64xf32> to vector<64x64xbf16>
    %dot_general3A_744 = arith.constant dense<0.000000e+00> : vector<128x64xf32>
    %dot_general3A_745 = tpu.matmul %convert_element_type3A_737, %convert_element_type3A_743, %dot_general3A_744 {dimension_numbers = #tpu.dot_dimension_numbers<[0], [0], [1], [1], [0, 1, 1, 1], [], []>, transpose_lhs_hint = false} : vector<64x128xbf16>, vector<64x64xbf16>, vector<128x64xf32> -> vector<128x64xf32>
    %convert_element_type3A_746 = arith.truncf %dot_general3A_745 : vector<128x64xf32> to vector<128x64xbf16>
    %reduce_sum3A_747 = arith.constant dense<0.000000e+00> : vector<128xf32>
    %reduce_sum3A_748 = vector.multi_reduction <add>, %dot_general3A_745, %reduce_sum3A_747 [1] : vector<128x64xf32> to vector<128xf32>
    %broadcast_in_dim3A_749 = vector.shape_cast %reduce_sum3A_748 : vector<128xf32> to vector<128x1xf32>
    %eq3A_750 = arith.constant 0.000000e+00 : f32
    %eq3A_751 = vector.broadcast %eq3A_750 : f32 to vector<128x1xf32>
    %eq3A_752 = arith.cmpf oeq, %broadcast_in_dim3A_749, %eq3A_751 : vector<128x1xf32>
    %jit3A_753 = arith.constant 1.000000e+00 : f32
    %broadcast_in_dim3A_754 = vector.broadcast %jit3A_753 : f32 to vector<128x1xf32>
    %select_n3A_755 = arith.select %eq3A_752, %broadcast_in_dim3A_754, %broadcast_in_dim3A_749 : vector<128x1xi1>, vector<128x1xf32>
    %div3A_756 = arith.constant 1.000000e+00 : f32
    %div3A_757 = vector.broadcast %div3A_756 : f32 to vector<128x1xf32>
    %div3A_758 = arith.divf %div3A_757, %select_n3A_755 : vector<128x1xf32>
    %dot_general3A_759 = arith.constant dense<0.000000e+00> : vector<128x128xf32>
    %dot_general3A_760 = tpu.matmul %convert_element_type3A_746, %convert_element_type3A_737, %dot_general3A_759 {dimension_numbers = #tpu.dot_dimension_numbers<[1], [0], [0], [1], [0, 0, 1, 1], [], []>, transpose_lhs_hint = false} : vector<128x64xbf16>, vector<64x128xbf16>, vector<128x128xf32> -> vector<128x128xf32>
    %mul3A_761 = vector.broadcast %div3A_758 : vector<128x1xf32> to vector<128x128xf32>
    %mul3A_762 = arith.mulf %dot_general3A_760, %mul3A_761 : vector<128x128xf32>
    %swap3A_763 = arith.constant 19 : index
    %swap3A_764 = arith.constant 0 : index
    %swap3A_765 = arith.constant 0 : index
    %swap3A_766 = vector.load %arg3[%swap3A_763, %swap3A_764, %swap3A_765] : memref<32x128x128xf32, #tpu.memory_space<vmem>>, vector<1x128x128xf32>
    %swap3A_767 = vector.shape_cast %swap3A_766 : vector<1x128x128xf32> to vector<128x128xf32>
    %swap3A_768 = vector.shape_cast %mul3A_762 : vector<128x128xf32> to vector<1x128x128xf32>
    tpu.vector_store %arg3[%swap3A_763, %swap3A_764, %swap3A_765], %swap3A_768 {strides = array<i32>} : memref<32x128x128xf32, #tpu.memory_space<vmem>>, vector<1x128x128xf32>,
    %get3A_769 = arith.constant 20 : index
    %get3A_770 = arith.constant 0 : index
    %get3A_771 = vector.load %arg1[%get3A_769, %get3A_770] : memref<32x128xi32, #tpu.memory_space<vmem>>, vector<1x128xi32>
    %eq3A_772 = vector.broadcast %get3A_771 : vector<1x128xi32> to vector<64x128xi32>
    %eq3A_773 = arith.cmpi eq, %iota3A, %eq3A_772 : vector<64x128xi32>
    %convert_element_type3A_774 = arith.extui %eq3A_773 : vector<64x128xi1> to vector<64x128xi32>
    %convert_element_type3A_775 = arith.sitofp %convert_element_type3A_774 : vector<64x128xi32> to vector<64x128xf32>
    %convert_element_type3A_776 = arith.truncf %convert_element_type3A_775 : vector<64x128xf32> to vector<64x128xbf16>
    %get3A_777 = arith.constant 20 : index
    %get3A_778 = arith.constant 0 : index
    %get3A_779 = arith.constant 0 : index
    %get3A_780 = vector.load %arg2[%get3A_777, %get3A_778, %get3A_779] : memref<32x64x64xf32, #tpu.memory_space<vmem>>, vector<1x64x64xf32>
    %get3A_781 = vector.shape_cast %get3A_780 : vector<1x64x64xf32> to vector<64x64xf32>
    %convert_element_type3A_782 = arith.truncf %get3A_781 : vector<64x64xf32> to vector<64x64xbf16>
    %dot_general3A_783 = arith.constant dense<0.000000e+00> : vector<128x64xf32>
    %dot_general3A_784 = tpu.matmul %convert_element_type3A_776, %convert_element_type3A_782, %dot_general3A_783 {dimension_numbers = #tpu.dot_dimension_numbers<[0], [0], [1], [1], [0, 1, 1, 1], [], []>, transpose_lhs_hint = false} : vector<64x128xbf16>, vector<64x64xbf16>, vector<128x64xf32> -> vector<128x64xf32>
    %convert_element_type3A_785 = arith.truncf %dot_general3A_784 : vector<128x64xf32> to vector<128x64xbf16>
    %reduce_sum3A_786 = arith.constant dense<0.000000e+00> : vector<128xf32>
    %reduce_sum3A_787 = vector.multi_reduction <add>, %dot_general3A_784, %reduce_sum3A_786 [1] : vector<128x64xf32> to vector<128xf32>
    %broadcast_in_dim3A_788 = vector.shape_cast %reduce_sum3A_787 : vector<128xf32> to vector<128x1xf32>
    %eq3A_789 = arith.constant 0.000000e+00 : f32
    %eq3A_790 = vector.broadcast %eq3A_789 : f32 to vector<128x1xf32>
    %eq3A_791 = arith.cmpf oeq, %broadcast_in_dim3A_788, %eq3A_790 : vector<128x1xf32>
    %jit3A_792 = arith.constant 1.000000e+00 : f32
    %broadcast_in_dim3A_793 = vector.broadcast %jit3A_792 : f32 to vector<128x1xf32>
    %select_n3A_794 = arith.select %eq3A_791, %broadcast_in_dim3A_793, %broadcast_in_dim3A_788 : vector<128x1xi1>, vector<128x1xf32>
    %div3A_795 = arith.constant 1.000000e+00 : f32
    %div3A_796 = vector.broadcast %div3A_795 : f32 to vector<128x1xf32>
    %div3A_797 = arith.divf %div3A_796, %select_n3A_794 : vector<128x1xf32>
    %dot_general3A_798 = arith.constant dense<0.000000e+00> : vector<128x128xf32>
    %dot_general3A_799 = tpu.matmul %convert_element_type3A_785, %convert_element_type3A_776, %dot_general3A_798 {dimension_numbers = #tpu.dot_dimension_numbers<[1], [0], [0], [1], [0, 0, 1, 1], [], []>, transpose_lhs_hint = false} : vector<128x64xbf16>, vector<64x128xbf16>, vector<128x128xf32> -> vector<128x128xf32>
    %mul3A_800 = vector.broadcast %div3A_797 : vector<128x1xf32> to vector<128x128xf32>
    %mul3A_801 = arith.mulf %dot_general3A_799, %mul3A_800 : vector<128x128xf32>
    %swap3A_802 = arith.constant 20 : index
    %swap3A_803 = arith.constant 0 : index
    %swap3A_804 = arith.constant 0 : index
    %swap3A_805 = vector.load %arg3[%swap3A_802, %swap3A_803, %swap3A_804] : memref<32x128x128xf32, #tpu.memory_space<vmem>>, vector<1x128x128xf32>
    %swap3A_806 = vector.shape_cast %swap3A_805 : vector<1x128x128xf32> to vector<128x128xf32>
    %swap3A_807 = vector.shape_cast %mul3A_801 : vector<128x128xf32> to vector<1x128x128xf32>
    tpu.vector_store %arg3[%swap3A_802, %swap3A_803, %swap3A_804], %swap3A_807 {strides = array<i32>} : memref<32x128x128xf32, #tpu.memory_space<vmem>>, vector<1x128x128xf32>,
    %get3A_808 = arith.constant 21 : index
    %get3A_809 = arith.constant 0 : index
    %get3A_810 = vector.load %arg1[%get3A_808, %get3A_809] : memref<32x128xi32, #tpu.memory_space<vmem>>, vector<1x128xi32>
    %eq3A_811 = vector.broadcast %get3A_810 : vector<1x128xi32> to vector<64x128xi32>
    %eq3A_812 = arith.cmpi eq, %iota3A, %eq3A_811 : vector<64x128xi32>
    %convert_element_type3A_813 = arith.extui %eq3A_812 : vector<64x128xi1> to vector<64x128xi32>
    %convert_element_type3A_814 = arith.sitofp %convert_element_type3A_813 : vector<64x128xi32> to vector<64x128xf32>
    %convert_element_type3A_815 = arith.truncf %convert_element_type3A_814 : vector<64x128xf32> to vector<64x128xbf16>
    %get3A_816 = arith.constant 21 : index
    %get3A_817 = arith.constant 0 : index
    %get3A_818 = arith.constant 0 : index
    %get3A_819 = vector.load %arg2[%get3A_816, %get3A_817, %get3A_818] : memref<32x64x64xf32, #tpu.memory_space<vmem>>, vector<1x64x64xf32>
    %get3A_820 = vector.shape_cast %get3A_819 : vector<1x64x64xf32> to vector<64x64xf32>
    %convert_element_type3A_821 = arith.truncf %get3A_820 : vector<64x64xf32> to vector<64x64xbf16>
    %dot_general3A_822 = arith.constant dense<0.000000e+00> : vector<128x64xf32>
    %dot_general3A_823 = tpu.matmul %convert_element_type3A_815, %convert_element_type3A_821, %dot_general3A_822 {dimension_numbers = #tpu.dot_dimension_numbers<[0], [0], [1], [1], [0, 1, 1, 1], [], []>, transpose_lhs_hint = false} : vector<64x128xbf16>, vector<64x64xbf16>, vector<128x64xf32> -> vector<128x64xf32>
    %convert_element_type3A_824 = arith.truncf %dot_general3A_823 : vector<128x64xf32> to vector<128x64xbf16>
    %reduce_sum3A_825 = arith.constant dense<0.000000e+00> : vector<128xf32>
    %reduce_sum3A_826 = vector.multi_reduction <add>, %dot_general3A_823, %reduce_sum3A_825 [1] : vector<128x64xf32> to vector<128xf32>
    %broadcast_in_dim3A_827 = vector.shape_cast %reduce_sum3A_826 : vector<128xf32> to vector<128x1xf32>
    %eq3A_828 = arith.constant 0.000000e+00 : f32
    %eq3A_829 = vector.broadcast %eq3A_828 : f32 to vector<128x1xf32>
    %eq3A_830 = arith.cmpf oeq, %broadcast_in_dim3A_827, %eq3A_829 : vector<128x1xf32>
    %jit3A_831 = arith.constant 1.000000e+00 : f32
    %broadcast_in_dim3A_832 = vector.broadcast %jit3A_831 : f32 to vector<128x1xf32>
    %select_n3A_833 = arith.select %eq3A_830, %broadcast_in_dim3A_832, %broadcast_in_dim3A_827 : vector<128x1xi1>, vector<128x1xf32>
    %div3A_834 = arith.constant 1.000000e+00 : f32
    %div3A_835 = vector.broadcast %div3A_834 : f32 to vector<128x1xf32>
    %div3A_836 = arith.divf %div3A_835, %select_n3A_833 : vector<128x1xf32>
    %dot_general3A_837 = arith.constant dense<0.000000e+00> : vector<128x128xf32>
    %dot_general3A_838 = tpu.matmul %convert_element_type3A_824, %convert_element_type3A_815, %dot_general3A_837 {dimension_numbers = #tpu.dot_dimension_numbers<[1], [0], [0], [1], [0, 0, 1, 1], [], []>, transpose_lhs_hint = false} : vector<128x64xbf16>, vector<64x128xbf16>, vector<128x128xf32> -> vector<128x128xf32>
    %mul3A_839 = vector.broadcast %div3A_836 : vector<128x1xf32> to vector<128x128xf32>
    %mul3A_840 = arith.mulf %dot_general3A_838, %mul3A_839 : vector<128x128xf32>
    %swap3A_841 = arith.constant 21 : index
    %swap3A_842 = arith.constant 0 : index
    %swap3A_843 = arith.constant 0 : index
    %swap3A_844 = vector.load %arg3[%swap3A_841, %swap3A_842, %swap3A_843] : memref<32x128x128xf32, #tpu.memory_space<vmem>>, vector<1x128x128xf32>
    %swap3A_845 = vector.shape_cast %swap3A_844 : vector<1x128x128xf32> to vector<128x128xf32>
    %swap3A_846 = vector.shape_cast %mul3A_840 : vector<128x128xf32> to vector<1x128x128xf32>
    tpu.vector_store %arg3[%swap3A_841, %swap3A_842, %swap3A_843], %swap3A_846 {strides = array<i32>} : memref<32x128x128xf32, #tpu.memory_space<vmem>>, vector<1x128x128xf32>,
    %get3A_847 = arith.constant 22 : index
    %get3A_848 = arith.constant 0 : index
    %get3A_849 = vector.load %arg1[%get3A_847, %get3A_848] : memref<32x128xi32, #tpu.memory_space<vmem>>, vector<1x128xi32>
    %eq3A_850 = vector.broadcast %get3A_849 : vector<1x128xi32> to vector<64x128xi32>
    %eq3A_851 = arith.cmpi eq, %iota3A, %eq3A_850 : vector<64x128xi32>
    %convert_element_type3A_852 = arith.extui %eq3A_851 : vector<64x128xi1> to vector<64x128xi32>
    %convert_element_type3A_853 = arith.sitofp %convert_element_type3A_852 : vector<64x128xi32> to vector<64x128xf32>
    %convert_element_type3A_854 = arith.truncf %convert_element_type3A_853 : vector<64x128xf32> to vector<64x128xbf16>
    %get3A_855 = arith.constant 22 : index
    %get3A_856 = arith.constant 0 : index
    %get3A_857 = arith.constant 0 : index
    %get3A_858 = vector.load %arg2[%get3A_855, %get3A_856, %get3A_857] : memref<32x64x64xf32, #tpu.memory_space<vmem>>, vector<1x64x64xf32>
    %get3A_859 = vector.shape_cast %get3A_858 : vector<1x64x64xf32> to vector<64x64xf32>
    %convert_element_type3A_860 = arith.truncf %get3A_859 : vector<64x64xf32> to vector<64x64xbf16>
    %dot_general3A_861 = arith.constant dense<0.000000e+00> : vector<128x64xf32>
    %dot_general3A_862 = tpu.matmul %convert_element_type3A_854, %convert_element_type3A_860, %dot_general3A_861 {dimension_numbers = #tpu.dot_dimension_numbers<[0], [0], [1], [1], [0, 1, 1, 1], [], []>, transpose_lhs_hint = false} : vector<64x128xbf16>, vector<64x64xbf16>, vector<128x64xf32> -> vector<128x64xf32>
    %convert_element_type3A_863 = arith.truncf %dot_general3A_862 : vector<128x64xf32> to vector<128x64xbf16>
    %reduce_sum3A_864 = arith.constant dense<0.000000e+00> : vector<128xf32>
    %reduce_sum3A_865 = vector.multi_reduction <add>, %dot_general3A_862, %reduce_sum3A_864 [1] : vector<128x64xf32> to vector<128xf32>
    %broadcast_in_dim3A_866 = vector.shape_cast %reduce_sum3A_865 : vector<128xf32> to vector<128x1xf32>
    %eq3A_867 = arith.constant 0.000000e+00 : f32
    %eq3A_868 = vector.broadcast %eq3A_867 : f32 to vector<128x1xf32>
    %eq3A_869 = arith.cmpf oeq, %broadcast_in_dim3A_866, %eq3A_868 : vector<128x1xf32>
    %jit3A_870 = arith.constant 1.000000e+00 : f32
    %broadcast_in_dim3A_871 = vector.broadcast %jit3A_870 : f32 to vector<128x1xf32>
    %select_n3A_872 = arith.select %eq3A_869, %broadcast_in_dim3A_871, %broadcast_in_dim3A_866 : vector<128x1xi1>, vector<128x1xf32>
    %div3A_873 = arith.constant 1.000000e+00 : f32
    %div3A_874 = vector.broadcast %div3A_873 : f32 to vector<128x1xf32>
    %div3A_875 = arith.divf %div3A_874, %select_n3A_872 : vector<128x1xf32>
    %dot_general3A_876 = arith.constant dense<0.000000e+00> : vector<128x128xf32>
    %dot_general3A_877 = tpu.matmul %convert_element_type3A_863, %convert_element_type3A_854, %dot_general3A_876 {dimension_numbers = #tpu.dot_dimension_numbers<[1], [0], [0], [1], [0, 0, 1, 1], [], []>, transpose_lhs_hint = false} : vector<128x64xbf16>, vector<64x128xbf16>, vector<128x128xf32> -> vector<128x128xf32>
    %mul3A_878 = vector.broadcast %div3A_875 : vector<128x1xf32> to vector<128x128xf32>
    %mul3A_879 = arith.mulf %dot_general3A_877, %mul3A_878 : vector<128x128xf32>
    %swap3A_880 = arith.constant 22 : index
    %swap3A_881 = arith.constant 0 : index
    %swap3A_882 = arith.constant 0 : index
    %swap3A_883 = vector.load %arg3[%swap3A_880, %swap3A_881, %swap3A_882] : memref<32x128x128xf32, #tpu.memory_space<vmem>>, vector<1x128x128xf32>
    %swap3A_884 = vector.shape_cast %swap3A_883 : vector<1x128x128xf32> to vector<128x128xf32>
    %swap3A_885 = vector.shape_cast %mul3A_879 : vector<128x128xf32> to vector<1x128x128xf32>
    tpu.vector_store %arg3[%swap3A_880, %swap3A_881, %swap3A_882], %swap3A_885 {strides = array<i32>} : memref<32x128x128xf32, #tpu.memory_space<vmem>>, vector<1x128x128xf32>,
    %get3A_886 = arith.constant 23 : index
    %get3A_887 = arith.constant 0 : index
    %get3A_888 = vector.load %arg1[%get3A_886, %get3A_887] : memref<32x128xi32, #tpu.memory_space<vmem>>, vector<1x128xi32>
    %eq3A_889 = vector.broadcast %get3A_888 : vector<1x128xi32> to vector<64x128xi32>
    %eq3A_890 = arith.cmpi eq, %iota3A, %eq3A_889 : vector<64x128xi32>
    %convert_element_type3A_891 = arith.extui %eq3A_890 : vector<64x128xi1> to vector<64x128xi32>
    %convert_element_type3A_892 = arith.sitofp %convert_element_type3A_891 : vector<64x128xi32> to vector<64x128xf32>
    %convert_element_type3A_893 = arith.truncf %convert_element_type3A_892 : vector<64x128xf32> to vector<64x128xbf16>
    %get3A_894 = arith.constant 23 : index
    %get3A_895 = arith.constant 0 : index
    %get3A_896 = arith.constant 0 : index
    %get3A_897 = vector.load %arg2[%get3A_894, %get3A_895, %get3A_896] : memref<32x64x64xf32, #tpu.memory_space<vmem>>, vector<1x64x64xf32>
    %get3A_898 = vector.shape_cast %get3A_897 : vector<1x64x64xf32> to vector<64x64xf32>
    %convert_element_type3A_899 = arith.truncf %get3A_898 : vector<64x64xf32> to vector<64x64xbf16>
    %dot_general3A_900 = arith.constant dense<0.000000e+00> : vector<128x64xf32>
    %dot_general3A_901 = tpu.matmul %convert_element_type3A_893, %convert_element_type3A_899, %dot_general3A_900 {dimension_numbers = #tpu.dot_dimension_numbers<[0], [0], [1], [1], [0, 1, 1, 1], [], []>, transpose_lhs_hint = false} : vector<64x128xbf16>, vector<64x64xbf16>, vector<128x64xf32> -> vector<128x64xf32>
    %convert_element_type3A_902 = arith.truncf %dot_general3A_901 : vector<128x64xf32> to vector<128x64xbf16>
    %reduce_sum3A_903 = arith.constant dense<0.000000e+00> : vector<128xf32>
    %reduce_sum3A_904 = vector.multi_reduction <add>, %dot_general3A_901, %reduce_sum3A_903 [1] : vector<128x64xf32> to vector<128xf32>
    %broadcast_in_dim3A_905 = vector.shape_cast %reduce_sum3A_904 : vector<128xf32> to vector<128x1xf32>
    %eq3A_906 = arith.constant 0.000000e+00 : f32
    %eq3A_907 = vector.broadcast %eq3A_906 : f32 to vector<128x1xf32>
    %eq3A_908 = arith.cmpf oeq, %broadcast_in_dim3A_905, %eq3A_907 : vector<128x1xf32>
    %jit3A_909 = arith.constant 1.000000e+00 : f32
    %broadcast_in_dim3A_910 = vector.broadcast %jit3A_909 : f32 to vector<128x1xf32>
    %select_n3A_911 = arith.select %eq3A_908, %broadcast_in_dim3A_910, %broadcast_in_dim3A_905 : vector<128x1xi1>, vector<128x1xf32>
    %div3A_912 = arith.constant 1.000000e+00 : f32
    %div3A_913 = vector.broadcast %div3A_912 : f32 to vector<128x1xf32>
    %div3A_914 = arith.divf %div3A_913, %select_n3A_911 : vector<128x1xf32>
    %dot_general3A_915 = arith.constant dense<0.000000e+00> : vector<128x128xf32>
    %dot_general3A_916 = tpu.matmul %convert_element_type3A_902, %convert_element_type3A_893, %dot_general3A_915 {dimension_numbers = #tpu.dot_dimension_numbers<[1], [0], [0], [1], [0, 0, 1, 1], [], []>, transpose_lhs_hint = false} : vector<128x64xbf16>, vector<64x128xbf16>, vector<128x128xf32> -> vector<128x128xf32>
    %mul3A_917 = vector.broadcast %div3A_914 : vector<128x1xf32> to vector<128x128xf32>
    %mul3A_918 = arith.mulf %dot_general3A_916, %mul3A_917 : vector<128x128xf32>
    %swap3A_919 = arith.constant 23 : index
    %swap3A_920 = arith.constant 0 : index
    %swap3A_921 = arith.constant 0 : index
    %swap3A_922 = vector.load %arg3[%swap3A_919, %swap3A_920, %swap3A_921] : memref<32x128x128xf32, #tpu.memory_space<vmem>>, vector<1x128x128xf32>
    %swap3A_923 = vector.shape_cast %swap3A_922 : vector<1x128x128xf32> to vector<128x128xf32>
    %swap3A_924 = vector.shape_cast %mul3A_918 : vector<128x128xf32> to vector<1x128x128xf32>
    tpu.vector_store %arg3[%swap3A_919, %swap3A_920, %swap3A_921], %swap3A_924 {strides = array<i32>} : memref<32x128x128xf32, #tpu.memory_space<vmem>>, vector<1x128x128xf32>,
    %get3A_925 = arith.constant 24 : index
    %get3A_926 = arith.constant 0 : index
    %get3A_927 = vector.load %arg1[%get3A_925, %get3A_926] : memref<32x128xi32, #tpu.memory_space<vmem>>, vector<1x128xi32>
    %eq3A_928 = vector.broadcast %get3A_927 : vector<1x128xi32> to vector<64x128xi32>
    %eq3A_929 = arith.cmpi eq, %iota3A, %eq3A_928 : vector<64x128xi32>
    %convert_element_type3A_930 = arith.extui %eq3A_929 : vector<64x128xi1> to vector<64x128xi32>
    %convert_element_type3A_931 = arith.sitofp %convert_element_type3A_930 : vector<64x128xi32> to vector<64x128xf32>
    %convert_element_type3A_932 = arith.truncf %convert_element_type3A_931 : vector<64x128xf32> to vector<64x128xbf16>
    %get3A_933 = arith.constant 24 : index
    %get3A_934 = arith.constant 0 : index
    %get3A_935 = arith.constant 0 : index
    %get3A_936 = vector.load %arg2[%get3A_933, %get3A_934, %get3A_935] : memref<32x64x64xf32, #tpu.memory_space<vmem>>, vector<1x64x64xf32>
    %get3A_937 = vector.shape_cast %get3A_936 : vector<1x64x64xf32> to vector<64x64xf32>
    %convert_element_type3A_938 = arith.truncf %get3A_937 : vector<64x64xf32> to vector<64x64xbf16>
    %dot_general3A_939 = arith.constant dense<0.000000e+00> : vector<128x64xf32>
    %dot_general3A_940 = tpu.matmul %convert_element_type3A_932, %convert_element_type3A_938, %dot_general3A_939 {dimension_numbers = #tpu.dot_dimension_numbers<[0], [0], [1], [1], [0, 1, 1, 1], [], []>, transpose_lhs_hint = false} : vector<64x128xbf16>, vector<64x64xbf16>, vector<128x64xf32> -> vector<128x64xf32>
    %convert_element_type3A_941 = arith.truncf %dot_general3A_940 : vector<128x64xf32> to vector<128x64xbf16>
    %reduce_sum3A_942 = arith.constant dense<0.000000e+00> : vector<128xf32>
    %reduce_sum3A_943 = vector.multi_reduction <add>, %dot_general3A_940, %reduce_sum3A_942 [1] : vector<128x64xf32> to vector<128xf32>
    %broadcast_in_dim3A_944 = vector.shape_cast %reduce_sum3A_943 : vector<128xf32> to vector<128x1xf32>
    %eq3A_945 = arith.constant 0.000000e+00 : f32
    %eq3A_946 = vector.broadcast %eq3A_945 : f32 to vector<128x1xf32>
    %eq3A_947 = arith.cmpf oeq, %broadcast_in_dim3A_944, %eq3A_946 : vector<128x1xf32>
    %jit3A_948 = arith.constant 1.000000e+00 : f32
    %broadcast_in_dim3A_949 = vector.broadcast %jit3A_948 : f32 to vector<128x1xf32>
    %select_n3A_950 = arith.select %eq3A_947, %broadcast_in_dim3A_949, %broadcast_in_dim3A_944 : vector<128x1xi1>, vector<128x1xf32>
    %div3A_951 = arith.constant 1.000000e+00 : f32
    %div3A_952 = vector.broadcast %div3A_951 : f32 to vector<128x1xf32>
    %div3A_953 = arith.divf %div3A_952, %select_n3A_950 : vector<128x1xf32>
    %dot_general3A_954 = arith.constant dense<0.000000e+00> : vector<128x128xf32>
    %dot_general3A_955 = tpu.matmul %convert_element_type3A_941, %convert_element_type3A_932, %dot_general3A_954 {dimension_numbers = #tpu.dot_dimension_numbers<[1], [0], [0], [1], [0, 0, 1, 1], [], []>, transpose_lhs_hint = false} : vector<128x64xbf16>, vector<64x128xbf16>, vector<128x128xf32> -> vector<128x128xf32>
    %mul3A_956 = vector.broadcast %div3A_953 : vector<128x1xf32> to vector<128x128xf32>
    %mul3A_957 = arith.mulf %dot_general3A_955, %mul3A_956 : vector<128x128xf32>
    %swap3A_958 = arith.constant 24 : index
    %swap3A_959 = arith.constant 0 : index
    %swap3A_960 = arith.constant 0 : index
    %swap3A_961 = vector.load %arg3[%swap3A_958, %swap3A_959, %swap3A_960] : memref<32x128x128xf32, #tpu.memory_space<vmem>>, vector<1x128x128xf32>
    %swap3A_962 = vector.shape_cast %swap3A_961 : vector<1x128x128xf32> to vector<128x128xf32>
    %swap3A_963 = vector.shape_cast %mul3A_957 : vector<128x128xf32> to vector<1x128x128xf32>
    tpu.vector_store %arg3[%swap3A_958, %swap3A_959, %swap3A_960], %swap3A_963 {strides = array<i32>} : memref<32x128x128xf32, #tpu.memory_space<vmem>>, vector<1x128x128xf32>,
    %get3A_964 = arith.constant 25 : index
    %get3A_965 = arith.constant 0 : index
    %get3A_966 = vector.load %arg1[%get3A_964, %get3A_965] : memref<32x128xi32, #tpu.memory_space<vmem>>, vector<1x128xi32>
    %eq3A_967 = vector.broadcast %get3A_966 : vector<1x128xi32> to vector<64x128xi32>
    %eq3A_968 = arith.cmpi eq, %iota3A, %eq3A_967 : vector<64x128xi32>
    %convert_element_type3A_969 = arith.extui %eq3A_968 : vector<64x128xi1> to vector<64x128xi32>
    %convert_element_type3A_970 = arith.sitofp %convert_element_type3A_969 : vector<64x128xi32> to vector<64x128xf32>
    %convert_element_type3A_971 = arith.truncf %convert_element_type3A_970 : vector<64x128xf32> to vector<64x128xbf16>
    %get3A_972 = arith.constant 25 : index
    %get3A_973 = arith.constant 0 : index
    %get3A_974 = arith.constant 0 : index
    %get3A_975 = vector.load %arg2[%get3A_972, %get3A_973, %get3A_974] : memref<32x64x64xf32, #tpu.memory_space<vmem>>, vector<1x64x64xf32>
    %get3A_976 = vector.shape_cast %get3A_975 : vector<1x64x64xf32> to vector<64x64xf32>
    %convert_element_type3A_977 = arith.truncf %get3A_976 : vector<64x64xf32> to vector<64x64xbf16>
    %dot_general3A_978 = arith.constant dense<0.000000e+00> : vector<128x64xf32>
    %dot_general3A_979 = tpu.matmul %convert_element_type3A_971, %convert_element_type3A_977, %dot_general3A_978 {dimension_numbers = #tpu.dot_dimension_numbers<[0], [0], [1], [1], [0, 1, 1, 1], [], []>, transpose_lhs_hint = false} : vector<64x128xbf16>, vector<64x64xbf16>, vector<128x64xf32> -> vector<128x64xf32>
    %convert_element_type3A_980 = arith.truncf %dot_general3A_979 : vector<128x64xf32> to vector<128x64xbf16>
    %reduce_sum3A_981 = arith.constant dense<0.000000e+00> : vector<128xf32>
    %reduce_sum3A_982 = vector.multi_reduction <add>, %dot_general3A_979, %reduce_sum3A_981 [1] : vector<128x64xf32> to vector<128xf32>
    %broadcast_in_dim3A_983 = vector.shape_cast %reduce_sum3A_982 : vector<128xf32> to vector<128x1xf32>
    %eq3A_984 = arith.constant 0.000000e+00 : f32
    %eq3A_985 = vector.broadcast %eq3A_984 : f32 to vector<128x1xf32>
    %eq3A_986 = arith.cmpf oeq, %broadcast_in_dim3A_983, %eq3A_985 : vector<128x1xf32>
    %jit3A_987 = arith.constant 1.000000e+00 : f32
    %broadcast_in_dim3A_988 = vector.broadcast %jit3A_987 : f32 to vector<128x1xf32>
    %select_n3A_989 = arith.select %eq3A_986, %broadcast_in_dim3A_988, %broadcast_in_dim3A_983 : vector<128x1xi1>, vector<128x1xf32>
    %div3A_990 = arith.constant 1.000000e+00 : f32
    %div3A_991 = vector.broadcast %div3A_990 : f32 to vector<128x1xf32>
    %div3A_992 = arith.divf %div3A_991, %select_n3A_989 : vector<128x1xf32>
    %dot_general3A_993 = arith.constant dense<0.000000e+00> : vector<128x128xf32>
    %dot_general3A_994 = tpu.matmul %convert_element_type3A_980, %convert_element_type3A_971, %dot_general3A_993 {dimension_numbers = #tpu.dot_dimension_numbers<[1], [0], [0], [1], [0, 0, 1, 1], [], []>, transpose_lhs_hint = false} : vector<128x64xbf16>, vector<64x128xbf16>, vector<128x128xf32> -> vector<128x128xf32>
    %mul3A_995 = vector.broadcast %div3A_992 : vector<128x1xf32> to vector<128x128xf32>
    %mul3A_996 = arith.mulf %dot_general3A_994, %mul3A_995 : vector<128x128xf32>
    %swap3A_997 = arith.constant 25 : index
    %swap3A_998 = arith.constant 0 : index
    %swap3A_999 = arith.constant 0 : index
    %swap3A_1000 = vector.load %arg3[%swap3A_997, %swap3A_998, %swap3A_999] : memref<32x128x128xf32, #tpu.memory_space<vmem>>, vector<1x128x128xf32>
    %swap3A_1001 = vector.shape_cast %swap3A_1000 : vector<1x128x128xf32> to vector<128x128xf32>
    %swap3A_1002 = vector.shape_cast %mul3A_996 : vector<128x128xf32> to vector<1x128x128xf32>
    tpu.vector_store %arg3[%swap3A_997, %swap3A_998, %swap3A_999], %swap3A_1002 {strides = array<i32>} : memref<32x128x128xf32, #tpu.memory_space<vmem>>, vector<1x128x128xf32>,
    %get3A_1003 = arith.constant 26 : index
    %get3A_1004 = arith.constant 0 : index
    %get3A_1005 = vector.load %arg1[%get3A_1003, %get3A_1004] : memref<32x128xi32, #tpu.memory_space<vmem>>, vector<1x128xi32>
    %eq3A_1006 = vector.broadcast %get3A_1005 : vector<1x128xi32> to vector<64x128xi32>
    %eq3A_1007 = arith.cmpi eq, %iota3A, %eq3A_1006 : vector<64x128xi32>
    %convert_element_type3A_1008 = arith.extui %eq3A_1007 : vector<64x128xi1> to vector<64x128xi32>
    %convert_element_type3A_1009 = arith.sitofp %convert_element_type3A_1008 : vector<64x128xi32> to vector<64x128xf32>
    %convert_element_type3A_1010 = arith.truncf %convert_element_type3A_1009 : vector<64x128xf32> to vector<64x128xbf16>
    %get3A_1011 = arith.constant 26 : index
    %get3A_1012 = arith.constant 0 : index
    %get3A_1013 = arith.constant 0 : index
    %get3A_1014 = vector.load %arg2[%get3A_1011, %get3A_1012, %get3A_1013] : memref<32x64x64xf32, #tpu.memory_space<vmem>>, vector<1x64x64xf32>
    %get3A_1015 = vector.shape_cast %get3A_1014 : vector<1x64x64xf32> to vector<64x64xf32>
    %convert_element_type3A_1016 = arith.truncf %get3A_1015 : vector<64x64xf32> to vector<64x64xbf16>
    %dot_general3A_1017 = arith.constant dense<0.000000e+00> : vector<128x64xf32>
    %dot_general3A_1018 = tpu.matmul %convert_element_type3A_1010, %convert_element_type3A_1016, %dot_general3A_1017 {dimension_numbers = #tpu.dot_dimension_numbers<[0], [0], [1], [1], [0, 1, 1, 1], [], []>, transpose_lhs_hint = false} : vector<64x128xbf16>, vector<64x64xbf16>, vector<128x64xf32> -> vector<128x64xf32>
    %convert_element_type3A_1019 = arith.truncf %dot_general3A_1018 : vector<128x64xf32> to vector<128x64xbf16>
    %reduce_sum3A_1020 = arith.constant dense<0.000000e+00> : vector<128xf32>
    %reduce_sum3A_1021 = vector.multi_reduction <add>, %dot_general3A_1018, %reduce_sum3A_1020 [1] : vector<128x64xf32> to vector<128xf32>
    %broadcast_in_dim3A_1022 = vector.shape_cast %reduce_sum3A_1021 : vector<128xf32> to vector<128x1xf32>
    %eq3A_1023 = arith.constant 0.000000e+00 : f32
    %eq3A_1024 = vector.broadcast %eq3A_1023 : f32 to vector<128x1xf32>
    %eq3A_1025 = arith.cmpf oeq, %broadcast_in_dim3A_1022, %eq3A_1024 : vector<128x1xf32>
    %jit3A_1026 = arith.constant 1.000000e+00 : f32
    %broadcast_in_dim3A_1027 = vector.broadcast %jit3A_1026 : f32 to vector<128x1xf32>
    %select_n3A_1028 = arith.select %eq3A_1025, %broadcast_in_dim3A_1027, %broadcast_in_dim3A_1022 : vector<128x1xi1>, vector<128x1xf32>
    %div3A_1029 = arith.constant 1.000000e+00 : f32
    %div3A_1030 = vector.broadcast %div3A_1029 : f32 to vector<128x1xf32>
    %div3A_1031 = arith.divf %div3A_1030, %select_n3A_1028 : vector<128x1xf32>
    %dot_general3A_1032 = arith.constant dense<0.000000e+00> : vector<128x128xf32>
    %dot_general3A_1033 = tpu.matmul %convert_element_type3A_1019, %convert_element_type3A_1010, %dot_general3A_1032 {dimension_numbers = #tpu.dot_dimension_numbers<[1], [0], [0], [1], [0, 0, 1, 1], [], []>, transpose_lhs_hint = false} : vector<128x64xbf16>, vector<64x128xbf16>, vector<128x128xf32> -> vector<128x128xf32>
    %mul3A_1034 = vector.broadcast %div3A_1031 : vector<128x1xf32> to vector<128x128xf32>
    %mul3A_1035 = arith.mulf %dot_general3A_1033, %mul3A_1034 : vector<128x128xf32>
    %swap3A_1036 = arith.constant 26 : index
    %swap3A_1037 = arith.constant 0 : index
    %swap3A_1038 = arith.constant 0 : index
    %swap3A_1039 = vector.load %arg3[%swap3A_1036, %swap3A_1037, %swap3A_1038] : memref<32x128x128xf32, #tpu.memory_space<vmem>>, vector<1x128x128xf32>
    %swap3A_1040 = vector.shape_cast %swap3A_1039 : vector<1x128x128xf32> to vector<128x128xf32>
    %swap3A_1041 = vector.shape_cast %mul3A_1035 : vector<128x128xf32> to vector<1x128x128xf32>
    tpu.vector_store %arg3[%swap3A_1036, %swap3A_1037, %swap3A_1038], %swap3A_1041 {strides = array<i32>} : memref<32x128x128xf32, #tpu.memory_space<vmem>>, vector<1x128x128xf32>,
    %get3A_1042 = arith.constant 27 : index
    %get3A_1043 = arith.constant 0 : index
    %get3A_1044 = vector.load %arg1[%get3A_1042, %get3A_1043] : memref<32x128xi32, #tpu.memory_space<vmem>>, vector<1x128xi32>
    %eq3A_1045 = vector.broadcast %get3A_1044 : vector<1x128xi32> to vector<64x128xi32>
    %eq3A_1046 = arith.cmpi eq, %iota3A, %eq3A_1045 : vector<64x128xi32>
    %convert_element_type3A_1047 = arith.extui %eq3A_1046 : vector<64x128xi1> to vector<64x128xi32>
    %convert_element_type3A_1048 = arith.sitofp %convert_element_type3A_1047 : vector<64x128xi32> to vector<64x128xf32>
    %convert_element_type3A_1049 = arith.truncf %convert_element_type3A_1048 : vector<64x128xf32> to vector<64x128xbf16>
    %get3A_1050 = arith.constant 27 : index
    %get3A_1051 = arith.constant 0 : index
    %get3A_1052 = arith.constant 0 : index
    %get3A_1053 = vector.load %arg2[%get3A_1050, %get3A_1051, %get3A_1052] : memref<32x64x64xf32, #tpu.memory_space<vmem>>, vector<1x64x64xf32>
    %get3A_1054 = vector.shape_cast %get3A_1053 : vector<1x64x64xf32> to vector<64x64xf32>
    %convert_element_type3A_1055 = arith.truncf %get3A_1054 : vector<64x64xf32> to vector<64x64xbf16>
    %dot_general3A_1056 = arith.constant dense<0.000000e+00> : vector<128x64xf32>
    %dot_general3A_1057 = tpu.matmul %convert_element_type3A_1049, %convert_element_type3A_1055, %dot_general3A_1056 {dimension_numbers = #tpu.dot_dimension_numbers<[0], [0], [1], [1], [0, 1, 1, 1], [], []>, transpose_lhs_hint = false} : vector<64x128xbf16>, vector<64x64xbf16>, vector<128x64xf32> -> vector<128x64xf32>
    %convert_element_type3A_1058 = arith.truncf %dot_general3A_1057 : vector<128x64xf32> to vector<128x64xbf16>
    %reduce_sum3A_1059 = arith.constant dense<0.000000e+00> : vector<128xf32>
    %reduce_sum3A_1060 = vector.multi_reduction <add>, %dot_general3A_1057, %reduce_sum3A_1059 [1] : vector<128x64xf32> to vector<128xf32>
    %broadcast_in_dim3A_1061 = vector.shape_cast %reduce_sum3A_1060 : vector<128xf32> to vector<128x1xf32>
    %eq3A_1062 = arith.constant 0.000000e+00 : f32
    %eq3A_1063 = vector.broadcast %eq3A_1062 : f32 to vector<128x1xf32>
    %eq3A_1064 = arith.cmpf oeq, %broadcast_in_dim3A_1061, %eq3A_1063 : vector<128x1xf32>
    %jit3A_1065 = arith.constant 1.000000e+00 : f32
    %broadcast_in_dim3A_1066 = vector.broadcast %jit3A_1065 : f32 to vector<128x1xf32>
    %select_n3A_1067 = arith.select %eq3A_1064, %broadcast_in_dim3A_1066, %broadcast_in_dim3A_1061 : vector<128x1xi1>, vector<128x1xf32>
    %div3A_1068 = arith.constant 1.000000e+00 : f32
    %div3A_1069 = vector.broadcast %div3A_1068 : f32 to vector<128x1xf32>
    %div3A_1070 = arith.divf %div3A_1069, %select_n3A_1067 : vector<128x1xf32>
    %dot_general3A_1071 = arith.constant dense<0.000000e+00> : vector<128x128xf32>
    %dot_general3A_1072 = tpu.matmul %convert_element_type3A_1058, %convert_element_type3A_1049, %dot_general3A_1071 {dimension_numbers = #tpu.dot_dimension_numbers<[1], [0], [0], [1], [0, 0, 1, 1], [], []>, transpose_lhs_hint = false} : vector<128x64xbf16>, vector<64x128xbf16>, vector<128x128xf32> -> vector<128x128xf32>
    %mul3A_1073 = vector.broadcast %div3A_1070 : vector<128x1xf32> to vector<128x128xf32>
    %mul3A_1074 = arith.mulf %dot_general3A_1072, %mul3A_1073 : vector<128x128xf32>
    %swap3A_1075 = arith.constant 27 : index
    %swap3A_1076 = arith.constant 0 : index
    %swap3A_1077 = arith.constant 0 : index
    %swap3A_1078 = vector.load %arg3[%swap3A_1075, %swap3A_1076, %swap3A_1077] : memref<32x128x128xf32, #tpu.memory_space<vmem>>, vector<1x128x128xf32>
    %swap3A_1079 = vector.shape_cast %swap3A_1078 : vector<1x128x128xf32> to vector<128x128xf32>
    %swap3A_1080 = vector.shape_cast %mul3A_1074 : vector<128x128xf32> to vector<1x128x128xf32>
    tpu.vector_store %arg3[%swap3A_1075, %swap3A_1076, %swap3A_1077], %swap3A_1080 {strides = array<i32>} : memref<32x128x128xf32, #tpu.memory_space<vmem>>, vector<1x128x128xf32>,
    %get3A_1081 = arith.constant 28 : index
    %get3A_1082 = arith.constant 0 : index
    %get3A_1083 = vector.load %arg1[%get3A_1081, %get3A_1082] : memref<32x128xi32, #tpu.memory_space<vmem>>, vector<1x128xi32>
    %eq3A_1084 = vector.broadcast %get3A_1083 : vector<1x128xi32> to vector<64x128xi32>
    %eq3A_1085 = arith.cmpi eq, %iota3A, %eq3A_1084 : vector<64x128xi32>
    %convert_element_type3A_1086 = arith.extui %eq3A_1085 : vector<64x128xi1> to vector<64x128xi32>
    %convert_element_type3A_1087 = arith.sitofp %convert_element_type3A_1086 : vector<64x128xi32> to vector<64x128xf32>
    %convert_element_type3A_1088 = arith.truncf %convert_element_type3A_1087 : vector<64x128xf32> to vector<64x128xbf16>
    %get3A_1089 = arith.constant 28 : index
    %get3A_1090 = arith.constant 0 : index
    %get3A_1091 = arith.constant 0 : index
    %get3A_1092 = vector.load %arg2[%get3A_1089, %get3A_1090, %get3A_1091] : memref<32x64x64xf32, #tpu.memory_space<vmem>>, vector<1x64x64xf32>
    %get3A_1093 = vector.shape_cast %get3A_1092 : vector<1x64x64xf32> to vector<64x64xf32>
    %convert_element_type3A_1094 = arith.truncf %get3A_1093 : vector<64x64xf32> to vector<64x64xbf16>
    %dot_general3A_1095 = arith.constant dense<0.000000e+00> : vector<128x64xf32>
    %dot_general3A_1096 = tpu.matmul %convert_element_type3A_1088, %convert_element_type3A_1094, %dot_general3A_1095 {dimension_numbers = #tpu.dot_dimension_numbers<[0], [0], [1], [1], [0, 1, 1, 1], [], []>, transpose_lhs_hint = false} : vector<64x128xbf16>, vector<64x64xbf16>, vector<128x64xf32> -> vector<128x64xf32>
    %convert_element_type3A_1097 = arith.truncf %dot_general3A_1096 : vector<128x64xf32> to vector<128x64xbf16>
    %reduce_sum3A_1098 = arith.constant dense<0.000000e+00> : vector<128xf32>
    %reduce_sum3A_1099 = vector.multi_reduction <add>, %dot_general3A_1096, %reduce_sum3A_1098 [1] : vector<128x64xf32> to vector<128xf32>
    %broadcast_in_dim3A_1100 = vector.shape_cast %reduce_sum3A_1099 : vector<128xf32> to vector<128x1xf32>
    %eq3A_1101 = arith.constant 0.000000e+00 : f32
    %eq3A_1102 = vector.broadcast %eq3A_1101 : f32 to vector<128x1xf32>
    %eq3A_1103 = arith.cmpf oeq, %broadcast_in_dim3A_1100, %eq3A_1102 : vector<128x1xf32>
    %jit3A_1104 = arith.constant 1.000000e+00 : f32
    %broadcast_in_dim3A_1105 = vector.broadcast %jit3A_1104 : f32 to vector<128x1xf32>
    %select_n3A_1106 = arith.select %eq3A_1103, %broadcast_in_dim3A_1105, %broadcast_in_dim3A_1100 : vector<128x1xi1>, vector<128x1xf32>
    %div3A_1107 = arith.constant 1.000000e+00 : f32
    %div3A_1108 = vector.broadcast %div3A_1107 : f32 to vector<128x1xf32>
    %div3A_1109 = arith.divf %div3A_1108, %select_n3A_1106 : vector<128x1xf32>
    %dot_general3A_1110 = arith.constant dense<0.000000e+00> : vector<128x128xf32>
    %dot_general3A_1111 = tpu.matmul %convert_element_type3A_1097, %convert_element_type3A_1088, %dot_general3A_1110 {dimension_numbers = #tpu.dot_dimension_numbers<[1], [0], [0], [1], [0, 0, 1, 1], [], []>, transpose_lhs_hint = false} : vector<128x64xbf16>, vector<64x128xbf16>, vector<128x128xf32> -> vector<128x128xf32>
    %mul3A_1112 = vector.broadcast %div3A_1109 : vector<128x1xf32> to vector<128x128xf32>
    %mul3A_1113 = arith.mulf %dot_general3A_1111, %mul3A_1112 : vector<128x128xf32>
    %swap3A_1114 = arith.constant 28 : index
    %swap3A_1115 = arith.constant 0 : index
    %swap3A_1116 = arith.constant 0 : index
    %swap3A_1117 = vector.load %arg3[%swap3A_1114, %swap3A_1115, %swap3A_1116] : memref<32x128x128xf32, #tpu.memory_space<vmem>>, vector<1x128x128xf32>
    %swap3A_1118 = vector.shape_cast %swap3A_1117 : vector<1x128x128xf32> to vector<128x128xf32>
    %swap3A_1119 = vector.shape_cast %mul3A_1113 : vector<128x128xf32> to vector<1x128x128xf32>
    tpu.vector_store %arg3[%swap3A_1114, %swap3A_1115, %swap3A_1116], %swap3A_1119 {strides = array<i32>} : memref<32x128x128xf32, #tpu.memory_space<vmem>>, vector<1x128x128xf32>,
    %get3A_1120 = arith.constant 29 : index
    %get3A_1121 = arith.constant 0 : index
    %get3A_1122 = vector.load %arg1[%get3A_1120, %get3A_1121] : memref<32x128xi32, #tpu.memory_space<vmem>>, vector<1x128xi32>
    %eq3A_1123 = vector.broadcast %get3A_1122 : vector<1x128xi32> to vector<64x128xi32>
    %eq3A_1124 = arith.cmpi eq, %iota3A, %eq3A_1123 : vector<64x128xi32>
    %convert_element_type3A_1125 = arith.extui %eq3A_1124 : vector<64x128xi1> to vector<64x128xi32>
    %convert_element_type3A_1126 = arith.sitofp %convert_element_type3A_1125 : vector<64x128xi32> to vector<64x128xf32>
    %convert_element_type3A_1127 = arith.truncf %convert_element_type3A_1126 : vector<64x128xf32> to vector<64x128xbf16>
    %get3A_1128 = arith.constant 29 : index
    %get3A_1129 = arith.constant 0 : index
    %get3A_1130 = arith.constant 0 : index
    %get3A_1131 = vector.load %arg2[%get3A_1128, %get3A_1129, %get3A_1130] : memref<32x64x64xf32, #tpu.memory_space<vmem>>, vector<1x64x64xf32>
    %get3A_1132 = vector.shape_cast %get3A_1131 : vector<1x64x64xf32> to vector<64x64xf32>
    %convert_element_type3A_1133 = arith.truncf %get3A_1132 : vector<64x64xf32> to vector<64x64xbf16>
    %dot_general3A_1134 = arith.constant dense<0.000000e+00> : vector<128x64xf32>
    %dot_general3A_1135 = tpu.matmul %convert_element_type3A_1127, %convert_element_type3A_1133, %dot_general3A_1134 {dimension_numbers = #tpu.dot_dimension_numbers<[0], [0], [1], [1], [0, 1, 1, 1], [], []>, transpose_lhs_hint = false} : vector<64x128xbf16>, vector<64x64xbf16>, vector<128x64xf32> -> vector<128x64xf32>
    %convert_element_type3A_1136 = arith.truncf %dot_general3A_1135 : vector<128x64xf32> to vector<128x64xbf16>
    %reduce_sum3A_1137 = arith.constant dense<0.000000e+00> : vector<128xf32>
    %reduce_sum3A_1138 = vector.multi_reduction <add>, %dot_general3A_1135, %reduce_sum3A_1137 [1] : vector<128x64xf32> to vector<128xf32>
    %broadcast_in_dim3A_1139 = vector.shape_cast %reduce_sum3A_1138 : vector<128xf32> to vector<128x1xf32>
    %eq3A_1140 = arith.constant 0.000000e+00 : f32
    %eq3A_1141 = vector.broadcast %eq3A_1140 : f32 to vector<128x1xf32>
    %eq3A_1142 = arith.cmpf oeq, %broadcast_in_dim3A_1139, %eq3A_1141 : vector<128x1xf32>
    %jit3A_1143 = arith.constant 1.000000e+00 : f32
    %broadcast_in_dim3A_1144 = vector.broadcast %jit3A_1143 : f32 to vector<128x1xf32>
    %select_n3A_1145 = arith.select %eq3A_1142, %broadcast_in_dim3A_1144, %broadcast_in_dim3A_1139 : vector<128x1xi1>, vector<128x1xf32>
    %div3A_1146 = arith.constant 1.000000e+00 : f32
    %div3A_1147 = vector.broadcast %div3A_1146 : f32 to vector<128x1xf32>
    %div3A_1148 = arith.divf %div3A_1147, %select_n3A_1145 : vector<128x1xf32>
    %dot_general3A_1149 = arith.constant dense<0.000000e+00> : vector<128x128xf32>
    %dot_general3A_1150 = tpu.matmul %convert_element_type3A_1136, %convert_element_type3A_1127, %dot_general3A_1149 {dimension_numbers = #tpu.dot_dimension_numbers<[1], [0], [0], [1], [0, 0, 1, 1], [], []>, transpose_lhs_hint = false} : vector<128x64xbf16>, vector<64x128xbf16>, vector<128x128xf32> -> vector<128x128xf32>
    %mul3A_1151 = vector.broadcast %div3A_1148 : vector<128x1xf32> to vector<128x128xf32>
    %mul3A_1152 = arith.mulf %dot_general3A_1150, %mul3A_1151 : vector<128x128xf32>
    %swap3A_1153 = arith.constant 29 : index
    %swap3A_1154 = arith.constant 0 : index
    %swap3A_1155 = arith.constant 0 : index
    %swap3A_1156 = vector.load %arg3[%swap3A_1153, %swap3A_1154, %swap3A_1155] : memref<32x128x128xf32, #tpu.memory_space<vmem>>, vector<1x128x128xf32>
    %swap3A_1157 = vector.shape_cast %swap3A_1156 : vector<1x128x128xf32> to vector<128x128xf32>
    %swap3A_1158 = vector.shape_cast %mul3A_1152 : vector<128x128xf32> to vector<1x128x128xf32>
    tpu.vector_store %arg3[%swap3A_1153, %swap3A_1154, %swap3A_1155], %swap3A_1158 {strides = array<i32>} : memref<32x128x128xf32, #tpu.memory_space<vmem>>, vector<1x128x128xf32>,
    %get3A_1159 = arith.constant 30 : index
    %get3A_1160 = arith.constant 0 : index
    %get3A_1161 = vector.load %arg1[%get3A_1159, %get3A_1160] : memref<32x128xi32, #tpu.memory_space<vmem>>, vector<1x128xi32>
    %eq3A_1162 = vector.broadcast %get3A_1161 : vector<1x128xi32> to vector<64x128xi32>
    %eq3A_1163 = arith.cmpi eq, %iota3A, %eq3A_1162 : vector<64x128xi32>
    %convert_element_type3A_1164 = arith.extui %eq3A_1163 : vector<64x128xi1> to vector<64x128xi32>
    %convert_element_type3A_1165 = arith.sitofp %convert_element_type3A_1164 : vector<64x128xi32> to vector<64x128xf32>
    %convert_element_type3A_1166 = arith.truncf %convert_element_type3A_1165 : vector<64x128xf32> to vector<64x128xbf16>
    %get3A_1167 = arith.constant 30 : index
    %get3A_1168 = arith.constant 0 : index
    %get3A_1169 = arith.constant 0 : index
    %get3A_1170 = vector.load %arg2[%get3A_1167, %get3A_1168, %get3A_1169] : memref<32x64x64xf32, #tpu.memory_space<vmem>>, vector<1x64x64xf32>
    %get3A_1171 = vector.shape_cast %get3A_1170 : vector<1x64x64xf32> to vector<64x64xf32>
    %convert_element_type3A_1172 = arith.truncf %get3A_1171 : vector<64x64xf32> to vector<64x64xbf16>
    %dot_general3A_1173 = arith.constant dense<0.000000e+00> : vector<128x64xf32>
    %dot_general3A_1174 = tpu.matmul %convert_element_type3A_1166, %convert_element_type3A_1172, %dot_general3A_1173 {dimension_numbers = #tpu.dot_dimension_numbers<[0], [0], [1], [1], [0, 1, 1, 1], [], []>, transpose_lhs_hint = false} : vector<64x128xbf16>, vector<64x64xbf16>, vector<128x64xf32> -> vector<128x64xf32>
    %convert_element_type3A_1175 = arith.truncf %dot_general3A_1174 : vector<128x64xf32> to vector<128x64xbf16>
    %reduce_sum3A_1176 = arith.constant dense<0.000000e+00> : vector<128xf32>
    %reduce_sum3A_1177 = vector.multi_reduction <add>, %dot_general3A_1174, %reduce_sum3A_1176 [1] : vector<128x64xf32> to vector<128xf32>
    %broadcast_in_dim3A_1178 = vector.shape_cast %reduce_sum3A_1177 : vector<128xf32> to vector<128x1xf32>
    %eq3A_1179 = arith.constant 0.000000e+00 : f32
    %eq3A_1180 = vector.broadcast %eq3A_1179 : f32 to vector<128x1xf32>
    %eq3A_1181 = arith.cmpf oeq, %broadcast_in_dim3A_1178, %eq3A_1180 : vector<128x1xf32>
    %jit3A_1182 = arith.constant 1.000000e+00 : f32
    %broadcast_in_dim3A_1183 = vector.broadcast %jit3A_1182 : f32 to vector<128x1xf32>
    %select_n3A_1184 = arith.select %eq3A_1181, %broadcast_in_dim3A_1183, %broadcast_in_dim3A_1178 : vector<128x1xi1>, vector<128x1xf32>
    %div3A_1185 = arith.constant 1.000000e+00 : f32
    %div3A_1186 = vector.broadcast %div3A_1185 : f32 to vector<128x1xf32>
    %div3A_1187 = arith.divf %div3A_1186, %select_n3A_1184 : vector<128x1xf32>
    %dot_general3A_1188 = arith.constant dense<0.000000e+00> : vector<128x128xf32>
    %dot_general3A_1189 = tpu.matmul %convert_element_type3A_1175, %convert_element_type3A_1166, %dot_general3A_1188 {dimension_numbers = #tpu.dot_dimension_numbers<[1], [0], [0], [1], [0, 0, 1, 1], [], []>, transpose_lhs_hint = false} : vector<128x64xbf16>, vector<64x128xbf16>, vector<128x128xf32> -> vector<128x128xf32>
    %mul3A_1190 = vector.broadcast %div3A_1187 : vector<128x1xf32> to vector<128x128xf32>
    %mul3A_1191 = arith.mulf %dot_general3A_1189, %mul3A_1190 : vector<128x128xf32>
    %swap3A_1192 = arith.constant 30 : index
    %swap3A_1193 = arith.constant 0 : index
    %swap3A_1194 = arith.constant 0 : index
    %swap3A_1195 = vector.load %arg3[%swap3A_1192, %swap3A_1193, %swap3A_1194] : memref<32x128x128xf32, #tpu.memory_space<vmem>>, vector<1x128x128xf32>
    %swap3A_1196 = vector.shape_cast %swap3A_1195 : vector<1x128x128xf32> to vector<128x128xf32>
    %swap3A_1197 = vector.shape_cast %mul3A_1191 : vector<128x128xf32> to vector<1x128x128xf32>
    tpu.vector_store %arg3[%swap3A_1192, %swap3A_1193, %swap3A_1194], %swap3A_1197 {strides = array<i32>} : memref<32x128x128xf32, #tpu.memory_space<vmem>>, vector<1x128x128xf32>,
    %get3A_1198 = arith.constant 31 : index
    %get3A_1199 = arith.constant 0 : index
    %get3A_1200 = vector.load %arg1[%get3A_1198, %get3A_1199] : memref<32x128xi32, #tpu.memory_space<vmem>>, vector<1x128xi32>
    %eq3A_1201 = vector.broadcast %get3A_1200 : vector<1x128xi32> to vector<64x128xi32>
    %eq3A_1202 = arith.cmpi eq, %iota3A, %eq3A_1201 : vector<64x128xi32>
    %convert_element_type3A_1203 = arith.extui %eq3A_1202 : vector<64x128xi1> to vector<64x128xi32>
    %convert_element_type3A_1204 = arith.sitofp %convert_element_type3A_1203 : vector<64x128xi32> to vector<64x128xf32>
    %convert_element_type3A_1205 = arith.truncf %convert_element_type3A_1204 : vector<64x128xf32> to vector<64x128xbf16>
    %get3A_1206 = arith.constant 31 : index
    %get3A_1207 = arith.constant 0 : index
    %get3A_1208 = arith.constant 0 : index
    %get3A_1209 = vector.load %arg2[%get3A_1206, %get3A_1207, %get3A_1208] : memref<32x64x64xf32, #tpu.memory_space<vmem>>, vector<1x64x64xf32>
    %get3A_1210 = vector.shape_cast %get3A_1209 : vector<1x64x64xf32> to vector<64x64xf32>
    %convert_element_type3A_1211 = arith.truncf %get3A_1210 : vector<64x64xf32> to vector<64x64xbf16>
    %dot_general3A_1212 = arith.constant dense<0.000000e+00> : vector<128x64xf32>
    %dot_general3A_1213 = tpu.matmul %convert_element_type3A_1205, %convert_element_type3A_1211, %dot_general3A_1212 {dimension_numbers = #tpu.dot_dimension_numbers<[0], [0], [1], [1], [0, 1, 1, 1], [], []>, transpose_lhs_hint = false} : vector<64x128xbf16>, vector<64x64xbf16>, vector<128x64xf32> -> vector<128x64xf32>
    %convert_element_type3A_1214 = arith.truncf %dot_general3A_1213 : vector<128x64xf32> to vector<128x64xbf16>
    %reduce_sum3A_1215 = arith.constant dense<0.000000e+00> : vector<128xf32>
    %reduce_sum3A_1216 = vector.multi_reduction <add>, %dot_general3A_1213, %reduce_sum3A_1215 [1] : vector<128x64xf32> to vector<128xf32>
    %broadcast_in_dim3A_1217 = vector.shape_cast %reduce_sum3A_1216 : vector<128xf32> to vector<128x1xf32>
    %eq3A_1218 = arith.constant 0.000000e+00 : f32
    %eq3A_1219 = vector.broadcast %eq3A_1218 : f32 to vector<128x1xf32>
    %eq3A_1220 = arith.cmpf oeq, %broadcast_in_dim3A_1217, %eq3A_1219 : vector<128x1xf32>
    %jit3A_1221 = arith.constant 1.000000e+00 : f32
    %broadcast_in_dim3A_1222 = vector.broadcast %jit3A_1221 : f32 to vector<128x1xf32>
    %select_n3A_1223 = arith.select %eq3A_1220, %broadcast_in_dim3A_1222, %broadcast_in_dim3A_1217 : vector<128x1xi1>, vector<128x1xf32>
    %div3A_1224 = arith.constant 1.000000e+00 : f32
    %div3A_1225 = vector.broadcast %div3A_1224 : f32 to vector<128x1xf32>
    %div3A_1226 = arith.divf %div3A_1225, %select_n3A_1223 : vector<128x1xf32>
    %dot_general3A_1227 = arith.constant dense<0.000000e+00> : vector<128x128xf32>
    %dot_general3A_1228 = tpu.matmul %convert_element_type3A_1214, %convert_element_type3A_1205, %dot_general3A_1227 {dimension_numbers = #tpu.dot_dimension_numbers<[1], [0], [0], [1], [0, 0, 1, 1], [], []>, transpose_lhs_hint = false} : vector<128x64xbf16>, vector<64x128xbf16>, vector<128x128xf32> -> vector<128x128xf32>
    %mul3A_1229 = vector.broadcast %div3A_1226 : vector<128x1xf32> to vector<128x128xf32>
    %mul3A_1230 = arith.mulf %dot_general3A_1228, %mul3A_1229 : vector<128x128xf32>
    %swap3A_1231 = arith.constant 31 : index
    %swap3A_1232 = arith.constant 0 : index
    %swap3A_1233 = arith.constant 0 : index
    %swap3A_1234 = vector.load %arg3[%swap3A_1231, %swap3A_1232, %swap3A_1233] : memref<32x128x128xf32, #tpu.memory_space<vmem>>, vector<1x128x128xf32>
    %swap3A_1235 = vector.shape_cast %swap3A_1234 : vector<1x128x128xf32> to vector<128x128xf32>
    %swap3A_1236 = vector.shape_cast %mul3A_1230 : vector<128x128xf32> to vector<1x128x128xf32>
    tpu.vector_store %arg3[%swap3A_1231, %swap3A_1232, %swap3A_1233], %swap3A_1236 {strides = array<i32>} : memref<32x128x128xf32, #tpu.memory_space<vmem>>, vector<1x128x128xf32>,
    return
  }
  func.func @transform_0(%arg0: i32) -> (i32, i32) {
    %c0_i32 = arith.constant 0 : i32
    %c0_i32_0 = arith.constant 0 : i32
    return %arg0, %c0_i32 : i32, i32
  }
  func.func @transform_1(%arg0: i32) -> (i32, i32, i32) {
    %c0_i32 = arith.constant 0 : i32
    %c0_i32_0 = arith.constant 0 : i32
    %c0_i32_1 = arith.constant 0 : i32
    return %arg0, %c0_i32, %c0_i32_0 : i32, i32, i32
  }
  func.func @transform_2(%arg0: i32) -> (i32, i32, i32) {
    %c0_i32 = arith.constant 0 : i32
    %c0_i32_0 = arith.constant 0 : i32
    %c0_i32_1 = arith.constant 0 : i32
    return %arg0, %c0_i32, %c0_i32_0 : i32, i32, i32
  }
}

</mosaic_0001>

<sc_bundles>
// kernel: kernel.4.cloned.1.call-start
scs
__scs_entry_jumppad:
0x0: {  	(pc) =	sbr.rel $0x88, $3  }
0x1: {  	(tag) =	ssettag $0x0;
	lr =	simm.s32 $0x1  }
0x2: {  	[smem:$0x3FA0] =	sst lr;
	_ =	strace $0xD0000000  }
0x3: {  	_ = 	snop  }
0x4: {  	_ = 	snop  }
0x5: {  	_ = 	snop  }
0x6: {  	_ = 	snop  }
0x7: {  	_ = 	snop  }
__scs_overlays_trampoline_lowered:
0x8: {  	[smem:$0x3FAF] =	sst s0  }
0x9: {  	[smem:$0x3FB0] =	sst s1  }
0xa: {  	[smem:$0x3FB1] =	sst s2  }
0xb: {  	[smem:$0x3FB2] =	sst s3  }
0xc: {  	[smem:$0x3FB3] =	sst s4  }
0xd: {  	[smem:$0x3FB4] =	sst s5  }
0xe: {  	[smem:$0x3FB5] =	sst s6  }
0xf: {  	[smem:$0x3FB6] =	sst s7  }
0x10: {  	[smem:$0x3FB7] =	sst s8  }
0x11: {  	[smem:$0x3FB8] =	sst s9;
	s0 =	simm.s32 @!p0 $0x0  }
0x12: {  	s1 =	sld [smem:$0x3F9E];
	s0 =	simm.s32 @p0 $0x1  }
0x13: {  	[smem:$0x3FB9] =	sst s0;
	s0 =	simm.s32 @!p1 $0x0  }
0x14: {  	s2 =	sld [smem:$0x3F9D];
	s0 =	simm.s32 @p1 $0x1  }
0x15: {  	[smem:$0x3FBA] =	sst s0;
	s0 =	simm.s32 @!p2 $0x0  }
0x16: {  	s3 =	sld [smem:$0x3FDB];
	s0 =	simm.s32 @p2 $0x1  }
0x17: {  	s4 =	simm.s32 $0x1BF5;
	[smem:$0x3FBC] =	sst s0  }
0x18: {  	s0 =	sld [smem:$0x3F9F];
	_ =	swait.ge [sflag:s4], $0x0  }
0x19: {  	s7 =	sld [smem:$0x3FA0]  }
0x1a: {  	s8 =	sadd.s32 $0xFFFFE003, lr  }
0x1b: {  	s9 =	sadd.s32 $0xFFFFFEF7, lr;
	s5 =	simm.s32 $0xFFFFFFFF;
	p2 =	slt.u32 s8, $0xFFFFF086  }
0x1c: {  	p1 =	slt.u32 s9, $0xF7A;
	s5 =	simm.s32 @!p2 $0x0  }
0x1d: {  	s5 =	simm.s32 @p1 $0x1;
	p0 =	seq.s32 s7, s2  }
0x1e: {  	s7 =	smul.u32 @!p0 $0xF7A, s2;
	p2 =	seq.s32 @!p0 s5, $0x0  }
0x1f: {  	s9 =	smul.u32 $0xF7A, s1;
	s8 =	simm.s32 @!p0 $0x1BF5;
	p2 =	por !p2, p0  }
0x20: {  	[sflag:s8] =	ssyncset.s32 @!p0 $0xFFFFF086;
	s6 =	sadd.s32 @!p0 s3, s7;
	s7 =	simm.s32 @!p0 $0x108  }
0x21: {  	s3 =	sadd.s32 s3, s9;
	s6 =	sadd.s32 @!p0 $0x88, s6;
	s7 =	simm.s32 @p2 $0x1082  }
0x22: {  	[simem:s7], [sflag:s8] =	dma.local @!p0 [hbm:s6], $0xF7A  }
0x23: {  	s9 =	sor.u32 $0xD0000000, s2;
	s6 =	simm.s32 $0x108;
	_ =	swait.ge @!p0 [sflag:s8], $0x0  }
0x24: {  	s3 =	sadd.s32 $0x88, s3;
	s6 =	simm.s32 @!p1 $0x1082;
	[sflag:s4] =	ssyncset.s32 $0xFFFFF086  }
0x25: {  	[simem:s6], [sflag:s4] =	dma.local [hbm:s3], $0xF7A  }
0x26: {  	[smem:$0x3FA0] =	sst s1;
	(tag) =	ssettag s2;
	_ =	strace s9  }
0x27: {  	s1 =	sld [smem:$0x3FB0]  }
0x28: {  	s2 =	sld [smem:$0x3FB1]  }
0x29: {  	s4 =	sld [smem:$0x3FB3]  }
0x2a: {  	p0 =	seq.s32 s5, $0x0;
	s5 =	sld [smem:$0x3FB4]  }
0x2b: {  	s6 =	sld [smem:$0x3FB5]  }
0x2c: {  	s7 =	sld [smem:$0x3FB6]  }
0x2d: {  	s3 =	simm.s32 $0x108;
	s8 =	sld [smem:$0x3FB7]  }
0x2e: {  	s3 =	simm.s32 @!p0 $0x1082;
	s9 =	sld [smem:$0x3FB8]  }
0x2f: {  	lr =	sadd.s32 s0, s3;
	s0 =	sld [smem:$0x3FAF]  }
0x30: {  	s3 =	sld [smem:$0x3FB2]  }
0x31: {  	[smem:$0x3FBB] =	sst s10  }
0x32: {  	s10 =	sld [smem:$0x3FB9];
	_ =	sdelay $0x3  }
0x33: {  	p0 =	seq.s32 s10, $0x1;
	s10 =	sld [smem:$0x3FBB];
	_ =	sdelay $0x3  }
0x34: {  	[smem:$0x3FBB] =	sst s10  }
0x35: {  	s10 =	sld [smem:$0x3FBA];
	_ =	sdelay $0x3  }
0x36: {  	p1 =	seq.s32 s10, $0x1;
	s10 =	sld [smem:$0x3FBB];
	_ =	sdelay $0x3  }
0x37: {  	[smem:$0x3FBB] =	sst s10  }
0x38: {  	s10 =	sld [smem:$0x3FBC]  }
0x39: {  	_ = 	snop;
	(pc) =	sbr.ind lr, $3  }
0x3a: {  	_ = 	snop  }
0x3b: {  	_ = 	snop  }
0x3c: {  	p2 =	seq.s32 s10, $0x1;
	s10 =	sld [smem:$0x3FBB]  }
0x3d: {  	_ =	shalt  }
0x3e: {  	_ =	shalt  }
0x3f: {  	_ =	shalt  }
0x40: {  	_ =	shalt  }
0x41: {  	_ =	shalt  }
0x42: {  	_ =	shalt  }
0x43: {  	_ =	shalt  }
0x44: {  	_ =	shalt  }
0x45: {  	_ =	shalt  }
0x46: {  	_ =	shalt  }
0x47: {  	_ =	shalt  }
0x48: {  	_ =	shalt  }
0x49: {  	_ =	shalt  }
0x4a: {  	_ =	shalt  }
0x4b: {  	_ =	shalt  }
0x4c: {  	_ =	shalt  }
0x4d: {  	_ =	shalt  }
0x4e: {  	_ =	shalt  }
0x4f: {  	_ =	shalt  }
0x50: {  	_ =	shalt  }
0x51: {  	_ =	shalt  }
0x52: {  	_ =	shalt  }
0x53: {  	_ =	shalt  }
0x54: {  	_ =	shalt  }
0x55: {  	_ =	shalt  }
0x56: {  	_ =	shalt  }
0x57: {  	_ =	shalt  }
0x58: {  	_ =	shalt  }
0x59: {  	_ =	shalt  }
0x5a: {  	_ =	shalt  }
0x5b: {  	_ =	shalt  }
0x5c: {  	_ =	shalt  }
0x5d: {  	_ =	shalt  }
0x5e: {  	_ =	shalt  }
0x5f: {  	_ =	shalt  }
0x60: {  	_ =	shalt  }
0x61: {  	_ =	shalt  }
0x62: {  	_ =	shalt  }
0x63: {  	_ =	shalt  }
0x64: {  	_ =	shalt  }
0x65: {  	_ =	shalt  }
0x66: {  	_ =	shalt  }
0x67: {  	_ =	shalt  }
0x68: {  	_ =	shalt  }
0x69: {  	_ =	shalt  }
0x6a: {  	_ =	shalt  }
0x6b: {  	_ =	shalt  }
0x6c: {  	_ =	shalt  }
0x6d: {  	_ =	shalt  }
0x6e: {  	_ =	shalt  }
0x6f: {  	_ =	shalt  }
0x70: {  	_ =	shalt  }
0x71: {  	_ =	shalt  }
0x72: {  	_ =	shalt  }
0x73: {  	_ =	shalt  }
0x74: {  	_ =	shalt  }
0x75: {  	_ =	shalt  }
0x76: {  	_ =	shalt  }
0x77: {  	_ =	shalt  }
0x78: {  	_ =	shalt  }
0x79: {  	_ =	shalt  }
0x7a: {  	_ =	shalt  }
0x7b: {  	_ =	shalt  }
0x7c: {  	_ =	shalt  }
0x7d: {  	_ =	shalt  }
0x7e: {  	_ =	shalt  }
0x7f: {  	_ =	shalt  }
0x80: {  	_ =	shalt  }
0x81: {  	_ =	shalt  }
0x82: {  	_ =	shalt  }
0x83: {  	_ =	shalt  }
0x84: {  	_ =	shalt  }
0x85: {  	_ =	shalt  }
0x86: {  	_ =	shalt  }
0x87: {  	_ =	shalt  }
.Lfunc_end0:
.L_simem_size_0:
called_computation_lowered:
.L_overlay_start_0:
0x88: {  	s2 =	sld [smem:$0x3FD9]  }
0x89: {  	s3 =	sld [smem:$0x3FFE];
	_ =	sdelay $0x1  }
0x8a: {  	s1 =	srdreg.scid  }
0x8b: {  	s0 =	sand.u32 $0x1, s1  }
0x8c: {  	s17 =	sshll.u32 s0, $0xA;
	s2 =	sadd.s32 s3, s2  }
0x8d: {  	s2 =	sadd.s32 s2, s17  }
0x8e: {  	[smem:$0x3FC7] =	sst s2  }
0x8f: {  	_ = 	snop  }
0x90: {  	s2 =	sld [smem:$0x3FC9]  }
0x91: {  	s18 =	sld [smem:$0x3FD0];
	(tm) =	ssettm $0x1  }
0x92: {  	s4 =	sld [smem:$0x3FFB];
	_ =	sdelay $0x3  }
0x93: {  	_ =	strace s4  }
0x94: {  	s4 =	sld [smem:$0x3FFC];
	_ =	sdelay $0x3  }
0x95: {  	_ =	strace s4  }
0x96: {  	s4 =	sld [smem:$0x3FFD];
	_ =	sdelay $0x3  }
0x97: {  	_ =	strace s4  }
0x98: {  	_ =	strace $0x8FFFFFFF  }
0x99: {  	s19 =	sld [smem:$0x3FDB];
	_ =	sdelay $0x1  }
0x9a: {  	s5 =	simm.s32 $_scs_section_size  }
0x9b: {  	s6 =	simm.s32 $_size__tile_overlayer_lowered;
	s7 =	simm.s32 $_tile_overlayer_lowered  }
0x9c: {  	s22 =	simm.s32 $0x1BFF;
	s21 =	sshll.u32 s7, $0x1;
	s4 =	sadd.s32 s5, s19  }
0x9d: {  	s8 =	simm.s32 $0x0;
	s20 =	sshll.u32 s6, $0x1;
	s6 =	sadd.s32 s21, s4  }
0x9e: {  	[timem:s8], [sflag:s22] =	dma.local [hbm:s6], s20  }
0x9f: {  	_ =	swait.ge [sflag:s22], s20  }
0xa0: {  	s5 =	ssub.s32 $0x0, s20;
	[sflag:s22] =	ssyncset.done $0x0  }
0xa1: {  	[sflag:s22] =	ssyncadd.s32 s5;
	_ =	sdelay $0x1  }
0xa2: {  	s23 =	simm.s32 $0x1B8B  }
0xa3: {  	_ =	swait.ge [sflag:s23], $0x1  }
0xa4: {  	[sflag:s23] =	ssyncset.done $0x0  }
0xa5: {  	s25 =	simm.s32 $0x1B8E;
	s24 =	sld [smem:$0x3FFE];
	[sflag:s23] =	ssyncadd.s32 $0xFFFFFFFF  }
0xa6: {  	s26 =	simm.s32 $execute0_lowered;
	[smem:$0x3FD2] =	sst s25  }
0xa7: {  	s6 =	sshll.u32 s26, $0x1;
	_ =	strace $0x80000046;
	[dreg:$0x1] =	wrdreg $0xFFFFFFFF  }
0xa8: {  	s28 =	simm.s32 $_size_execute0_lowered;
	s4 =	sadd.s32 s4, s6;
	[dreg:$0x0] =	wrdreg $0x0  }
0xa9: {  	s6 =	sshll.u32 s28, $0x1;
	[dreg:$0x2] =	wrdreg s4  }
0xaa: {  	[dreg:$0x3] =	wrdreg s6  }
0xab: {  	[dreg:$0x4] =	wrdreg $0xC0  }
0xac: {  	_ =	task [dreg:s8], $0x5FFFF  }
0xad: {  	[dreg:$0x1] =	wrdreg $0xFFFFFFFF  }
0xae: {  	[dreg:$0x0] =	wrdreg $0x60  }
0xaf: {  	[dreg:$0x2] =	wrdreg s2  }
0xb0: {  	[dreg:$0x3] =	wrdreg s24  }
0xb1: {  	[dreg:$0x4] =	wrdreg s18  }
0xb2: {  	[dreg:$0x5] =	wrdreg $0x9  }
0xb3: {  	_ =	task.clear_ibuf [dreg:s8], $0x6FFFF;
	_ =	strace $0x90000046  }
0xb4: {  	s29 =	simm.s32 $0x9;
	_ =	strace $0x80000048  }
0xb5: {  	_ =	swait.ge [sflag:s29], $0x1  }
0xb6: {  	[sflag:s29] =	ssyncadd.s32 $0xFFFFFFFF  }
0xb7: {  	_ =	strace $0x90000048  }
0xb8: {  	_ =	sfence  }
0xb9: {  	s30 =	sld [smem:$0x0];
	_ =	sdelay $0x2  }
0xba: {  	s31 =	sshll.u32 s1, $0xD;
	s1 =	sshrl.u32 s1, $0x2  }
0xbb: {  	s3 =	sand.u32 $0x4000, s31;
	s1 =	sadd.s32 s1, s30  }
0xbc: {  	s0 =	sor.u32 s3, s0;
	s1 =	sshll.u32 s1, $0x11  }
0xbd: {  	s0 =	sor.u32 s1, s0  }
0xbe: {  	s0 =	sadd.s32 $0x8F2B, s0  }
0xbf: {  	[sflag:s0] =	ssyncadd.remote.s32 $0x1  }
0xc0: {  	_ =	sfence.sel $0xFFFF  }
0xc1: {  	[dreg:$0x0] =	wrdreg $0xFFFFFFFF;
	(pc) =	sbr.abs _section_cstart, $3  }
0xc2: {  	[dreg:$0x1] =	wrdreg $0xFFFFFFFF  }
0xc3: {  	_ =	task.clear_ibuf [dreg:s8], $0x2FFFF;
	_ =	strace $0x9FFFFFFF  }
0xc4: {  	(tm) =	ssettm $0x7FFFFFFF  }
0xc5: {  	_ =	shalt  }
tec
execute0_lowered:
.L_overlay_start_1:
0x0: {  	(tag) =	ssettag $0x1  }
0x1: {  	v0 =	vimm.s32 $0xFEDCBA98  }
0x2: {  	v1 =	vimm.s32 $0x76543210;
	v0 =	vunpack.c.l.s4.s8 v0  }
0x3: {  	v1 =	vunpack.c.l.s4.s8 v1  }
0x4: {  	v0 =	vunpack.c.0.s8.s32 v0  }
0x5: {  	v1 =	vunpack.c.0.s8.s32 v1  }
0x6: {  	v2 =	vimm.s32 $0x13121110;
	v0 =	vand.u32 $0xF, v0  }
0x7: {  	v4 =	vimm.s32 $0x1F1E1D1C;
	v0 =	vcombine.low v0, v1;
	v1 =	vimm.s32 $0x17161514  }
0x8: {  	vm0 =	vcmask $0x1F10;
	v3 =	vunpack.c.0.s8.s32 v1;
	v1 =	vimm.s32 $0x1B1A1918  }
0x9: {  	v2 =	vunpack.c.0.s8.s32 v2;
	v5 =	vunpack.c.0.s8.s32 v1;
	v1 =	vimm.s32 $0xBA98FEDC  }
0xa: {  	v10 =	vimm.s32 $0xEFCDAB89;
	v4 =	vunpack.c.0.s8.s32 v4;
	v6 =	vunpack.c.l.s4.s8 v1  }
0xb: {  	v1 =	vimm.s32 $0x32107654;
	v7 =	vsel vm0, v3, v2;
	v2 =	vsel vm0, v2, v3  }
0xc: {  	v8 =	vsel vm0, v4, v5;
	v9 =	vunpack.c.l.s4.s8 v1;
	v4 =	vsel vm0, v5, v4  }
0xd: {  	v1 =	vcombine.low v8, v7;
	v6 =	vunpack.c.0.s8.s32 v6;
	v7 =	vimm.s32 $0xDCFE98BA  }
0xe: {  	v8 =	vunpack.c.0.s8.s32 v9;
	v7 =	vunpack.c.l.s4.s8 v7;
	v9 =	vimm.s32 $0x54761032  }
0xf: {  	v11 =	vimm.s32 $0x67452301;
	v2 =	vcombine.low v2, v4;
	v3 =	vunpack.c.l.s4.s8 v9  }
0x10: {  	s7 =	rddreg [dreg:$0x0];
	v9 =	vimm.s32 $0x15141716;
	v5 =	vcombine.low v8, v6;
	v4 =	vunpack.c.0.s8.s32 v7  }
0x11: {  	s5 =	rddreg [dreg:$0x1];
	v6 =	vimm.s32 $0x19181B1A;
	v7 =	vimm.s32 $0x1D1C1F1E;
	v8 =	vimm.s32 $0x11101312  }
0x12: {  	s8 =	rddreg [dreg:$0x2];
	v3 =	vunpack.c.0.s8.s32 v3;
	v6 =	vunpack.c.0.s8.s32 v6;
	v7 =	vunpack.c.0.s8.s32 v7  }
0x13: {  	s0 =	rddreg [dreg:$0x3];
	s1 =	simm.s32 $0x0;
	s6 =	srdreg.scid;
	v10 =	vunpack.c.l.s4.s8 v10;
	v9 =	vunpack.c.0.s8.s32 v9;
	v8 =	vunpack.c.0.s8.s32 v8  }
0x14: {  	s3 =	stileid.u32;
	s12 =	simm.s32 $0x6000;
	s13 =	simm.s32 $0x16080;
	v12 =	vcombine.low v3, v4;
	v3 =	vsel vm0, v7, v6;
	v4 =	vunpack.c.l.s4.s8 v11  }
0x15: {  	s14 =	simm.s32 $0x2000;
	s15 =	simm.s32 $0x0;
	[smem:$0x7FF] =	sst s1;
	v6 =	vsel vm0, v9, v8;
	v7 =	vunpack.c.0.s8.s32 v10;
	v8 =	vimm.s32 $0x1A1B1819  }
0x16: {  	s2 =	sadd.s32 $0x800, s5;
	s4 =	sadd.s32 $0xA00, s5;
	s6 =	sand.u32 $0x1, s6;
	v9 =	vimm.s32 $0x1E1F1C1D;
	v10 =	vimm.s32 $0x12131011;
	v4 =	vunpack.c.0.s8.s32 v4  }
0x17: {  	s10 =	sshll.u32 s3, $0x7;
	s9 =	ssub.s32 $0x2, s6;
	s6 =	sshll.u32 s6, $0x6;
	v11 =	vimm.s32 $0x16171415;
	v8 =	vunpack.c.0.s8.s32 v8;
	v9 =	vunpack.c.0.s8.s32 v9  }
0x18: {  	s5 =	sadd.s32 $0x2A00, s5;
	s11 =	sshrl.u32 s9, $0x1;
	s6 =	sor.u32 s6, s10;
	v10 =	vunpack.c.0.s8.s32 v10;
	v11 =	vunpack.c.0.s8.s32 v11;
	v7 =	vcombine.low v4, v7  }
0x19: {  	_ =	strace $0x80000047;
	s9 =	ssub.s32 s9, s11;
	s10 =	sshll.u32 s6, $0x4;
	v3 =	vcombine.low v6, v3;
	v8 =	vsel vm0, v9, v8;
	v9 =	vimm.f32 $0.0e+00  }
0x1a: {  	s31 =	sshll.u32 s6, $0x5;
	s11 =	simm.s32 $0x1;
	s7 =	sadd.s32 s7, s10;
	v4 =	vand.u32 $0xF, v5;
	v6 =	vand.u32 $0xF, v7;
	v7 =	vsel vm0, v11, v10  }
0x1b: {  	s8 =	sadd.s32 s8, s31;
	s9 =	smax.u32 s9, $0x1;
	s10 =	simm.s32 $0x16000;
	v5 =	vand.u32 $0xF, v12;
	v7 =	vcombine.low v7, v8;
	v8 =	vimm.s32 $0x0  }
.LBB2_1:
0x1c: {  	[tilespmem:s10], [sflag:$0x1] =	stream.linear.gather [hbm4b:s2+s1], $0x80, $0x38;
	[tilespmem:$0x16100] =	vst v63  }
0x1d: {  	_ =	swait.ge [sflag:s11], $0x80  }
0x1e: {  	[sflag:s11] =	ssyncset.done $0x0  }
0x1f: {  	[sflag:s11] =	ssyncadd.s32 $0xFFFFFF80  }
0x20: {  	[tilespmem:s1], [sflag:$0x1] =	stream.linear.gather [hbm4b:s7+s1], $0x2000, $0x38;
	[tilespmem:$0x16100] =	vst v63  }
0x21: {  	_ =	swait.ge [sflag:s11], $0x2000  }
0x22: {  	[sflag:s11] =	ssyncset.done $0x0  }
0x23: {  	[sflag:s11] =	ssyncadd.s32 $0xFFFFE000  }
0x24: {  	[tilespmem:s12], [sflag:$0x1] =	stream.linear.gather [hbm4b:s4+s1], $0x10000, $0x38;
	[tilespmem:$0x16100] =	vst v63  }
0x25: {  	_ =	swait.ge [sflag:s11], $0x10000  }
0x26: {  	s16 =	simm.s32 $0x40;
	[sflag:s11] =	ssyncset.done $0x0  }
0x27: {  	s17 =	simm.s32 $0x0;
	s18 =	simm.s32 $0x0;
	[sflag:s11] =	ssyncadd.s32 $0xFFFF0000  }
.LBB2_2:
0x28: {  	s19 =	sshll.u32 s18, $0x4;
	s20 =	simm.s32 $0x0  }
0x29: {  	s21 =	smov.u32 s16;
	s22 =	smov.u32 s17;
	s23 =	simm.s32 $0x0  }
.LBB2_3:
0x2a: {  	v13 =	vld [tilespmem:s21+$0xFFFFFFC0]  }
0x2b: {  	v15 =	vld [tilespmem:s21+$0xFFFFFFD0]  }
0x2c: {  	v16 =	vld [tilespmem:s21+$0xFFFFFFE0]  }
0x2d: {  	v17 =	vld [tilespmem:s21+$0xFFFFFFF0]  }
0x2e: {  	v18 =	vld [tilespmem:s21+$0x0]  }
0x2f: {  	v14 =	vld [tilespmem:s21+$0x10]  }
0x30: {  	v11 =	vld [tilespmem:s21+$0x20];
	v12 =	vmin.f32 v13, v15  }
0x31: {  	v10 =	vld [tilespmem:s21+$0x30];
	v19 =	vmax.f32 v13, v15;
	v12 =	vmin.f32 v12, v16  }
0x32: {  	v19 =	vmax.f32 v19, v16;
	v12 =	vmin.f32 v12, v17  }
0x33: {  	v19 =	vmax.f32 v19, v17;
	v12 =	vmin.f32 v12, v18  }
0x34: {  	v19 =	vmax.f32 v19, v18;
	v12 =	vmin.f32 v12, v14  }
0x35: {  	v19 =	vmax.f32 v19, v14;
	v12 =	vmin.f32 v12, v11  }
0x36: {  	v19 =	vmax.f32 v19, v11;
	v12 =	vmin.f32 v12, v10  }
0x37: {  	v19 =	vmax.f32 v19, v10;
	[tilespmem:$0x16080] =	vst v12  }
0x38: {  	[tilespmem:$0x16090] =	vst v19  }
0x39: {  	v20 =	vld.idx.msk [tilespmem:v0+s13+$0x0], $0xffff  }
0x3a: {  	v21 =	vld.idx.msk [tilespmem:v1+s13+$0x0], $0xffff;
	_ =	sdelay $0x3  }
0x3b: {  	v12 =	vmin.f32 v12, v20  }
0x3c: {  	v19 =	vmax.f32 v19, v21;
	[tilespmem:$0x16080] =	vst v12  }
0x3d: {  	[tilespmem:$0x16090] =	vst v19  }
0x3e: {  	v40 =	vld.idx.msk [tilespmem:v4+s13+$0x0], $0xffff  }
0x3f: {  	v41 =	vld.idx.msk [tilespmem:v2+s13+$0x0], $0xffff;
	_ =	sdelay $0x3  }
0x40: {  	v12 =	vmin.f32 v12, v40  }
0x41: {  	v19 =	vmax.f32 v19, v41;
	[tilespmem:$0x16080] =	vst v12  }
0x42: {  	[tilespmem:$0x16090] =	vst v19  }
0x43: {  	v42 =	vld.idx.msk [tilespmem:v5+s13+$0x0], $0xffff  }
0x44: {  	v43 =	vld.idx.msk [tilespmem:v3+s13+$0x0], $0xffff;
	_ =	sdelay $0x3  }
0x45: {  	v12 =	vmin.f32 v12, v42  }
0x46: {  	v19 =	vmax.f32 v19, v43;
	[tilespmem:$0x16080] =	vst v12  }
0x47: {  	[tilespmem:$0x16090] =	vst v19  }
0x48: {  	v44 =	vld.idx.msk [tilespmem:v6+s13+$0x0], $0xffff  }
0x49: {  	v45 =	vld.idx.msk [tilespmem:v7+s13+$0x0], $0xffff;
	_ =	sdelay $0x4  }
0x4a: {  	v12 =	vmin.f32 v12, v44;
	v19 =	vmax.f32 v19, v45  }
0x4b: {  	v19 =	vsub.f32 v19, v12;
	_ =	sdelay $0x1  }
0x4c: {  	v19 =	vadd.f32 $9.999999970e-07, v19;
	_ =	sdelay $0x1  }
0x4d: {  	(erf) = vrcp.f32 v19;
	_ =	sdelay $0x7  }
0x4e: {  	v46 =	vsub.f32 v13, v12  }
0x4f: {  	v47 =	vpop (erf)  }
0x50: {  	v19 =	vmul.f32 v47, v46;
	_ =	sdelay $0x1  }
0x51: {  	v19 =	vadd.f32 v19, v19;
	_ =	sdelay $0x1  }
0x52: {  	v19 =	vadd.f32 $-1.000000000e+00, v19;
	_ =	sdelay $0x1  }
0x53: {  	v48 =	vadd.f32 $1.000000000e+00, v19;
	_ =	sdelay $0x1  }
0x54: {  	v15 =	vsub.f32 v15, v12;
	v20 =	vmul.f32 $2.500000000e+01, v48;
	_ =	sdelay $0x1  }
0x55: {  	v15 =	vmul.f32 v47, v15;
	v20 =	vtrunc.f32 v20  }
0x56: {  	v20 =	vcvt.f32.s32 v20  }
0x57: {  	v15 =	vadd.f32 v15, v15  }
0x58: {  	vm0 =	vgt.s32 v20, $0x0  }
0x59: {  	v15 =	vadd.f32 $-1.000000000e+00, v15;
	v20 =	vnsel vm0, $0x0, v20  }
0x5a: {  	v20 =	vmin.u32 v20, $0x31  }
0x5b: {  	v22 =	vadd.f32 $1.000000000e+00, v15;
	v49 =	vadd.s32 $0x1, v20;
	_ =	sdelay $0x1  }
0x5c: {  	v22 =	vmul.f32 $2.500000000e+01, v22  }
0x5d: {  	v16 =	vsub.f32 v16, v12  }
0x5e: {  	v22 =	vtrunc.f32 v22;
	v23 =	vld.idx.msk [tilespmem:v20+s10+$0x0], $0xffff  }
0x5f: {  	v16 =	vmul.f32 v47, v16;
	v22 =	vcvt.f32.s32 v22;
	v21 =	vld.idx.msk [tilespmem:v49+s10+$0x0], $0xffff;
	_ =	sdelay $0x1  }
0x60: {  	v16 =	vadd.f32 v16, v16;
	vm11 =	vgt.s32 v22, $0x0  }
0x61: {  	v22 =	vnsel vm11, $0x0, v22  }
0x62: {  	v16 =	vadd.f32 $-1.000000000e+00, v16;
	v22 =	vmin.u32 v22, $0x31  }
0x63: {  	v50 =	vadd.s32 $0x1, v22;
	vm1 =	vge.f32 v23, v19;
	vm12 =	vlt.f32 v21, v19  }
0x64: {  	v24 =	vadd.f32 $1.000000000e+00, v16;
	v23 =	vsel vm1, $0xFFFFFFFF, v8;
	v21 =	vsel vm12, $0x1, v8  }
0x65: {  	s24 =	sand.u32 $0x3800, s22;
	s25 =	sand.u32 $0x380, s20;
	v21 =	vadd.s32 v21, v23  }
0x66: {  	s24 =	sor.u32 s25, s24;
	v51 =	vmul.f32 $2.500000000e+01, v24;
	v20 =	vadd.s32 v20, v21  }
0x67: {  	v17 =	vsub.f32 v17, v12;
	[tilespmem:s24+$0x2000] =	vst v20  }
0x68: {  	v21 =	vtrunc.f32 v51;
	v19 =	vld.idx.msk [tilespmem:v50+s10+$0x0], $0xffff  }
0x69: {  	v17 =	vmul.f32 v47, v17;
	v21 =	vcvt.f32.s32 v21;
	v52 =	vld.idx.msk [tilespmem:v22+s10+$0x0], $0xffff;
	_ =	sdelay $0x1  }
0x6a: {  	v17 =	vadd.f32 v17, v17;
	vm13 =	vgt.s32 v21, $0x0  }
0x6b: {  	v21 =	vnsel vm13, $0x0, v21  }
0x6c: {  	v17 =	vadd.f32 $-1.000000000e+00, v17;
	v53 =	vmin.u32 v21, $0x31  }
0x6d: {  	v54 =	vadd.s32 $0x1, v53;
	vm14 =	vlt.f32 v19, v15;
	vm15 =	vge.f32 v52, v15  }
0x6e: {  	v55 =	vsel vm14, $0x1, v8;
	v23 =	vsel vm15, $0xFFFFFFFF, v8  }
0x6f: {  	v18 =	vsub.f32 v18, v12;
	v56 =	vadd.f32 $1.000000000e+00, v17;
	v21 =	vadd.s32 v55, v23  }
0x70: {  	v21 =	vadd.s32 v22, v21  }
0x71: {  	v18 =	vmul.f32 v47, v18;
	v57 =	vmul.f32 $2.500000000e+01, v56;
	[tilespmem:s24+$0x2010] =	vst v21  }
0x72: {  	v15 =	vld.idx.msk [tilespmem:v54+s10+$0x0], $0xffff  }
0x73: {  	v18 =	vadd.f32 v18, v18;
	v21 =	vtrunc.f32 v57;
	v58 =	vld.idx.msk [tilespmem:v53+s10+$0x0], $0xffff  }
0x74: {  	v21 =	vcvt.f32.s32 v21  }
0x75: {  	v60 =	vadd.f32 $-1.000000000e+00, v18  }
0x76: {  	vm4 =	vgt.s32 v21, $0x0  }
0x77: {  	v24 =	vadd.f32 $1.000000000e+00, v60;
	v21 =	vnsel vm4, $0x0, v21  }
0x78: {  	v59 =	vmin.u32 v21, $0x31;
	vm5 =	vlt.f32 v15, v16;
	vm6 =	vge.f32 v58, v16  }
0x79: {  	v63 =	vadd.s32 $0x1, v59;
	v61 =	vsel vm5, $0x1, v8;
	v62 =	vsel vm6, $0xFFFFFFFF, v8  }
0x7a: {  	v14 =	vsub.f32 v14, v12;
	v18 =	vadd.s32 v62, v61  }
0x7b: {  	v25 =	vmul.f32 $2.500000000e+01, v24;
	v18 =	vadd.s32 v53, v18  }
0x7c: {  	v14 =	vmul.f32 v47, v14;
	[tilespmem:s24+$0x2020] =	vst v18  }
0x7d: {  	v18 =	vtrunc.f32 v25;
	v26 =	vld.idx.msk [tilespmem:v59+s10+$0x0], $0xffff  }
0x7e: {  	v14 =	vadd.f32 v14, v14;
	v27 =	vld.idx.msk [tilespmem:v63+s10+$0x0], $0xffff;
	v18 =	vcvt.f32.s32 v18;
	_ =	sdelay $0x1  }
0x7f: {  	v14 =	vadd.f32 $-1.000000000e+00, v14;
	vm7 =	vgt.s32 v18, $0x0  }
0x80: {  	v18 =	vnsel vm7, $0x0, v18  }
0x81: {  	v31 =	vadd.f32 $1.000000000e+00, v14;
	v28 =	vmin.u32 v18, $0x31;
	vm9 =	vge.f32 v26, v17  }
0x82: {  	vm8 =	vlt.f32 v27, v17;
	v30 =	vadd.s32 $0x1, v28;
	v29 =	vsel vm9, $0xFFFFFFFF, v8  }
0x83: {  	v11 =	vsub.f32 v11, v12;
	v32 =	vsel vm8, $0x1, v8;
	v15 =	vadd.s32 v29, v59  }
0x84: {  	v33 =	vmul.f32 $2.500000000e+01, v31;
	v15 =	vadd.s32 v32, v15  }
0x85: {  	v11 =	vmul.f32 v47, v11;
	[tilespmem:s24+$0x2030] =	vst v15  }
0x86: {  	v18 =	vtrunc.f32 v33;
	v15 =	vld.idx.msk [tilespmem:v28+s10+$0x0], $0xffff  }
0x87: {  	v11 =	vadd.f32 v11, v11;
	v18 =	vcvt.f32.s32 v18;
	v19 =	vld.idx.msk [tilespmem:v30+s10+$0x0], $0xffff;
	_ =	sdelay $0x1  }
0x88: {  	v11 =	vadd.f32 $-1.000000000e+00, v11;
	vm10 =	vgt.s32 v18, $0x0  }
0x89: {  	v18 =	vnsel vm10, $0x0, v18  }
0x8a: {  	v36 =	vadd.f32 $1.000000000e+00, v11;
	v34 =	vmin.u32 v18, $0x31;
	vm11 =	vge.f32 v15, v60  }
0x8b: {  	v18 =	vadd.s32 $0x1, v34;
	vm12 =	vlt.f32 v19, v60;
	v35 =	vsel vm11, $0xFFFFFFFF, v8  }
0x8c: {  	v10 =	vsub.f32 v10, v12;
	v19 =	vsel vm12, $0x1, v8;
	v16 =	vadd.s32 v35, v28  }
0x8d: {  	v37 =	vmul.f32 $2.500000000e+01, v36;
	v16 =	vadd.s32 v19, v16  }
0x8e: {  	v10 =	vmul.f32 v47, v10;
	[tilespmem:s24+$0x2040] =	vst v16  }
0x8f: {  	v16 =	vtrunc.f32 v37;
	v38 =	vld.idx.msk [tilespmem:v34+s10+$0x0], $0xffff  }
0x90: {  	v10 =	vadd.f32 v10, v10;
	v39 =	vld.idx.msk [tilespmem:v18+s10+$0x0], $0xffff;
	v40 =	vcvt.f32.s32 v16;
	_ =	sdelay $0x1  }
0x91: {  	v10 =	vadd.f32 $-1.000000000e+00, v10;
	vm13 =	vgt.s32 v40, $0x0  }
0x92: {  	v41 =	vld [tilespmem:s24+$0x2001];
	v13 =	vnsel vm13, $0x0, v40  }
0x93: {  	v45 =	vadd.f32 $1.000000000e+00, v10;
	v42 =	vmin.u32 v13, $0x31;
	vm15 =	vge.f32 v38, v14  }
0x94: {  	vm14 =	vlt.f32 v39, v14;
	v44 =	vadd.s32 $0x1, v42;
	v43 =	vsel vm15, $0xFFFFFFFF, v8  }
0x95: {  	v46 =	vsel vm14, $0x1, v8;
	v13 =	vadd.s32 v43, v34  }
0x96: {  	v47 =	vmul.f32 $2.500000000e+01, v45;
	v48 =	vshll.u32 v20, $0x6;
	v13 =	vadd.s32 v46, v13  }
0x97: {  	v49 =	vadd.s32 v48, v41;
	[tilespmem:s24+$0x2050] =	vst v13  }
0x98: {  	(xrf1) =	vunique.msk.u32 $0xffff, v49;
	v15 =	vtrunc.f32 v47;
	v50 =	vld.idx.msk [tilespmem:v42+s10+$0x0], $0xffff  }
0x99: {  	v15 =	vcvt.f32.s32 v15;
	v14 =	vld.idx.msk [tilespmem:v44+s10+$0x0], $0xffff;
	_ =	sdelay $0x1  }
0x9a: {  	vm4 =	vgt.s32 v15, $0x0  }
0x9b: {  	v15 =	vnsel vm4, $0x0, v15  }
0x9c: {  	v15 =	vmin.u32 v15, $0x31;
	vm5 =	vge.f32 v50, v11  }
0x9d: {  	v51 =	vadd.s32 $0x1, v15;
	vm6 =	vlt.f32 v14, v11;
	v11 =	vsel vm5, $0xFFFFFFFF, v8  }
0x9e: {  	v52 =	vsel vm6, $0x1, v8;
	v11 =	vadd.s32 v11, v42  }
0x9f: {  	v11 =	vadd.s32 v52, v11  }
0xa0: {  	[tilespmem:s24+$0x2060] =	vst v11  }
0xa1: {  	v53 =	vmov s23;
	v11 =	vld.idx.msk [tilespmem:v15+s10+$0x0], $0xffff  }
0xa2: {  	v54 =	vshll.u32 v53, $0xC;
	v17 =	vshll.u32 v49, $0x3;
	v14 =	vld.idx.msk [tilespmem:v51+s10+$0x0], $0xffff  }
0xa3: {  	v17 =	vand.u32 $0xFFFFFC00, v17;
	v16 =	vand.u32 $0x8000, v54  }
0xa4: {  	v12 =	vshll.u32 v53, $0x7;
	v17 =	vadd.s32 v16, v17;
	v13 =	vand.u32 $0x7F, v49  }
0xa5: {  	v12 =	vand.u32 $0x380, v12;
	_, v55, vm7 =	vpop (xrf1);
	v13 =	vor.u32 v13, v17  }
0xa6: {  	vm8 =	vge.f32 v11, v10;
	v11 =	vor.u32 v12, v13  }
0xa7: {  	vm9 =	vlt.f32 v14, v10;
	v56 =	vsel vm8, $0xFFFFFFFF, v8  }
0xa8: {  	v10 =	vsel vm9, $0x1, v8;
	v13 =	vadd.s32 v56, v15  }
0xa9: {  	v57 =	vcvt.s32.f32 v55;
	v10 =	vadd.s32 v10, v13  }
0xaa: {  	[tilespmem:s24+$0x2070] =	vst v10  }
0xab: {  	[tilespmem:v11+s12+$0x0] =	vst.idx.add.f32.msk vm7, v57  }
0xac: {  	v10 =	vld [tilespmem:s24+$0x2010]  }
0xad: {  	v11 =	vld [tilespmem:s24+$0x2011];
	_ =	sdelay $0x3  }
0xae: {  	v10 =	vshll.u32 v10, $0x6  }
0xaf: {  	v10 =	vadd.s32 v11, v10  }
0xb0: {  	(xrf1) =	vunique.msk.u32 $0xffff, v10;
	_ =	sdelay $0xa  }
0xb1: {  	v11 =	vshll.u32 v10, $0x3  }
0xb2: {  	v11 =	vand.u32 $0xFFFFFC00, v11  }
0xb3: {  	v10 =	vand.u32 $0x7F, v10;
	v11 =	vadd.s32 v16, v11  }
0xb4: {  	v10 =	vor.u32 v10, v11;
	_, v13, vm0 =	vpop (xrf1)  }
0xb5: {  	v10 =	vor.u32 v12, v10;
	_ =	sdelay $0x2  }
0xb6: {  	v11 =	vcvt.s32.f32 v13;
	_ =	sdelay $0x1  }
0xb7: {  	[tilespmem:v10+s12+$0x0] =	vst.idx.add.f32.msk vm0, v11  }
0xb8: {  	v10 =	vld [tilespmem:s24+$0x2020]  }
0xb9: {  	v11 =	vld [tilespmem:s24+$0x2021];
	_ =	sdelay $0x3  }
0xba: {  	v10 =	vshll.u32 v10, $0x6  }
0xbb: {  	v10 =	vadd.s32 v11, v10  }
0xbc: {  	(xrf1) =	vunique.msk.u32 $0xffff, v10;
	_ =	sdelay $0xa  }
0xbd: {  	v11 =	vshll.u32 v10, $0x3  }
0xbe: {  	v11 =	vand.u32 $0xFFFFFC00, v11  }
0xbf: {  	v10 =	vand.u32 $0x7F, v10;
	v11 =	vadd.s32 v16, v11  }
0xc0: {  	v10 =	vor.u32 v10, v11;
	_, v58, vm10 =	vpop (xrf1)  }
0xc1: {  	v10 =	vor.u32 v12, v10;
	_ =	sdelay $0x2  }
0xc2: {  	v11 =	vcvt.s32.f32 v58;
	_ =	sdelay $0x1  }
0xc3: {  	[tilespmem:v10+s12+$0x0] =	vst.idx.add.f32.msk vm10, v11  }
0xc4: {  	v10 =	vld [tilespmem:s24+$0x2030]  }
0xc5: {  	v11 =	vld [tilespmem:s24+$0x2031];
	_ =	sdelay $0x3  }
0xc6: {  	v10 =	vshll.u32 v10, $0x6  }
0xc7: {  	v10 =	vadd.s32 v11, v10  }
0xc8: {  	(xrf1) =	vunique.msk.u32 $0xffff, v10;
	_ =	sdelay $0xa  }
0xc9: {  	v11 =	vshll.u32 v10, $0x3  }
0xca: {  	v11 =	vand.u32 $0xFFFFFC00, v11  }
0xcb: {  	v10 =	vand.u32 $0x7F, v10;
	v11 =	vadd.s32 v16, v11  }
0xcc: {  	v10 =	vor.u32 v10, v11;
	_, v59, vm11 =	vpop (xrf1)  }
0xcd: {  	v10 =	vor.u32 v12, v10;
	_ =	sdelay $0x2  }
0xce: {  	v11 =	vcvt.s32.f32 v59;
	_ =	sdelay $0x1  }
0xcf: {  	[tilespmem:v10+s12+$0x0] =	vst.idx.add.f32.msk vm11, v11  }
0xd0: {  	v10 =	vld [tilespmem:s24+$0x2040]  }
0xd1: {  	v11 =	vld [tilespmem:s24+$0x2041];
	_ =	sdelay $0x3  }
0xd2: {  	v10 =	vshll.u32 v10, $0x6  }
0xd3: {  	v10 =	vadd.s32 v11, v10  }
0xd4: {  	(xrf1) =	vunique.msk.u32 $0xffff, v10;
	_ =	sdelay $0xa  }
0xd5: {  	v11 =	vshll.u32 v10, $0x3  }
0xd6: {  	v11 =	vand.u32 $0xFFFFFC00, v11  }
0xd7: {  	v10 =	vand.u32 $0x7F, v10;
	v11 =	vadd.s32 v16, v11  }
0xd8: {  	v10 =	vor.u32 v10, v11;
	_, v60, vm12 =	vpop (xrf1)  }
0xd9: {  	v10 =	vor.u32 v12, v10;
	_ =	sdelay $0x2  }
0xda: {  	v11 =	vcvt.s32.f32 v60;
	_ =	sdelay $0x1  }
0xdb: {  	[tilespmem:v10+s12+$0x0] =	vst.idx.add.f32.msk vm12, v11  }
0xdc: {  	v10 =	vld [tilespmem:s24+$0x2050]  }
0xdd: {  	v11 =	vld [tilespmem:s24+$0x2051];
	_ =	sdelay $0x3  }
0xde: {  	v10 =	vshll.u32 v10, $0x6  }
0xdf: {  	v10 =	vadd.s32 v11, v10  }
0xe0: {  	(xrf1) =	vunique.msk.u32 $0xffff, v10;
	_ =	sdelay $0xa  }
0xe1: {  	v11 =	vshll.u32 v10, $0x3  }
0xe2: {  	v11 =	vand.u32 $0xFFFFFC00, v11  }
0xe3: {  	v10 =	vand.u32 $0x7F, v10;
	v11 =	vadd.s32 v16, v11  }
0xe4: {  	v10 =	vor.u32 v10, v11;
	_, v61, vm13 =	vpop (xrf1)  }
0xe5: {  	v10 =	vor.u32 v12, v10;
	_ =	sdelay $0x2  }
0xe6: {  	v11 =	vcvt.s32.f32 v61;
	_ =	sdelay $0x1  }
0xe7: {  	[tilespmem:v10+s12+$0x0] =	vst.idx.add.f32.msk vm13, v11  }
0xe8: {  	v10 =	vld [tilespmem:s24+$0x2060]  }
0xe9: {  	v11 =	vld [tilespmem:s24+$0x2061];
	_ =	sdelay $0x3  }
0xea: {  	v10 =	vshll.u32 v10, $0x6  }
0xeb: {  	v10 =	vadd.s32 v11, v10  }
0xec: {  	(xrf1) =	vunique.msk.u32 $0xffff, v10;
	_ =	sdelay $0xa  }
0xed: {  	v11 =	vshll.u32 v10, $0x3  }
0xee: {  	v11 =	vand.u32 $0xFFFFFC00, v11  }
0xef: {  	v10 =	vand.u32 $0x7F, v10;
	v11 =	vadd.s32 v16, v11  }
0xf0: {  	v10 =	vor.u32 v10, v11;
	_, v62, vm14 =	vpop (xrf1)  }
0xf1: {  	v10 =	vor.u32 v12, v10;
	_ =	sdelay $0x2  }
0xf2: {  	v11 =	vcvt.s32.f32 v62;
	_ =	sdelay $0x1  }
0xf3: {  	[tilespmem:v10+s12+$0x0] =	vst.idx.add.f32.msk vm14, v11  }
0xf4: {  	v10 =	vld [tilespmem:s24+$0x2070]  }
0xf5: {  	v11 =	vld [tilespmem:s24+$0x2071];
	_ =	sdelay $0x3  }
0xf6: {  	v10 =	vshll.u32 v10, $0x6  }
0xf7: {  	v10 =	vadd.s32 v11, v10  }
0xf8: {  	(xrf1) =	vunique.msk.u32 $0x7fff, v10;
	_ =	sdelay $0xa  }
0xf9: {  	v11 =	vshll.u32 v10, $0x3  }
0xfa: {  	v11 =	vand.u32 $0xFFFFFC00, v11  }
0xfb: {  	v10 =	vand.u32 $0x7F, v10;
	v11 =	vadd.s32 v16, v11  }
0xfc: {  	v10 =	vor.u32 v10, v11;
	_, v63, vm15 =	vpop (xrf1)  }
0xfd: {  	p0 =	sne.s32 s23, $0xF;
	v10 =	vor.u32 v12, v10  }
.Ltmp0:
0xfe: {  	_ = 	snop;
	(pc) =	sbr.rel @p0 .LBB2_3-.Ltmp0, $4  }
0xff: {  	_ = 	snop  }
0x100: {  	v11 =	vcvt.s32.f32 v63  }
0x101: {  	s20 =	sadd.s32 $0x80, s20  }
0x102: {  	s22 =	sadd.s32 $0x100, s22;
	s21 =	sadd.s32 $0x80, s21;
	s23 =	sadd.s32 $0x1, s23;
	[tilespmem:v10+s12+$0x0] =	vst.idx.add.f32.msk vm15, v11  }
0x103: {  	s19 =	sadd.s32 s6, s19  }
0x104: {  	s19 =	sshll.u32 s19, $0x9  }
0x105: {  	s20 =	sadd.s32 s5, s19;
	s19 =	simm.s32 $0x0  }
0x106: {  	[hbm4b:s20+s19] =	stream.linear.scatter [tilespmem:s12], [sflag:$0x1], $0x10000, $0x38;
	[tilespmem:$0x16100] =	vst v63  }
0x107: {  	_ =	swait.ge [sflag:s11], $0x10000  }
0x108: {  	[sflag:s11] =	ssyncset.done $0x0  }
0x109: {  	s21 =	simm.s32 $0x0;
	s20 =	smov.u32 s17;
	[sflag:s11] =	ssyncadd.s32 $0xFFFF0000  }
.LBB2_5:
0x10a: {  	s22 =	sand.u32 $0x3800, s20;
	s23 =	sand.u32 $0x380, s19  }
0x10b: {  	s22 =	sor.u32 s23, s22  }
0x10c: {  	v10 =	vld [tilespmem:s22+$0x2000]  }
0x10d: {  	v11 =	vld [tilespmem:s22+$0x2001];
	_ =	sdelay $0x3  }
0x10e: {  	v10 =	vshll.u32 v10, $0x6  }
0x10f: {  	v12 =	vmov s21;
	v10 =	vadd.s32 v11, v10  }
0x110: {  	v11 =	vshll.u32 v12, $0xC;
	v13 =	vshll.u32 v10, $0x3  }
0x111: {  	v11 =	vand.u32 $0x8000, v11;
	v13 =	vand.u32 $0xFFFFFC00, v13  }
0x112: {  	v12 =	vshll.u32 v12, $0x7;
	v10 =	vand.u32 $0x7F, v10;
	v13 =	vadd.s32 v11, v13  }
0x113: {  	v12 =	vand.u32 $0x380, v12;
	v10 =	vor.u32 v10, v13  }
0x114: {  	v10 =	vor.u32 v12, v10;
	_ =	sdelay $0x4  }
0x115: {  	[tilespmem:v10+s12+$0x0] =	vst.idx.msk $0xffff, v9  }
0x116: {  	v10 =	vld [tilespmem:s22+$0x2010]  }
0x117: {  	v57 =	vld [tilespmem:s22+$0x2011];
	_ =	sdelay $0x3  }
0x118: {  	v10 =	vshll.u32 v10, $0x6  }
0x119: {  	v10 =	vadd.s32 v57, v10  }
0x11a: {  	v13 =	vshll.u32 v10, $0x3  }
0x11b: {  	v13 =	vand.u32 $0xFFFFFC00, v13  }
0x11c: {  	v10 =	vand.u32 $0x7F, v10;
	v13 =	vadd.s32 v11, v13  }
0x11d: {  	v10 =	vor.u32 v10, v13  }
0x11e: {  	v10 =	vor.u32 v12, v10;
	_ =	sdelay $0x4  }
0x11f: {  	[tilespmem:v10+s12+$0x0] =	vst.idx.msk $0xffff, v9  }
0x120: {  	v10 =	vld [tilespmem:s22+$0x2020]  }
0x121: {  	v58 =	vld [tilespmem:s22+$0x2021];
	_ =	sdelay $0x3  }
0x122: {  	v10 =	vshll.u32 v10, $0x6  }
0x123: {  	v10 =	vadd.s32 v58, v10  }
0x124: {  	v13 =	vshll.u32 v10, $0x3  }
0x125: {  	v13 =	vand.u32 $0xFFFFFC00, v13  }
0x126: {  	v10 =	vand.u32 $0x7F, v10;
	v13 =	vadd.s32 v11, v13  }
0x127: {  	v10 =	vor.u32 v10, v13  }
0x128: {  	v10 =	vor.u32 v12, v10;
	_ =	sdelay $0x4  }
0x129: {  	[tilespmem:v10+s12+$0x0] =	vst.idx.msk $0xffff, v9  }
0x12a: {  	v10 =	vld [tilespmem:s22+$0x2030]  }
0x12b: {  	v59 =	vld [tilespmem:s22+$0x2031];
	_ =	sdelay $0x3  }
0x12c: {  	v10 =	vshll.u32 v10, $0x6  }
0x12d: {  	v10 =	vadd.s32 v59, v10  }
0x12e: {  	v13 =	vshll.u32 v10, $0x3  }
0x12f: {  	v13 =	vand.u32 $0xFFFFFC00, v13  }
0x130: {  	v10 =	vand.u32 $0x7F, v10;
	v13 =	vadd.s32 v11, v13  }
0x131: {  	v10 =	vor.u32 v10, v13  }
0x132: {  	v10 =	vor.u32 v12, v10;
	_ =	sdelay $0x4  }
0x133: {  	[tilespmem:v10+s12+$0x0] =	vst.idx.msk $0xffff, v9  }
0x134: {  	v10 =	vld [tilespmem:s22+$0x2040]  }
0x135: {  	v60 =	vld [tilespmem:s22+$0x2041];
	_ =	sdelay $0x3  }
0x136: {  	v10 =	vshll.u32 v10, $0x6  }
0x137: {  	v10 =	vadd.s32 v60, v10  }
0x138: {  	v13 =	vshll.u32 v10, $0x3  }
0x139: {  	v13 =	vand.u32 $0xFFFFFC00, v13  }
0x13a: {  	v10 =	vand.u32 $0x7F, v10;
	v13 =	vadd.s32 v11, v13  }
0x13b: {  	v10 =	vor.u32 v10, v13  }
0x13c: {  	v10 =	vor.u32 v12, v10;
	_ =	sdelay $0x4  }
0x13d: {  	[tilespmem:v10+s12+$0x0] =	vst.idx.msk $0xffff, v9  }
0x13e: {  	v10 =	vld [tilespmem:s22+$0x2050]  }
0x13f: {  	v61 =	vld [tilespmem:s22+$0x2051];
	_ =	sdelay $0x3  }
0x140: {  	v10 =	vshll.u32 v10, $0x6  }
0x141: {  	v10 =	vadd.s32 v61, v10  }
0x142: {  	v13 =	vshll.u32 v10, $0x3  }
0x143: {  	v13 =	vand.u32 $0xFFFFFC00, v13  }
0x144: {  	v10 =	vand.u32 $0x7F, v10;
	v13 =	vadd.s32 v11, v13  }
0x145: {  	v10 =	vor.u32 v10, v13  }
0x146: {  	v10 =	vor.u32 v12, v10;
	_ =	sdelay $0x4  }
0x147: {  	[tilespmem:v10+s12+$0x0] =	vst.idx.msk $0xffff, v9  }
0x148: {  	v10 =	vld [tilespmem:s22+$0x2060]  }
0x149: {  	v62 =	vld [tilespmem:s22+$0x2061];
	_ =	sdelay $0x3  }
0x14a: {  	v10 =	vshll.u32 v10, $0x6  }
0x14b: {  	v10 =	vadd.s32 v62, v10  }
0x14c: {  	v13 =	vshll.u32 v10, $0x3  }
0x14d: {  	v13 =	vand.u32 $0xFFFFFC00, v13  }
0x14e: {  	v10 =	vand.u32 $0x7F, v10;
	v13 =	vadd.s32 v11, v13  }
0x14f: {  	v10 =	vor.u32 v10, v13  }
0x150: {  	v10 =	vor.u32 v12, v10;
	_ =	sdelay $0x4  }
0x151: {  	[tilespmem:v10+s12+$0x0] =	vst.idx.msk $0xffff, v9  }
0x152: {  	v10 =	vld [tilespmem:s22+$0x2070]  }
0x153: {  	v63 =	vld [tilespmem:s22+$0x2071];
	_ =	sdelay $0x3  }
0x154: {  	v10 =	vshll.u32 v10, $0x6  }
0x155: {  	v10 =	vadd.s32 v63, v10  }
0x156: {  	v13 =	vshll.u32 v10, $0x3  }
0x157: {  	v13 =	vand.u32 $0xFFFFFC00, v13  }
0x158: {  	v10 =	vand.u32 $0x7F, v10;
	v11 =	vadd.s32 v11, v13  }
0x159: {  	v10 =	vor.u32 v10, v11  }
0x15a: {  	p0 =	sne.s32 s21, $0xF;
	v10 =	vor.u32 v12, v10  }
.Ltmp1:
0x15b: {  	_ = 	snop;
	(pc) =	sbr.rel @p0 .LBB2_5-.Ltmp1, $2  }
0x15c: {  	_ =	sdelay $0x2  }
0x15d: {  	s19 =	sadd.s32 $0x80, s19;
	s20 =	sadd.s32 $0x100, s20;
	s21 =	sadd.s32 $0x1, s21;
	[tilespmem:v10+s12+$0x0] =	vst.idx.msk $0x7fff, v9  }
0x15e: {  	s18 =	sadd.s32 $0x1, s18  }
0x15f: {  	p0 =	sne.s32 s18, $0x4  }
.Ltmp2:
0x160: {  	_ = 	snop;
	(pc) =	sbr.rel @p0 .LBB2_2-.Ltmp2, $2  }
0x161: {  	_ =	sdelay $0x2  }
0x162: {  	s17 =	sadd.s32 $0x1000, s17;
	s16 =	sadd.s32 $0x800, s16  }
0x163: {  	s15 =	sadd.s32 $0x1, s15  }
0x164: {  	p0 =	sne.s32 s15, s9  }
.Ltmp3:
0x165: {  	_ = 	snop;
	(pc) =	sbr.rel @p0 .LBB2_1-.Ltmp3, $4  }
0x166: {  	[hbm4b:s8+s1] =	stream.linear.scatter [tilespmem:s14], [sflag:$0x1], $0x4000, $0x38;
	[tilespmem:$0x16100] =	vst v63  }
0x167: {  	_ =	swait.ge [sflag:s11], $0x4000  }
0x168: {  	[sflag:s11] =	ssyncset.done $0x0  }
0x169: {  	[sflag:s11] =	ssyncadd.s32 $0xFFFFC000  }
0x16a: {  	_ =	sfence.sel $0x180000  }
0x16b: {  	[bflag:$0x0] =	sbarrier.arrive $0xFFFF  }
0x16c: {  	p0 =	sne.s32 s3, $0x0;
	_ =	strace $0x90000047  }
0x16d: {  	s0 =	sadd.s32 @!p0 $0x100000, s0;
	[bflag:$0x2] =	sbarrier.arrive $0xFFFF  }
0x16e: {  	[sflag:s0] =	ssyncadd.tile.s32 @!p0 $0x1;
	_ =	shalt  }
.Lfunc_end2:
_tile_overlayer_lowered:
.L_overlay_start_2:
0x16f: {  	(tag) =	ssettag $0x2  }
0x170: {  	s0 =	rddreg [dreg:$0x0];
	s2 =	stileid.u32  }
0x171: {  	s1 =	rddreg [dreg:$0x1];
	p0 =	sne.s32 s2, $0x0  }
0x172: {  	s3 =	rddreg [dreg:$0x2];
	[bflag:$0x3] =	sbarrier.arrive $0xFFFF;
	s2 =	simm.s32 @!p0 $0x1C01  }
0x173: {  	[timem:s3], [sflag:s2] =	dma.local @!p0 [hbm:s0], s1  }
0x174: {  	s0 =	simm.s32 @!p0 $0x1  }
0x175: {  	_ =	swait.ge @!p0 [sflag:s0], s1  }
0x176: {  	s1 =	ssub.s32 @!p0 $0x0, s1;
	[sflag:s0] =	ssyncset.done @!p0 $0x0  }
0x177: {  	[sflag:s0] =	ssyncadd.s32 @!p0 s1  }
0x178: {  	[bflag:$0x3] =	sbarrier.arrive $0xFFFF  }
0x179: {  	_ =	shalt  }

</sc_bundles>
